<compile_context>
chip_gen: v7x
topology: tpu7x:2x2x1
jax: 0.10.2.dev20260603
libtpu: 0.0.44.dev20260713+nightly
codegen_flags: <defaults>
</compile_context>

<pallas_src>
import functools

import jax
import jax.numpy as jnp
from jax import lax
from jax.experimental import pallas as pl
from jax.experimental.pallas import tpu as pltpu
from jax.experimental.pallas import tpu_sc as plsc

B = 16
N = 32768
L = 32768
EPS = 1e-6

NC = 2
NS = 16
NW = NC * NS

TILES_PER_BATCH = NW // B
LPT = L // TILES_PER_BATCH
CHUNK = 512
NCHUNK = LPT // CHUNK
VECS = CHUNK // 16

IN_ROWS = 3 * B * (N // 128)
OUT_ROWS_HBM = B * 3 * (L // 128) * 4


def _newton_rsqrt(x, steps):
    i = plsc.bitcast(x, jnp.int32)
    i = jnp.int32(0x5F3759DF) - lax.shift_right_arithmetic(i, 1)
    y = plsc.bitcast(i, jnp.float32)
    for _ in range(steps):
        y = y * (jnp.float32(1.5) - jnp.float32(0.5) * x * y * y)
    return y


def _normalize(vx, vy, vz):
    n = vx * vx + vy * vy + vz * vz
    norm = n * _newton_rsqrt(n, 1)
    r = jnp.float32(1.0) / (norm + jnp.float32(EPS))
    return vx * r, vy * r, vz * r


_mesh = plsc.VectorSubcoreMesh(core_axis_name="c", subcore_axis_name="s")


@functools.partial(
    pl.kernel,
    mesh=_mesh,
    out_type=jax.ShapeDtypeStruct((OUT_ROWS_HBM, 128), jnp.float32),
    scratch_types=[
        pltpu.VMEM((3, 256, 128), jnp.float32),
        pltpu.VMEM((2, 12, 128), jnp.int32),
        pltpu.VMEM((2, 3, 16, 128), jnp.float32),
        pltpu.VMEM((6, 128), jnp.int32),
        pltpu.VMEM((2, 16), jnp.int32),
        pltpu.SemaphoreType.DMA,
        pltpu.SemaphoreType.DMA,
        pltpu.SemaphoreType.DMA,
    ],
    compiler_params=pltpu.CompilerParams(needs_layout_passes=False),
)
def _frames_kernel(points_hbm, trips_hbm, out_hbm, tab, trip_v, out_v,
                   idx_tab, idx_trip, sem_tab, sem_trip, sem_out):
    wid = lax.axis_index("s") * NC + lax.axis_index("c")
    b = wid // TILES_PER_BATCH
    half = wid % TILES_PER_BATCH
    tr = b // 8
    s = b % 8

    lane = lax.iota(jnp.int32, 16)

    plane_base = tr * 2048 + s
    for c in range(3):
        for h in range(2):
            for i in range(8):
                idx_tab[c * 2 + h, pl.ds(i * 16, 16)] = (
                    c * 4096 + plane_base + (h * 128 + i * 16 + lane) * 8
                )
    copies = []
    for c in range(3):
        for h in range(2):
            copies.append(
                pltpu.async_copy(
                    points_hbm.at[idx_tab.at[c * 2 + h]],
                    tab.at[c, pl.ds(h * 128, 128)],
                    sem_tab,
                )
            )

    def build_trip_idx(buf, ci):
        base2 = plane_base + (half * 128 + ci * 4) * 8
        bufv = jnp.broadcast_to(jnp.int32(buf), (16,))
        v0 = (
            base2
            + lax.shift_right_logical(lane, 2) * 4096
            + lax.bitwise_and(lane, jnp.int32(3)) * 8
        )
        plsc.store_scatter(idx_trip, [bufv, lane], v0, mask=lane < 12)

    def fire_trip(buf):
        return pltpu.async_copy(
            trips_hbm.at[idx_trip.at[buf, pl.ds(0, 12)]],
            trip_v.at[buf],
            sem_trip,
        )

    build_trip_idx(0, jnp.int32(0))
    fire_trip(0)
    for cp in copies:
        cp.wait()

    def do_chunk(ci, buf):
        trip_r = trip_v.at[buf]
        out_r = out_v.at[buf]
        tab0 = tab.at[0]
        tab1 = tab.at[1]
        tab2 = tab.at[2]
        pltpu.make_async_copy(
            trips_hbm.at[idx_trip.at[buf, pl.ds(0, 12)]], trip_r, sem_trip
        ).wait()
        nb = 1 - buf

        @pl.when(ci + 1 < NCHUNK)
        def _():
            build_trip_idx(nb, ci + 1)
            fire_trip(nb)

        @plsc.parallel_loop(0, VECS, unroll=4)
        def vec_body(vi):
            r8 = lax.shift_right_logical(vi, 3)
            c0 = lax.bitwise_and(vi, 7) * 16
            i0 = trip_r[r8, pl.ds(c0, 16)]
            i1 = trip_r[r8 + 4, pl.ds(c0, 16)]
            i2 = trip_r[r8 + 8, pl.ds(c0, 16)]
            p0, p1, p2 = i0, i1, i2
            p0r = lax.shift_right_logical(p0, 7)
            p0c = lax.bitwise_and(p0, jnp.int32(127))
            p1r = lax.shift_right_logical(p1, 7)
            p1c = lax.bitwise_and(p1, jnp.int32(127))
            p2r = lax.shift_right_logical(p2, 7)
            p2c = lax.bitwise_and(p2, jnp.int32(127))

            p0x = plsc.load_gather(tab0, [p0r, p0c])
            p0y = plsc.load_gather(tab1, [p0r, p0c])
            p0z = plsc.load_gather(tab2, [p0r, p0c])
            p1x = plsc.load_gather(tab0, [p1r, p1c])
            p1y = plsc.load_gather(tab1, [p1r, p1c])
            p1z = plsc.load_gather(tab2, [p1r, p1c])
            p2x = plsc.load_gather(tab0, [p2r, p2c])
            p2y = plsc.load_gather(tab1, [p2r, p2c])
            p2z = plsc.load_gather(tab2, [p2r, p2c])

            d10x = p1x - p0x
            d10y = p1y - p0y
            d10z = p1z - p0z
            d20x = p2x - p0x
            d20y = p2y - p0y
            d20z = p2z - p0z

            rb = r8 * 4
            out_r[0, rb, pl.ds(c0, 16)] = p0x
            out_r[1, rb, pl.ds(c0, 16)] = p0y
            out_r[2, rb, pl.ds(c0, 16)] = p0z

            eps = jnp.float32(EPS)
            ux, uy, uz = d10x, d10y, d10z + eps
            nu = ux * ux + uy * uy + uz * uz
            du = nu * _newton_rsqrt(nu, 1) + eps
            e2 = eps * du
            wx = uy * d20z - uz * d20y
            wy = uz * d20x - ux * d20z + e2
            wz = ux * d20y - uy * d20x
            nw = wx * wx + wy * wy + wz * wz
            dw = nw * _newton_rsqrt(nw, 1) + e2
            e3 = eps * dw * du
            vx = wy * uz - wz * uy + e3
            vy = wz * ux - wx * uz
            vz = wx * uy - wy * ux
            nv = vx * vx + vy * vy + vz * vz
            dv = nv * _newton_rsqrt(nv, 1) + e3
            rz = jnp.float32(1.0) / du
            ry = jnp.float32(1.0) / dw
            rx = jnp.float32(1.0) / dv
            zx, zy, zz = ux * rz, uy * rz, uz * rz
            yx, yy, yz = wx * ry, wy * ry, wz * ry
            xx, xy, xz = vx * rx, vy * rx, vz * rx

            out_r[0, rb + 1, pl.ds(c0, 16)] = xx
            out_r[1, rb + 1, pl.ds(c0, 16)] = xy
            out_r[2, rb + 1, pl.ds(c0, 16)] = xz
            out_r[0, rb + 2, pl.ds(c0, 16)] = yx
            out_r[1, rb + 2, pl.ds(c0, 16)] = yy
            out_r[2, rb + 2, pl.ds(c0, 16)] = yz
            out_r[0, rb + 3, pl.ds(c0, 16)] = zx
            out_r[1, rb + 3, pl.ds(c0, 16)] = zy
            out_r[2, rb + 3, pl.ds(c0, 16)] = zz

        for c in range(3):
            row0 = (b * 3 + c) * 1024 + (half * 128 + ci * 4) * 4
            pltpu.async_copy(
                out_r.at[c],
                out_hbm.at[pl.ds(pl.multiple_of(row0, 8), 16)],
                sem_out,
            )

    def g_body(g, carry):
        for b01 in (0, 1):
            ci = g * 2 + b01

            @pl.when(g >= 1)
            def _():
                for c in range(3):
                    pltpu.make_async_copy(
                        out_v.at[b01, c],
                        out_hbm.at[pl.ds(0, 16)],
                        sem_out,
                    ).wait()

            do_chunk(ci, b01)
        return carry

    lax.fori_loop(0, NCHUNK // 2, g_body, jnp.int32(0))

    for b01 in (0, 1):
        for c in range(3):
            pltpu.make_async_copy(
                out_v.at[b01, c], out_hbm.at[pl.ds(0, 16)], sem_out
            ).wait()


def kernel(points, triplets):
    pv = (
        points.transpose(2, 0, 1)
        .reshape(3, 2, 8, 256, 128)
        .transpose(0, 1, 3, 2, 4)
        .reshape(IN_ROWS, 128)
    )
    tv = (
        triplets.transpose(2, 0, 1)
        .reshape(3, 2, 8, 256, 128)
        .transpose(0, 1, 3, 2, 4)
        .reshape(IN_ROWS, 128)
    )
    out = _frames_kernel(pv, tv)
    return (
        out.reshape(B, 3, 256, 4, 128)
        .transpose(0, 2, 4, 3, 1)
        .reshape(B, L, 4, 3)
    )

# --- scband reference (transcript-rebuilt; emitter-appended) ---
"""Pipeline reference for scband-frame-builder-2482491097339 (READ-ONLY COPY).

The authoritative reference and input builder live on the scoring server;
editing this copy changes nothing except your own understanding.
"""

import jax, jax.numpy as jnp
import numpy as np

ORDER = '1'
DIPOLE = False
EPS = 1e-06


def setup_inputs(seed: int = 0) -> dict:
    key = jax.random.key(seed)
    k1, k2 = jax.random.split(key)
    points = jax.random.normal(k1, (16, 32768, 3), dtype=jnp.float32)
    triplets = jax.random.randint(k2, (16, 32768, 3), 0, 32768, dtype=jnp.int32)
    return {"points": points, "triplets": triplets}


def _gather_point(points, idx):
    # points: [B, N, 3], idx: [B, L] -> [B, L, 3]
    return jnp.take_along_axis(points, idx[:, :, None], axis=1)


def _build_frames(points, triplets):
    ex = jnp.array([1.0, 0.0, 0.0], dtype=points.dtype)
    ey = jnp.array([0.0, 1.0, 0.0], dtype=points.dtype)
    ez = jnp.array([0.0, 0.0, 1.0], dtype=points.dtype)
    p0 = _gather_point(points, triplets[:, :, 0])
    p1 = _gather_point(points, triplets[:, :, 1])
    p2 = _gather_point(points, triplets[:, :, 2])
    delta_10 = p1 - p0
    delta_20 = p2 - p0
    if ORDER in ('2', '3'):
        delta_10, delta_20 = delta_20, delta_10
    centers = p0
    zaxis = delta_10 + EPS * ez
    zaxis = zaxis / (jnp.linalg.norm(zaxis, axis=-1, keepdims=True) + EPS)
    yaxis = jnp.cross(zaxis, delta_20)
    yaxis = yaxis + EPS * ey
    yaxis = yaxis / (jnp.linalg.norm(yaxis, axis=-1, keepdims=True) + EPS)
    xaxis = jnp.cross(yaxis, zaxis)
    xaxis = xaxis + EPS * ex
    xaxis = xaxis / (jnp.linalg.norm(xaxis, axis=-1, keepdims=True) + EPS)
    if ORDER == '3':
        xaxis, yaxis, zaxis = zaxis, xaxis, yaxis
    if DIPOLE:
        pd = _gather_point(points, triplets[:, :, 3])
        dip = pd - p0 + EPS * ez
        dip = dip / (jnp.linalg.norm(dip, axis=-1, keepdims=True) + EPS)
        frames = jnp.stack([centers, xaxis, yaxis, zaxis, dip], axis=-2)
    else:
        frames = jnp.stack([centers, xaxis, yaxis, zaxis], axis=-2)
    return frames


def reference(points, triplets):
    triplets = jnp.clip(triplets, 0, points.shape[1] - 1)
    return _build_frames(points, triplets)

if __name__ == "__main__":
    import jax
    _d = setup_inputs()
    print(jax.jit(kernel)(*tuple(_d.values())))

</pallas_src>

<mosaic_0001>
#map = affine_map<(d0, d1) -> (0, 0)>
module attributes {stable_mosaic.version = 14 : i64} {
  func.func @_frames_kernel(%arg0: i32, %arg1: i32, %arg2: memref<12288x128xf32, #tpu.memory_space<hbm>>, %arg3: memref<12288x128xi32, #tpu.memory_space<hbm>>, %arg4: memref<49152x128xf32, #tpu.memory_space<hbm>>, %arg5: memref<3x256x128xf32, #tpu.memory_space<vmem>>, %arg6: memref<2x12x128xi32, #tpu.memory_space<vmem>>, %arg7: memref<2x3x16x128xf32, #tpu.memory_space<vmem>>, %arg8: memref<6x128xi32, #tpu.memory_space<vmem>>, %arg9: memref<2x16xi32, #tpu.memory_space<vmem>>, %arg10: memref<!tpu.dma_semaphore, #tpu.memory_space<semaphore_mem>>, %arg11: memref<!tpu.dma_semaphore, #tpu.memory_space<semaphore_mem>>, %arg12: memref<!tpu.dma_semaphore, #tpu.memory_space<semaphore_mem>>) attributes {dimension_semantics = [#tpu.dimension_semantics<core_parallel>, #tpu.dimension_semantics<subcore_parallel>], iteration_bounds = array<i64: 2, 16>, scalar_prefetch = 0 : i64, scratch_operands = 8 : i64, tpu.core_type = #tpu.core_type<sc_vector_subcore>, window_params = [{transform_indices = #map}, {transform_indices = #map}, {transform_indices = #map}]} {
    %mul3A = arith.constant 2 : i32
    %mul3A_0 = arith.muli %arg1, %mul3A : i32
    %add3A = arith.addi %mul3A_0, %arg0 : i32
    %jit3A = arith.constant 2 : i32
    %div3A = arith.divsi %add3A, %jit3A : i32
    %sign3A = arith.constant 0 : i32
    %sign3A_1 = arith.cmpi sgt, %add3A, %sign3A : i32
    %sign3A_2 = arith.extui %sign3A_1 : i1 to i32
    %sign3A_3 = arith.constant 0 : i32
    %sign3A_4 = arith.cmpi slt, %add3A, %sign3A_3 : i32
    %sign3A_5 = arith.extui %sign3A_4 : i1 to i32
    %sign3A_6 = arith.subi %sign3A_2, %sign3A_5 : i32
    %sign3A_7 = arith.constant 0 : i32
    %sign3A_8 = arith.cmpi sgt, %jit3A, %sign3A_7 : i32
    %sign3A_9 = arith.extui %sign3A_8 : i1 to i32
    %sign3A_10 = arith.constant 0 : i32
    %sign3A_11 = arith.cmpi slt, %jit3A, %sign3A_10 : i32
    %sign3A_12 = arith.extui %sign3A_11 : i1 to i32
    %sign3A_13 = arith.subi %sign3A_9, %sign3A_12 : i32
    %ne3A = arith.cmpi ne, %sign3A_6, %sign3A_13 : i32
    %rem3A = arith.remsi %add3A, %jit3A : i32
    %ne3A_14 = arith.constant 0 : i32
    %ne3A_15 = arith.cmpi ne, %rem3A, %ne3A_14 : i32
    %and3A = arith.andi %ne3A, %ne3A_15 : i1
    %sub3A = arith.constant 1 : i32
    %sub3A_16 = arith.subi %div3A, %sub3A : i32
    %select_n3A = arith.select %and3A, %sub3A_16, %div3A : i32
    %jit3A_17 = arith.constant 2 : i32
    %eq3A = arith.constant 0 : i32
    %eq3A_18 = arith.cmpi eq, %jit3A_17, %eq3A : i32
    %jit3A_19 = arith.constant 1 : i32
    %select_n3A_20 = arith.select %eq3A_18, %jit3A_19, %jit3A_17 : i32
    %rem3A_21 = arith.remsi %add3A, %select_n3A_20 : i32
    %ne3A_22 = arith.constant 0 : i32
    %ne3A_23 = arith.cmpi ne, %rem3A_21, %ne3A_22 : i32
    %lt3A = arith.constant 0 : i32
    %lt3A_24 = arith.cmpi slt, %rem3A_21, %lt3A : i32
    %lt3A_25 = arith.constant 0 : i32
    %lt3A_26 = arith.cmpi slt, %select_n3A_20, %lt3A_25 : i32
    %ne3A_27 = arith.xori %lt3A_24, %lt3A_26 : i1
    %and3A_28 = arith.andi %ne3A_27, %ne3A_23 : i1
    %add3A_29 = arith.addi %rem3A_21, %select_n3A_20 : i32
    %select_n3A_30 = arith.select %and3A_28, %add3A_29, %rem3A_21 : i32
    %jit3A_31 = arith.constant 8 : i32
    %div3A_32 = arith.divsi %select_n3A, %jit3A_31 : i32
    %sign3A_33 = arith.constant 0 : i32
    %sign3A_34 = arith.cmpi sgt, %select_n3A, %sign3A_33 : i32
    %sign3A_35 = arith.extui %sign3A_34 : i1 to i32
    %sign3A_36 = arith.constant 0 : i32
    %sign3A_37 = arith.cmpi slt, %select_n3A, %sign3A_36 : i32
    %sign3A_38 = arith.extui %sign3A_37 : i1 to i32
    %sign3A_39 = arith.subi %sign3A_35, %sign3A_38 : i32
    %sign3A_40 = arith.constant 0 : i32
    %sign3A_41 = arith.cmpi sgt, %jit3A_31, %sign3A_40 : i32
    %sign3A_42 = arith.extui %sign3A_41 : i1 to i32
    %sign3A_43 = arith.constant 0 : i32
    %sign3A_44 = arith.cmpi slt, %jit3A_31, %sign3A_43 : i32
    %sign3A_45 = arith.extui %sign3A_44 : i1 to i32
    %sign3A_46 = arith.subi %sign3A_42, %sign3A_45 : i32
    %ne3A_47 = arith.cmpi ne, %sign3A_39, %sign3A_46 : i32
    %rem3A_48 = arith.remsi %select_n3A, %jit3A_31 : i32
    %ne3A_49 = arith.constant 0 : i32
    %ne3A_50 = arith.cmpi ne, %rem3A_48, %ne3A_49 : i32
    %and3A_51 = arith.andi %ne3A_47, %ne3A_50 : i1
    %sub3A_52 = arith.constant 1 : i32
    %sub3A_53 = arith.subi %div3A_32, %sub3A_52 : i32
    %select_n3A_54 = arith.select %and3A_51, %sub3A_53, %div3A_32 : i32
    %jit3A_55 = arith.constant 8 : i32
    %eq3A_56 = arith.constant 0 : i32
    %eq3A_57 = arith.cmpi eq, %jit3A_55, %eq3A_56 : i32
    %jit3A_58 = arith.constant 1 : i32
    %select_n3A_59 = arith.select %eq3A_57, %jit3A_58, %jit3A_55 : i32
    %rem3A_60 = arith.remsi %select_n3A, %select_n3A_59 : i32
    %ne3A_61 = arith.constant 0 : i32
    %ne3A_62 = arith.cmpi ne, %rem3A_60, %ne3A_61 : i32
    %lt3A_63 = arith.constant 0 : i32
    %lt3A_64 = arith.cmpi slt, %rem3A_60, %lt3A_63 : i32
    %lt3A_65 = arith.constant 0 : i32
    %lt3A_66 = arith.cmpi slt, %select_n3A_59, %lt3A_65 : i32
    %ne3A_67 = arith.xori %lt3A_64, %lt3A_66 : i1
    %and3A_68 = arith.andi %ne3A_67, %ne3A_62 : i1
    %add3A_69 = arith.addi %rem3A_60, %select_n3A_59 : i32
    %select_n3A_70 = arith.select %and3A_68, %add3A_69, %rem3A_60 : i32
    %iota3A = tpu.iota {dimensions = array<i32: 0>} : vector<16xi32>
    %mul3A_71 = arith.constant 2048 : i32
    %mul3A_72 = arith.muli %select_n3A_54, %mul3A_71 : i32
    %add3A_73 = arith.addi %mul3A_72, %select_n3A_70 : i32
    %add3A_74 = arith.constant 0 : i32
    %add3A_75 = arith.addi %add3A_74, %add3A_73 : i32
    %add3A_76 = arith.constant 0 : i32
    %add3A_77 = vector.broadcast %add3A_76 : i32 to vector<16xi32>
    %add3A_78 = arith.addi %add3A_77, %iota3A : vector<16xi32>
    %mul3A_79 = arith.constant 8 : i32
    %mul3A_80 = vector.broadcast %mul3A_79 : i32 to vector<16xi32>
    %mul3A_81 = arith.muli %add3A_78, %mul3A_80 : vector<16xi32>
    %add3A_82 = vector.broadcast %add3A_75 : i32 to vector<16xi32>
    %add3A_83 = arith.addi %add3A_82, %mul3A_81 : vector<16xi32>
    %swap3A = arith.constant 0 : i32
    %swap3A_84 = arith.index_cast %swap3A : i32 to index
    %swap3A_85 = arith.constant 0 : index
    %swap3A_86 = tpu.vector_load %arg8[%swap3A_84, %swap3A_85] {strides = array<i32>} : memref<6x128xi32, #tpu.memory_space<vmem>>, vector<16xi32>,
    tpu.vector_store %arg8[%swap3A_84, %swap3A_85], %add3A_83 {strides = array<i32>} : memref<6x128xi32, #tpu.memory_space<vmem>>, vector<16xi32>,
    %add3A_87 = arith.constant 0 : i32
    %add3A_88 = arith.addi %add3A_87, %add3A_73 : i32
    %add3A_89 = arith.constant 16 : i32
    %add3A_90 = vector.broadcast %add3A_89 : i32 to vector<16xi32>
    %add3A_91 = arith.addi %add3A_90, %iota3A : vector<16xi32>
    %mul3A_92 = arith.constant 8 : i32
    %mul3A_93 = vector.broadcast %mul3A_92 : i32 to vector<16xi32>
    %mul3A_94 = arith.muli %add3A_91, %mul3A_93 : vector<16xi32>
    %add3A_95 = vector.broadcast %add3A_88 : i32 to vector<16xi32>
    %add3A_96 = arith.addi %add3A_95, %mul3A_94 : vector<16xi32>
    %swap3A_97 = arith.constant 0 : i32
    %swap3A_98 = arith.index_cast %swap3A_97 : i32 to index
    %swap3A_99 = arith.constant 16 : index
    %swap3A_100 = tpu.vector_load %arg8[%swap3A_98, %swap3A_99] {strides = array<i32>} : memref<6x128xi32, #tpu.memory_space<vmem>>, vector<16xi32>,
    tpu.vector_store %arg8[%swap3A_98, %swap3A_99], %add3A_96 {strides = array<i32>} : memref<6x128xi32, #tpu.memory_space<vmem>>, vector<16xi32>,
    %add3A_101 = arith.constant 0 : i32
    %add3A_102 = arith.addi %add3A_101, %add3A_73 : i32
    %add3A_103 = arith.constant 32 : i32
    %add3A_104 = vector.broadcast %add3A_103 : i32 to vector<16xi32>
    %add3A_105 = arith.addi %add3A_104, %iota3A : vector<16xi32>
    %mul3A_106 = arith.constant 8 : i32
    %mul3A_107 = vector.broadcast %mul3A_106 : i32 to vector<16xi32>
    %mul3A_108 = arith.muli %add3A_105, %mul3A_107 : vector<16xi32>
    %add3A_109 = vector.broadcast %add3A_102 : i32 to vector<16xi32>
    %add3A_110 = arith.addi %add3A_109, %mul3A_108 : vector<16xi32>
    %swap3A_111 = arith.constant 0 : i32
    %swap3A_112 = arith.index_cast %swap3A_111 : i32 to index
    %swap3A_113 = arith.constant 32 : index
    %swap3A_114 = tpu.vector_load %arg8[%swap3A_112, %swap3A_113] {strides = array<i32>} : memref<6x128xi32, #tpu.memory_space<vmem>>, vector<16xi32>,
    tpu.vector_store %arg8[%swap3A_112, %swap3A_113], %add3A_110 {strides = array<i32>} : memref<6x128xi32, #tpu.memory_space<vmem>>, vector<16xi32>,
    %add3A_115 = arith.constant 0 : i32
    %add3A_116 = arith.addi %add3A_115, %add3A_73 : i32
    %add3A_117 = arith.constant 48 : i32
    %add3A_118 = vector.broadcast %add3A_117 : i32 to vector<16xi32>
    %add3A_119 = arith.addi %add3A_118, %iota3A : vector<16xi32>
    %mul3A_120 = arith.constant 8 : i32
    %mul3A_121 = vector.broadcast %mul3A_120 : i32 to vector<16xi32>
    %mul3A_122 = arith.muli %add3A_119, %mul3A_121 : vector<16xi32>
    %add3A_123 = vector.broadcast %add3A_116 : i32 to vector<16xi32>
    %add3A_124 = arith.addi %add3A_123, %mul3A_122 : vector<16xi32>
    %swap3A_125 = arith.constant 0 : i32
    %swap3A_126 = arith.index_cast %swap3A_125 : i32 to index
    %swap3A_127 = arith.constant 48 : index
    %swap3A_128 = tpu.vector_load %arg8[%swap3A_126, %swap3A_127] {strides = array<i32>} : memref<6x128xi32, #tpu.memory_space<vmem>>, vector<16xi32>,
    tpu.vector_store %arg8[%swap3A_126, %swap3A_127], %add3A_124 {strides = array<i32>} : memref<6x128xi32, #tpu.memory_space<vmem>>, vector<16xi32>,
    %add3A_129 = arith.constant 0 : i32
    %add3A_130 = arith.addi %add3A_129, %add3A_73 : i32
    %add3A_131 = arith.constant 64 : i32
    %add3A_132 = vector.broadcast %add3A_131 : i32 to vector<16xi32>
    %add3A_133 = arith.addi %add3A_132, %iota3A : vector<16xi32>
    %mul3A_134 = arith.constant 8 : i32
    %mul3A_135 = vector.broadcast %mul3A_134 : i32 to vector<16xi32>
    %mul3A_136 = arith.muli %add3A_133, %mul3A_135 : vector<16xi32>
    %add3A_137 = vector.broadcast %add3A_130 : i32 to vector<16xi32>
    %add3A_138 = arith.addi %add3A_137, %mul3A_136 : vector<16xi32>
    %swap3A_139 = arith.constant 0 : i32
    %swap3A_140 = arith.index_cast %swap3A_139 : i32 to index
    %swap3A_141 = arith.constant 64 : index
    %swap3A_142 = tpu.vector_load %arg8[%swap3A_140, %swap3A_141] {strides = array<i32>} : memref<6x128xi32, #tpu.memory_space<vmem>>, vector<16xi32>,
    tpu.vector_store %arg8[%swap3A_140, %swap3A_141], %add3A_138 {strides = array<i32>} : memref<6x128xi32, #tpu.memory_space<vmem>>, vector<16xi32>,
    %add3A_143 = arith.constant 0 : i32
    %add3A_144 = arith.addi %add3A_143, %add3A_73 : i32
    %add3A_145 = arith.constant 80 : i32
    %add3A_146 = vector.broadcast %add3A_145 : i32 to vector<16xi32>
    %add3A_147 = arith.addi %add3A_146, %iota3A : vector<16xi32>
    %mul3A_148 = arith.constant 8 : i32
    %mul3A_149 = vector.broadcast %mul3A_148 : i32 to vector<16xi32>
    %mul3A_150 = arith.muli %add3A_147, %mul3A_149 : vector<16xi32>
    %add3A_151 = vector.broadcast %add3A_144 : i32 to vector<16xi32>
    %add3A_152 = arith.addi %add3A_151, %mul3A_150 : vector<16xi32>
    %swap3A_153 = arith.constant 0 : i32
    %swap3A_154 = arith.index_cast %swap3A_153 : i32 to index
    %swap3A_155 = arith.constant 80 : index
    %swap3A_156 = tpu.vector_load %arg8[%swap3A_154, %swap3A_155] {strides = array<i32>} : memref<6x128xi32, #tpu.memory_space<vmem>>, vector<16xi32>,
    tpu.vector_store %arg8[%swap3A_154, %swap3A_155], %add3A_152 {strides = array<i32>} : memref<6x128xi32, #tpu.memory_space<vmem>>, vector<16xi32>,
    %add3A_157 = arith.constant 0 : i32
    %add3A_158 = arith.addi %add3A_157, %add3A_73 : i32
    %add3A_159 = arith.constant 96 : i32
    %add3A_160 = vector.broadcast %add3A_159 : i32 to vector<16xi32>
    %add3A_161 = arith.addi %add3A_160, %iota3A : vector<16xi32>
    %mul3A_162 = arith.constant 8 : i32
    %mul3A_163 = vector.broadcast %mul3A_162 : i32 to vector<16xi32>
    %mul3A_164 = arith.muli %add3A_161, %mul3A_163 : vector<16xi32>
    %add3A_165 = vector.broadcast %add3A_158 : i32 to vector<16xi32>
    %add3A_166 = arith.addi %add3A_165, %mul3A_164 : vector<16xi32>
    %swap3A_167 = arith.constant 0 : i32
    %swap3A_168 = arith.index_cast %swap3A_167 : i32 to index
    %swap3A_169 = arith.constant 96 : index
    %swap3A_170 = tpu.vector_load %arg8[%swap3A_168, %swap3A_169] {strides = array<i32>} : memref<6x128xi32, #tpu.memory_space<vmem>>, vector<16xi32>,
    tpu.vector_store %arg8[%swap3A_168, %swap3A_169], %add3A_166 {strides = array<i32>} : memref<6x128xi32, #tpu.memory_space<vmem>>, vector<16xi32>,
    %add3A_171 = arith.constant 0 : i32
    %add3A_172 = arith.addi %add3A_171, %add3A_73 : i32
    %add3A_173 = arith.constant 112 : i32
    %add3A_174 = vector.broadcast %add3A_173 : i32 to vector<16xi32>
    %add3A_175 = arith.addi %add3A_174, %iota3A : vector<16xi32>
    %mul3A_176 = arith.constant 8 : i32
    %mul3A_177 = vector.broadcast %mul3A_176 : i32 to vector<16xi32>
    %mul3A_178 = arith.muli %add3A_175, %mul3A_177 : vector<16xi32>
    %add3A_179 = vector.broadcast %add3A_172 : i32 to vector<16xi32>
    %add3A_180 = arith.addi %add3A_179, %mul3A_178 : vector<16xi32>
    %swap3A_181 = arith.constant 0 : i32
    %swap3A_182 = arith.index_cast %swap3A_181 : i32 to index
    %swap3A_183 = arith.constant 112 : index
    %swap3A_184 = tpu.vector_load %arg8[%swap3A_182, %swap3A_183] {strides = array<i32>} : memref<6x128xi32, #tpu.memory_space<vmem>>, vector<16xi32>,
    tpu.vector_store %arg8[%swap3A_182, %swap3A_183], %add3A_180 {strides = array<i32>} : memref<6x128xi32, #tpu.memory_space<vmem>>, vector<16xi32>,
    %add3A_185 = arith.constant 0 : i32
    %add3A_186 = arith.addi %add3A_185, %add3A_73 : i32
    %add3A_187 = arith.constant 128 : i32
    %add3A_188 = vector.broadcast %add3A_187 : i32 to vector<16xi32>
    %add3A_189 = arith.addi %add3A_188, %iota3A : vector<16xi32>
    %mul3A_190 = arith.constant 8 : i32
    %mul3A_191 = vector.broadcast %mul3A_190 : i32 to vector<16xi32>
    %mul3A_192 = arith.muli %add3A_189, %mul3A_191 : vector<16xi32>
    %add3A_193 = vector.broadcast %add3A_186 : i32 to vector<16xi32>
    %add3A_194 = arith.addi %add3A_193, %mul3A_192 : vector<16xi32>
    %swap3A_195 = arith.constant 1 : i32
    %swap3A_196 = arith.index_cast %swap3A_195 : i32 to index
    %swap3A_197 = arith.constant 0 : index
    %swap3A_198 = tpu.vector_load %arg8[%swap3A_196, %swap3A_197] {strides = array<i32>} : memref<6x128xi32, #tpu.memory_space<vmem>>, vector<16xi32>,
    tpu.vector_store %arg8[%swap3A_196, %swap3A_197], %add3A_194 {strides = array<i32>} : memref<6x128xi32, #tpu.memory_space<vmem>>, vector<16xi32>,
    %add3A_199 = arith.constant 0 : i32
    %add3A_200 = arith.addi %add3A_199, %add3A_73 : i32
    %add3A_201 = arith.constant 144 : i32
    %add3A_202 = vector.broadcast %add3A_201 : i32 to vector<16xi32>
    %add3A_203 = arith.addi %add3A_202, %iota3A : vector<16xi32>
    %mul3A_204 = arith.constant 8 : i32
    %mul3A_205 = vector.broadcast %mul3A_204 : i32 to vector<16xi32>
    %mul3A_206 = arith.muli %add3A_203, %mul3A_205 : vector<16xi32>
    %add3A_207 = vector.broadcast %add3A_200 : i32 to vector<16xi32>
    %add3A_208 = arith.addi %add3A_207, %mul3A_206 : vector<16xi32>
    %swap3A_209 = arith.constant 1 : i32
    %swap3A_210 = arith.index_cast %swap3A_209 : i32 to index
    %swap3A_211 = arith.constant 16 : index
    %swap3A_212 = tpu.vector_load %arg8[%swap3A_210, %swap3A_211] {strides = array<i32>} : memref<6x128xi32, #tpu.memory_space<vmem>>, vector<16xi32>,
    tpu.vector_store %arg8[%swap3A_210, %swap3A_211], %add3A_208 {strides = array<i32>} : memref<6x128xi32, #tpu.memory_space<vmem>>, vector<16xi32>,
    %add3A_213 = arith.constant 0 : i32
    %add3A_214 = arith.addi %add3A_213, %add3A_73 : i32
    %add3A_215 = arith.constant 160 : i32
    %add3A_216 = vector.broadcast %add3A_215 : i32 to vector<16xi32>
    %add3A_217 = arith.addi %add3A_216, %iota3A : vector<16xi32>
    %mul3A_218 = arith.constant 8 : i32
    %mul3A_219 = vector.broadcast %mul3A_218 : i32 to vector<16xi32>
    %mul3A_220 = arith.muli %add3A_217, %mul3A_219 : vector<16xi32>
    %add3A_221 = vector.broadcast %add3A_214 : i32 to vector<16xi32>
    %add3A_222 = arith.addi %add3A_221, %mul3A_220 : vector<16xi32>
    %swap3A_223 = arith.constant 1 : i32
    %swap3A_224 = arith.index_cast %swap3A_223 : i32 to index
    %swap3A_225 = arith.constant 32 : index
    %swap3A_226 = tpu.vector_load %arg8[%swap3A_224, %swap3A_225] {strides = array<i32>} : memref<6x128xi32, #tpu.memory_space<vmem>>, vector<16xi32>,
    tpu.vector_store %arg8[%swap3A_224, %swap3A_225], %add3A_222 {strides = array<i32>} : memref<6x128xi32, #tpu.memory_space<vmem>>, vector<16xi32>,
    %add3A_227 = arith.constant 0 : i32
    %add3A_228 = arith.addi %add3A_227, %add3A_73 : i32
    %add3A_229 = arith.constant 176 : i32
    %add3A_230 = vector.broadcast %add3A_229 : i32 to vector<16xi32>
    %add3A_231 = arith.addi %add3A_230, %iota3A : vector<16xi32>
    %mul3A_232 = arith.constant 8 : i32
    %mul3A_233 = vector.broadcast %mul3A_232 : i32 to vector<16xi32>
    %mul3A_234 = arith.muli %add3A_231, %mul3A_233 : vector<16xi32>
    %add3A_235 = vector.broadcast %add3A_228 : i32 to vector<16xi32>
    %add3A_236 = arith.addi %add3A_235, %mul3A_234 : vector<16xi32>
    %swap3A_237 = arith.constant 1 : i32
    %swap3A_238 = arith.index_cast %swap3A_237 : i32 to index
    %swap3A_239 = arith.constant 48 : index
    %swap3A_240 = tpu.vector_load %arg8[%swap3A_238, %swap3A_239] {strides = array<i32>} : memref<6x128xi32, #tpu.memory_space<vmem>>, vector<16xi32>,
    tpu.vector_store %arg8[%swap3A_238, %swap3A_239], %add3A_236 {strides = array<i32>} : memref<6x128xi32, #tpu.memory_space<vmem>>, vector<16xi32>,
    %add3A_241 = arith.constant 0 : i32
    %add3A_242 = arith.addi %add3A_241, %add3A_73 : i32
    %add3A_243 = arith.constant 192 : i32
    %add3A_244 = vector.broadcast %add3A_243 : i32 to vector<16xi32>
    %add3A_245 = arith.addi %add3A_244, %iota3A : vector<16xi32>
    %mul3A_246 = arith.constant 8 : i32
    %mul3A_247 = vector.broadcast %mul3A_246 : i32 to vector<16xi32>
    %mul3A_248 = arith.muli %add3A_245, %mul3A_247 : vector<16xi32>
    %add3A_249 = vector.broadcast %add3A_242 : i32 to vector<16xi32>
    %add3A_250 = arith.addi %add3A_249, %mul3A_248 : vector<16xi32>
    %swap3A_251 = arith.constant 1 : i32
    %swap3A_252 = arith.index_cast %swap3A_251 : i32 to index
    %swap3A_253 = arith.constant 64 : index
    %swap3A_254 = tpu.vector_load %arg8[%swap3A_252, %swap3A_253] {strides = array<i32>} : memref<6x128xi32, #tpu.memory_space<vmem>>, vector<16xi32>,
    tpu.vector_store %arg8[%swap3A_252, %swap3A_253], %add3A_250 {strides = array<i32>} : memref<6x128xi32, #tpu.memory_space<vmem>>, vector<16xi32>,
    %add3A_255 = arith.constant 0 : i32
    %add3A_256 = arith.addi %add3A_255, %add3A_73 : i32
    %add3A_257 = arith.constant 208 : i32
    %add3A_258 = vector.broadcast %add3A_257 : i32 to vector<16xi32>
    %add3A_259 = arith.addi %add3A_258, %iota3A : vector<16xi32>
    %mul3A_260 = arith.constant 8 : i32
    %mul3A_261 = vector.broadcast %mul3A_260 : i32 to vector<16xi32>
    %mul3A_262 = arith.muli %add3A_259, %mul3A_261 : vector<16xi32>
    %add3A_263 = vector.broadcast %add3A_256 : i32 to vector<16xi32>
    %add3A_264 = arith.addi %add3A_263, %mul3A_262 : vector<16xi32>
    %swap3A_265 = arith.constant 1 : i32
    %swap3A_266 = arith.index_cast %swap3A_265 : i32 to index
    %swap3A_267 = arith.constant 80 : index
    %swap3A_268 = tpu.vector_load %arg8[%swap3A_266, %swap3A_267] {strides = array<i32>} : memref<6x128xi32, #tpu.memory_space<vmem>>, vector<16xi32>,
    tpu.vector_store %arg8[%swap3A_266, %swap3A_267], %add3A_264 {strides = array<i32>} : memref<6x128xi32, #tpu.memory_space<vmem>>, vector<16xi32>,
    %add3A_269 = arith.constant 0 : i32
    %add3A_270 = arith.addi %add3A_269, %add3A_73 : i32
    %add3A_271 = arith.constant 224 : i32
    %add3A_272 = vector.broadcast %add3A_271 : i32 to vector<16xi32>
    %add3A_273 = arith.addi %add3A_272, %iota3A : vector<16xi32>
    %mul3A_274 = arith.constant 8 : i32
    %mul3A_275 = vector.broadcast %mul3A_274 : i32 to vector<16xi32>
    %mul3A_276 = arith.muli %add3A_273, %mul3A_275 : vector<16xi32>
    %add3A_277 = vector.broadcast %add3A_270 : i32 to vector<16xi32>
    %add3A_278 = arith.addi %add3A_277, %mul3A_276 : vector<16xi32>
    %swap3A_279 = arith.constant 1 : i32
    %swap3A_280 = arith.index_cast %swap3A_279 : i32 to index
    %swap3A_281 = arith.constant 96 : index
    %swap3A_282 = tpu.vector_load %arg8[%swap3A_280, %swap3A_281] {strides = array<i32>} : memref<6x128xi32, #tpu.memory_space<vmem>>, vector<16xi32>,
    tpu.vector_store %arg8[%swap3A_280, %swap3A_281], %add3A_278 {strides = array<i32>} : memref<6x128xi32, #tpu.memory_space<vmem>>, vector<16xi32>,
    %add3A_283 = arith.constant 0 : i32
    %add3A_284 = arith.addi %add3A_283, %add3A_73 : i32
    %add3A_285 = arith.constant 240 : i32
    %add3A_286 = vector.broadcast %add3A_285 : i32 to vector<16xi32>
    %add3A_287 = arith.addi %add3A_286, %iota3A : vector<16xi32>
    %mul3A_288 = arith.constant 8 : i32
    %mul3A_289 = vector.broadcast %mul3A_288 : i32 to vector<16xi32>
    %mul3A_290 = arith.muli %add3A_287, %mul3A_289 : vector<16xi32>
    %add3A_291 = vector.broadcast %add3A_284 : i32 to vector<16xi32>
    %add3A_292 = arith.addi %add3A_291, %mul3A_290 : vector<16xi32>
    %swap3A_293 = arith.constant 1 : i32
    %swap3A_294 = arith.index_cast %swap3A_293 : i32 to index
    %swap3A_295 = arith.constant 112 : index
    %swap3A_296 = tpu.vector_load %arg8[%swap3A_294, %swap3A_295] {strides = array<i32>} : memref<6x128xi32, #tpu.memory_space<vmem>>, vector<16xi32>,
    tpu.vector_store %arg8[%swap3A_294, %swap3A_295], %add3A_292 {strides = array<i32>} : memref<6x128xi32, #tpu.memory_space<vmem>>, vector<16xi32>,
    %add3A_297 = arith.constant 4096 : i32
    %add3A_298 = arith.addi %add3A_297, %add3A_73 : i32
    %add3A_299 = arith.constant 0 : i32
    %add3A_300 = vector.broadcast %add3A_299 : i32 to vector<16xi32>
    %add3A_301 = arith.addi %add3A_300, %iota3A : vector<16xi32>
    %mul3A_302 = arith.constant 8 : i32
    %mul3A_303 = vector.broadcast %mul3A_302 : i32 to vector<16xi32>
    %mul3A_304 = arith.muli %add3A_301, %mul3A_303 : vector<16xi32>
    %add3A_305 = vector.broadcast %add3A_298 : i32 to vector<16xi32>
    %add3A_306 = arith.addi %add3A_305, %mul3A_304 : vector<16xi32>
    %swap3A_307 = arith.constant 2 : i32
    %swap3A_308 = arith.index_cast %swap3A_307 : i32 to index
    %swap3A_309 = arith.constant 0 : index
    %swap3A_310 = tpu.vector_load %arg8[%swap3A_308, %swap3A_309] {strides = array<i32>} : memref<6x128xi32, #tpu.memory_space<vmem>>, vector<16xi32>,
    tpu.vector_store %arg8[%swap3A_308, %swap3A_309], %add3A_306 {strides = array<i32>} : memref<6x128xi32, #tpu.memory_space<vmem>>, vector<16xi32>,
    %add3A_311 = arith.constant 4096 : i32
    %add3A_312 = arith.addi %add3A_311, %add3A_73 : i32
    %add3A_313 = arith.constant 16 : i32
    %add3A_314 = vector.broadcast %add3A_313 : i32 to vector<16xi32>
    %add3A_315 = arith.addi %add3A_314, %iota3A : vector<16xi32>
    %mul3A_316 = arith.constant 8 : i32
    %mul3A_317 = vector.broadcast %mul3A_316 : i32 to vector<16xi32>
    %mul3A_318 = arith.muli %add3A_315, %mul3A_317 : vector<16xi32>
    %add3A_319 = vector.broadcast %add3A_312 : i32 to vector<16xi32>
    %add3A_320 = arith.addi %add3A_319, %mul3A_318 : vector<16xi32>
    %swap3A_321 = arith.constant 2 : i32
    %swap3A_322 = arith.index_cast %swap3A_321 : i32 to index
    %swap3A_323 = arith.constant 16 : index
    %swap3A_324 = tpu.vector_load %arg8[%swap3A_322, %swap3A_323] {strides = array<i32>} : memref<6x128xi32, #tpu.memory_space<vmem>>, vector<16xi32>,
    tpu.vector_store %arg8[%swap3A_322, %swap3A_323], %add3A_320 {strides = array<i32>} : memref<6x128xi32, #tpu.memory_space<vmem>>, vector<16xi32>,
    %add3A_325 = arith.constant 4096 : i32
    %add3A_326 = arith.addi %add3A_325, %add3A_73 : i32
    %add3A_327 = arith.constant 32 : i32
    %add3A_328 = vector.broadcast %add3A_327 : i32 to vector<16xi32>
    %add3A_329 = arith.addi %add3A_328, %iota3A : vector<16xi32>
    %mul3A_330 = arith.constant 8 : i32
    %mul3A_331 = vector.broadcast %mul3A_330 : i32 to vector<16xi32>
    %mul3A_332 = arith.muli %add3A_329, %mul3A_331 : vector<16xi32>
    %add3A_333 = vector.broadcast %add3A_326 : i32 to vector<16xi32>
    %add3A_334 = arith.addi %add3A_333, %mul3A_332 : vector<16xi32>
    %swap3A_335 = arith.constant 2 : i32
    %swap3A_336 = arith.index_cast %swap3A_335 : i32 to index
    %swap3A_337 = arith.constant 32 : index
    %swap3A_338 = tpu.vector_load %arg8[%swap3A_336, %swap3A_337] {strides = array<i32>} : memref<6x128xi32, #tpu.memory_space<vmem>>, vector<16xi32>,
    tpu.vector_store %arg8[%swap3A_336, %swap3A_337], %add3A_334 {strides = array<i32>} : memref<6x128xi32, #tpu.memory_space<vmem>>, vector<16xi32>,
    %add3A_339 = arith.constant 4096 : i32
    %add3A_340 = arith.addi %add3A_339, %add3A_73 : i32
    %add3A_341 = arith.constant 48 : i32
    %add3A_342 = vector.broadcast %add3A_341 : i32 to vector<16xi32>
    %add3A_343 = arith.addi %add3A_342, %iota3A : vector<16xi32>
    %mul3A_344 = arith.constant 8 : i32
    %mul3A_345 = vector.broadcast %mul3A_344 : i32 to vector<16xi32>
    %mul3A_346 = arith.muli %add3A_343, %mul3A_345 : vector<16xi32>
    %add3A_347 = vector.broadcast %add3A_340 : i32 to vector<16xi32>
    %add3A_348 = arith.addi %add3A_347, %mul3A_346 : vector<16xi32>
    %swap3A_349 = arith.constant 2 : i32
    %swap3A_350 = arith.index_cast %swap3A_349 : i32 to index
    %swap3A_351 = arith.constant 48 : index
    %swap3A_352 = tpu.vector_load %arg8[%swap3A_350, %swap3A_351] {strides = array<i32>} : memref<6x128xi32, #tpu.memory_space<vmem>>, vector<16xi32>,
    tpu.vector_store %arg8[%swap3A_350, %swap3A_351], %add3A_348 {strides = array<i32>} : memref<6x128xi32, #tpu.memory_space<vmem>>, vector<16xi32>,
    %add3A_353 = arith.constant 4096 : i32
    %add3A_354 = arith.addi %add3A_353, %add3A_73 : i32
    %add3A_355 = arith.constant 64 : i32
    %add3A_356 = vector.broadcast %add3A_355 : i32 to vector<16xi32>
    %add3A_357 = arith.addi %add3A_356, %iota3A : vector<16xi32>
    %mul3A_358 = arith.constant 8 : i32
    %mul3A_359 = vector.broadcast %mul3A_358 : i32 to vector<16xi32>
    %mul3A_360 = arith.muli %add3A_357, %mul3A_359 : vector<16xi32>
    %add3A_361 = vector.broadcast %add3A_354 : i32 to vector<16xi32>
    %add3A_362 = arith.addi %add3A_361, %mul3A_360 : vector<16xi32>
    %swap3A_363 = arith.constant 2 : i32
    %swap3A_364 = arith.index_cast %swap3A_363 : i32 to index
    %swap3A_365 = arith.constant 64 : index
    %swap3A_366 = tpu.vector_load %arg8[%swap3A_364, %swap3A_365] {strides = array<i32>} : memref<6x128xi32, #tpu.memory_space<vmem>>, vector<16xi32>,
    tpu.vector_store %arg8[%swap3A_364, %swap3A_365], %add3A_362 {strides = array<i32>} : memref<6x128xi32, #tpu.memory_space<vmem>>, vector<16xi32>,
    %add3A_367 = arith.constant 4096 : i32
    %add3A_368 = arith.addi %add3A_367, %add3A_73 : i32
    %add3A_369 = arith.constant 80 : i32
    %add3A_370 = vector.broadcast %add3A_369 : i32 to vector<16xi32>
    %add3A_371 = arith.addi %add3A_370, %iota3A : vector<16xi32>
    %mul3A_372 = arith.constant 8 : i32
    %mul3A_373 = vector.broadcast %mul3A_372 : i32 to vector<16xi32>
    %mul3A_374 = arith.muli %add3A_371, %mul3A_373 : vector<16xi32>
    %add3A_375 = vector.broadcast %add3A_368 : i32 to vector<16xi32>
    %add3A_376 = arith.addi %add3A_375, %mul3A_374 : vector<16xi32>
    %swap3A_377 = arith.constant 2 : i32
    %swap3A_378 = arith.index_cast %swap3A_377 : i32 to index
    %swap3A_379 = arith.constant 80 : index
    %swap3A_380 = tpu.vector_load %arg8[%swap3A_378, %swap3A_379] {strides = array<i32>} : memref<6x128xi32, #tpu.memory_space<vmem>>, vector<16xi32>,
    tpu.vector_store %arg8[%swap3A_378, %swap3A_379], %add3A_376 {strides = array<i32>} : memref<6x128xi32, #tpu.memory_space<vmem>>, vector<16xi32>,
    %add3A_381 = arith.constant 4096 : i32
    %add3A_382 = arith.addi %add3A_381, %add3A_73 : i32
    %add3A_383 = arith.constant 96 : i32
    %add3A_384 = vector.broadcast %add3A_383 : i32 to vector<16xi32>
    %add3A_385 = arith.addi %add3A_384, %iota3A : vector<16xi32>
    %mul3A_386 = arith.constant 8 : i32
    %mul3A_387 = vector.broadcast %mul3A_386 : i32 to vector<16xi32>
    %mul3A_388 = arith.muli %add3A_385, %mul3A_387 : vector<16xi32>
    %add3A_389 = vector.broadcast %add3A_382 : i32 to vector<16xi32>
    %add3A_390 = arith.addi %add3A_389, %mul3A_388 : vector<16xi32>
    %swap3A_391 = arith.constant 2 : i32
    %swap3A_392 = arith.index_cast %swap3A_391 : i32 to index
    %swap3A_393 = arith.constant 96 : index
    %swap3A_394 = tpu.vector_load %arg8[%swap3A_392, %swap3A_393] {strides = array<i32>} : memref<6x128xi32, #tpu.memory_space<vmem>>, vector<16xi32>,
    tpu.vector_store %arg8[%swap3A_392, %swap3A_393], %add3A_390 {strides = array<i32>} : memref<6x128xi32, #tpu.memory_space<vmem>>, vector<16xi32>,
    %add3A_395 = arith.constant 4096 : i32
    %add3A_396 = arith.addi %add3A_395, %add3A_73 : i32
    %add3A_397 = arith.constant 112 : i32
    %add3A_398 = vector.broadcast %add3A_397 : i32 to vector<16xi32>
    %add3A_399 = arith.addi %add3A_398, %iota3A : vector<16xi32>
    %mul3A_400 = arith.constant 8 : i32
    %mul3A_401 = vector.broadcast %mul3A_400 : i32 to vector<16xi32>
    %mul3A_402 = arith.muli %add3A_399, %mul3A_401 : vector<16xi32>
    %add3A_403 = vector.broadcast %add3A_396 : i32 to vector<16xi32>
    %add3A_404 = arith.addi %add3A_403, %mul3A_402 : vector<16xi32>
    %swap3A_405 = arith.constant 2 : i32
    %swap3A_406 = arith.index_cast %swap3A_405 : i32 to index
    %swap3A_407 = arith.constant 112 : index
    %swap3A_408 = tpu.vector_load %arg8[%swap3A_406, %swap3A_407] {strides = array<i32>} : memref<6x128xi32, #tpu.memory_space<vmem>>, vector<16xi32>,
    tpu.vector_store %arg8[%swap3A_406, %swap3A_407], %add3A_404 {strides = array<i32>} : memref<6x128xi32, #tpu.memory_space<vmem>>, vector<16xi32>,
    %add3A_409 = arith.constant 4096 : i32
    %add3A_410 = arith.addi %add3A_409, %add3A_73 : i32
    %add3A_411 = arith.constant 128 : i32
    %add3A_412 = vector.broadcast %add3A_411 : i32 to vector<16xi32>
    %add3A_413 = arith.addi %add3A_412, %iota3A : vector<16xi32>
    %mul3A_414 = arith.constant 8 : i32
    %mul3A_415 = vector.broadcast %mul3A_414 : i32 to vector<16xi32>
    %mul3A_416 = arith.muli %add3A_413, %mul3A_415 : vector<16xi32>
    %add3A_417 = vector.broadcast %add3A_410 : i32 to vector<16xi32>
    %add3A_418 = arith.addi %add3A_417, %mul3A_416 : vector<16xi32>
    %swap3A_419 = arith.constant 3 : i32
    %swap3A_420 = arith.index_cast %swap3A_419 : i32 to index
    %swap3A_421 = arith.constant 0 : index
    %swap3A_422 = tpu.vector_load %arg8[%swap3A_420, %swap3A_421] {strides = array<i32>} : memref<6x128xi32, #tpu.memory_space<vmem>>, vector<16xi32>,
    tpu.vector_store %arg8[%swap3A_420, %swap3A_421], %add3A_418 {strides = array<i32>} : memref<6x128xi32, #tpu.memory_space<vmem>>, vector<16xi32>,
    %add3A_423 = arith.constant 4096 : i32
    %add3A_424 = arith.addi %add3A_423, %add3A_73 : i32
    %add3A_425 = arith.constant 144 : i32
    %add3A_426 = vector.broadcast %add3A_425 : i32 to vector<16xi32>
    %add3A_427 = arith.addi %add3A_426, %iota3A : vector<16xi32>
    %mul3A_428 = arith.constant 8 : i32
    %mul3A_429 = vector.broadcast %mul3A_428 : i32 to vector<16xi32>
    %mul3A_430 = arith.muli %add3A_427, %mul3A_429 : vector<16xi32>
    %add3A_431 = vector.broadcast %add3A_424 : i32 to vector<16xi32>
    %add3A_432 = arith.addi %add3A_431, %mul3A_430 : vector<16xi32>
    %swap3A_433 = arith.constant 3 : i32
    %swap3A_434 = arith.index_cast %swap3A_433 : i32 to index
    %swap3A_435 = arith.constant 16 : index
    %swap3A_436 = tpu.vector_load %arg8[%swap3A_434, %swap3A_435] {strides = array<i32>} : memref<6x128xi32, #tpu.memory_space<vmem>>, vector<16xi32>,
    tpu.vector_store %arg8[%swap3A_434, %swap3A_435], %add3A_432 {strides = array<i32>} : memref<6x128xi32, #tpu.memory_space<vmem>>, vector<16xi32>,
    %add3A_437 = arith.constant 4096 : i32
    %add3A_438 = arith.addi %add3A_437, %add3A_73 : i32
    %add3A_439 = arith.constant 160 : i32
    %add3A_440 = vector.broadcast %add3A_439 : i32 to vector<16xi32>
    %add3A_441 = arith.addi %add3A_440, %iota3A : vector<16xi32>
    %mul3A_442 = arith.constant 8 : i32
    %mul3A_443 = vector.broadcast %mul3A_442 : i32 to vector<16xi32>
    %mul3A_444 = arith.muli %add3A_441, %mul3A_443 : vector<16xi32>
    %add3A_445 = vector.broadcast %add3A_438 : i32 to vector<16xi32>
    %add3A_446 = arith.addi %add3A_445, %mul3A_444 : vector<16xi32>
    %swap3A_447 = arith.constant 3 : i32
    %swap3A_448 = arith.index_cast %swap3A_447 : i32 to index
    %swap3A_449 = arith.constant 32 : index
    %swap3A_450 = tpu.vector_load %arg8[%swap3A_448, %swap3A_449] {strides = array<i32>} : memref<6x128xi32, #tpu.memory_space<vmem>>, vector<16xi32>,
    tpu.vector_store %arg8[%swap3A_448, %swap3A_449], %add3A_446 {strides = array<i32>} : memref<6x128xi32, #tpu.memory_space<vmem>>, vector<16xi32>,
    %add3A_451 = arith.constant 4096 : i32
    %add3A_452 = arith.addi %add3A_451, %add3A_73 : i32
    %add3A_453 = arith.constant 176 : i32
    %add3A_454 = vector.broadcast %add3A_453 : i32 to vector<16xi32>
    %add3A_455 = arith.addi %add3A_454, %iota3A : vector<16xi32>
    %mul3A_456 = arith.constant 8 : i32
    %mul3A_457 = vector.broadcast %mul3A_456 : i32 to vector<16xi32>
    %mul3A_458 = arith.muli %add3A_455, %mul3A_457 : vector<16xi32>
    %add3A_459 = vector.broadcast %add3A_452 : i32 to vector<16xi32>
    %add3A_460 = arith.addi %add3A_459, %mul3A_458 : vector<16xi32>
    %swap3A_461 = arith.constant 3 : i32
    %swap3A_462 = arith.index_cast %swap3A_461 : i32 to index
    %swap3A_463 = arith.constant 48 : index
    %swap3A_464 = tpu.vector_load %arg8[%swap3A_462, %swap3A_463] {strides = array<i32>} : memref<6x128xi32, #tpu.memory_space<vmem>>, vector<16xi32>,
    tpu.vector_store %arg8[%swap3A_462, %swap3A_463], %add3A_460 {strides = array<i32>} : memref<6x128xi32, #tpu.memory_space<vmem>>, vector<16xi32>,
    %add3A_465 = arith.constant 4096 : i32
    %add3A_466 = arith.addi %add3A_465, %add3A_73 : i32
    %add3A_467 = arith.constant 192 : i32
    %add3A_468 = vector.broadcast %add3A_467 : i32 to vector<16xi32>
    %add3A_469 = arith.addi %add3A_468, %iota3A : vector<16xi32>
    %mul3A_470 = arith.constant 8 : i32
    %mul3A_471 = vector.broadcast %mul3A_470 : i32 to vector<16xi32>
    %mul3A_472 = arith.muli %add3A_469, %mul3A_471 : vector<16xi32>
    %add3A_473 = vector.broadcast %add3A_466 : i32 to vector<16xi32>
    %add3A_474 = arith.addi %add3A_473, %mul3A_472 : vector<16xi32>
    %swap3A_475 = arith.constant 3 : i32
    %swap3A_476 = arith.index_cast %swap3A_475 : i32 to index
    %swap3A_477 = arith.constant 64 : index
    %swap3A_478 = tpu.vector_load %arg8[%swap3A_476, %swap3A_477] {strides = array<i32>} : memref<6x128xi32, #tpu.memory_space<vmem>>, vector<16xi32>,
    tpu.vector_store %arg8[%swap3A_476, %swap3A_477], %add3A_474 {strides = array<i32>} : memref<6x128xi32, #tpu.memory_space<vmem>>, vector<16xi32>,
    %add3A_479 = arith.constant 4096 : i32
    %add3A_480 = arith.addi %add3A_479, %add3A_73 : i32
    %add3A_481 = arith.constant 208 : i32
    %add3A_482 = vector.broadcast %add3A_481 : i32 to vector<16xi32>
    %add3A_483 = arith.addi %add3A_482, %iota3A : vector<16xi32>
    %mul3A_484 = arith.constant 8 : i32
    %mul3A_485 = vector.broadcast %mul3A_484 : i32 to vector<16xi32>
    %mul3A_486 = arith.muli %add3A_483, %mul3A_485 : vector<16xi32>
    %add3A_487 = vector.broadcast %add3A_480 : i32 to vector<16xi32>
    %add3A_488 = arith.addi %add3A_487, %mul3A_486 : vector<16xi32>
    %swap3A_489 = arith.constant 3 : i32
    %swap3A_490 = arith.index_cast %swap3A_489 : i32 to index
    %swap3A_491 = arith.constant 80 : index
    %swap3A_492 = tpu.vector_load %arg8[%swap3A_490, %swap3A_491] {strides = array<i32>} : memref<6x128xi32, #tpu.memory_space<vmem>>, vector<16xi32>,
    tpu.vector_store %arg8[%swap3A_490, %swap3A_491], %add3A_488 {strides = array<i32>} : memref<6x128xi32, #tpu.memory_space<vmem>>, vector<16xi32>,
    %add3A_493 = arith.constant 4096 : i32
    %add3A_494 = arith.addi %add3A_493, %add3A_73 : i32
    %add3A_495 = arith.constant 224 : i32
    %add3A_496 = vector.broadcast %add3A_495 : i32 to vector<16xi32>
    %add3A_497 = arith.addi %add3A_496, %iota3A : vector<16xi32>
    %mul3A_498 = arith.constant 8 : i32
    %mul3A_499 = vector.broadcast %mul3A_498 : i32 to vector<16xi32>
    %mul3A_500 = arith.muli %add3A_497, %mul3A_499 : vector<16xi32>
    %add3A_501 = vector.broadcast %add3A_494 : i32 to vector<16xi32>
    %add3A_502 = arith.addi %add3A_501, %mul3A_500 : vector<16xi32>
    %swap3A_503 = arith.constant 3 : i32
    %swap3A_504 = arith.index_cast %swap3A_503 : i32 to index
    %swap3A_505 = arith.constant 96 : index
    %swap3A_506 = tpu.vector_load %arg8[%swap3A_504, %swap3A_505] {strides = array<i32>} : memref<6x128xi32, #tpu.memory_space<vmem>>, vector<16xi32>,
    tpu.vector_store %arg8[%swap3A_504, %swap3A_505], %add3A_502 {strides = array<i32>} : memref<6x128xi32, #tpu.memory_space<vmem>>, vector<16xi32>,
    %add3A_507 = arith.constant 4096 : i32
    %add3A_508 = arith.addi %add3A_507, %add3A_73 : i32
    %add3A_509 = arith.constant 240 : i32
    %add3A_510 = vector.broadcast %add3A_509 : i32 to vector<16xi32>
    %add3A_511 = arith.addi %add3A_510, %iota3A : vector<16xi32>
    %mul3A_512 = arith.constant 8 : i32
    %mul3A_513 = vector.broadcast %mul3A_512 : i32 to vector<16xi32>
    %mul3A_514 = arith.muli %add3A_511, %mul3A_513 : vector<16xi32>
    %add3A_515 = vector.broadcast %add3A_508 : i32 to vector<16xi32>
    %add3A_516 = arith.addi %add3A_515, %mul3A_514 : vector<16xi32>
    %swap3A_517 = arith.constant 3 : i32
    %swap3A_518 = arith.index_cast %swap3A_517 : i32 to index
    %swap3A_519 = arith.constant 112 : index
    %swap3A_520 = tpu.vector_load %arg8[%swap3A_518, %swap3A_519] {strides = array<i32>} : memref<6x128xi32, #tpu.memory_space<vmem>>, vector<16xi32>,
    tpu.vector_store %arg8[%swap3A_518, %swap3A_519], %add3A_516 {strides = array<i32>} : memref<6x128xi32, #tpu.memory_space<vmem>>, vector<16xi32>,
    %add3A_521 = arith.constant 8192 : i32
    %add3A_522 = arith.addi %add3A_521, %add3A_73 : i32
    %add3A_523 = arith.constant 0 : i32
    %add3A_524 = vector.broadcast %add3A_523 : i32 to vector<16xi32>
    %add3A_525 = arith.addi %add3A_524, %iota3A : vector<16xi32>
    %mul3A_526 = arith.constant 8 : i32
    %mul3A_527 = vector.broadcast %mul3A_526 : i32 to vector<16xi32>
    %mul3A_528 = arith.muli %add3A_525, %mul3A_527 : vector<16xi32>
    %add3A_529 = vector.broadcast %add3A_522 : i32 to vector<16xi32>
    %add3A_530 = arith.addi %add3A_529, %mul3A_528 : vector<16xi32>
    %swap3A_531 = arith.constant 4 : i32
    %swap3A_532 = arith.index_cast %swap3A_531 : i32 to index
    %swap3A_533 = arith.constant 0 : index
    %swap3A_534 = tpu.vector_load %arg8[%swap3A_532, %swap3A_533] {strides = array<i32>} : memref<6x128xi32, #tpu.memory_space<vmem>>, vector<16xi32>,
    tpu.vector_store %arg8[%swap3A_532, %swap3A_533], %add3A_530 {strides = array<i32>} : memref<6x128xi32, #tpu.memory_space<vmem>>, vector<16xi32>,
    %add3A_535 = arith.constant 8192 : i32
    %add3A_536 = arith.addi %add3A_535, %add3A_73 : i32
    %add3A_537 = arith.constant 16 : i32
    %add3A_538 = vector.broadcast %add3A_537 : i32 to vector<16xi32>
    %add3A_539 = arith.addi %add3A_538, %iota3A : vector<16xi32>
    %mul3A_540 = arith.constant 8 : i32
    %mul3A_541 = vector.broadcast %mul3A_540 : i32 to vector<16xi32>
    %mul3A_542 = arith.muli %add3A_539, %mul3A_541 : vector<16xi32>
    %add3A_543 = vector.broadcast %add3A_536 : i32 to vector<16xi32>
    %add3A_544 = arith.addi %add3A_543, %mul3A_542 : vector<16xi32>
    %swap3A_545 = arith.constant 4 : i32
    %swap3A_546 = arith.index_cast %swap3A_545 : i32 to index
    %swap3A_547 = arith.constant 16 : index
    %swap3A_548 = tpu.vector_load %arg8[%swap3A_546, %swap3A_547] {strides = array<i32>} : memref<6x128xi32, #tpu.memory_space<vmem>>, vector<16xi32>,
    tpu.vector_store %arg8[%swap3A_546, %swap3A_547], %add3A_544 {strides = array<i32>} : memref<6x128xi32, #tpu.memory_space<vmem>>, vector<16xi32>,
    %add3A_549 = arith.constant 8192 : i32
    %add3A_550 = arith.addi %add3A_549, %add3A_73 : i32
    %add3A_551 = arith.constant 32 : i32
    %add3A_552 = vector.broadcast %add3A_551 : i32 to vector<16xi32>
    %add3A_553 = arith.addi %add3A_552, %iota3A : vector<16xi32>
    %mul3A_554 = arith.constant 8 : i32
    %mul3A_555 = vector.broadcast %mul3A_554 : i32 to vector<16xi32>
    %mul3A_556 = arith.muli %add3A_553, %mul3A_555 : vector<16xi32>
    %add3A_557 = vector.broadcast %add3A_550 : i32 to vector<16xi32>
    %add3A_558 = arith.addi %add3A_557, %mul3A_556 : vector<16xi32>
    %swap3A_559 = arith.constant 4 : i32
    %swap3A_560 = arith.index_cast %swap3A_559 : i32 to index
    %swap3A_561 = arith.constant 32 : index
    %swap3A_562 = tpu.vector_load %arg8[%swap3A_560, %swap3A_561] {strides = array<i32>} : memref<6x128xi32, #tpu.memory_space<vmem>>, vector<16xi32>,
    tpu.vector_store %arg8[%swap3A_560, %swap3A_561], %add3A_558 {strides = array<i32>} : memref<6x128xi32, #tpu.memory_space<vmem>>, vector<16xi32>,
    %add3A_563 = arith.constant 8192 : i32
    %add3A_564 = arith.addi %add3A_563, %add3A_73 : i32
    %add3A_565 = arith.constant 48 : i32
    %add3A_566 = vector.broadcast %add3A_565 : i32 to vector<16xi32>
    %add3A_567 = arith.addi %add3A_566, %iota3A : vector<16xi32>
    %mul3A_568 = arith.constant 8 : i32
    %mul3A_569 = vector.broadcast %mul3A_568 : i32 to vector<16xi32>
    %mul3A_570 = arith.muli %add3A_567, %mul3A_569 : vector<16xi32>
    %add3A_571 = vector.broadcast %add3A_564 : i32 to vector<16xi32>
    %add3A_572 = arith.addi %add3A_571, %mul3A_570 : vector<16xi32>
    %swap3A_573 = arith.constant 4 : i32
    %swap3A_574 = arith.index_cast %swap3A_573 : i32 to index
    %swap3A_575 = arith.constant 48 : index
    %swap3A_576 = tpu.vector_load %arg8[%swap3A_574, %swap3A_575] {strides = array<i32>} : memref<6x128xi32, #tpu.memory_space<vmem>>, vector<16xi32>,
    tpu.vector_store %arg8[%swap3A_574, %swap3A_575], %add3A_572 {strides = array<i32>} : memref<6x128xi32, #tpu.memory_space<vmem>>, vector<16xi32>,
    %add3A_577 = arith.constant 8192 : i32
    %add3A_578 = arith.addi %add3A_577, %add3A_73 : i32
    %add3A_579 = arith.constant 64 : i32
    %add3A_580 = vector.broadcast %add3A_579 : i32 to vector<16xi32>
    %add3A_581 = arith.addi %add3A_580, %iota3A : vector<16xi32>
    %mul3A_582 = arith.constant 8 : i32
    %mul3A_583 = vector.broadcast %mul3A_582 : i32 to vector<16xi32>
    %mul3A_584 = arith.muli %add3A_581, %mul3A_583 : vector<16xi32>
    %add3A_585 = vector.broadcast %add3A_578 : i32 to vector<16xi32>
    %add3A_586 = arith.addi %add3A_585, %mul3A_584 : vector<16xi32>
    %swap3A_587 = arith.constant 4 : i32
    %swap3A_588 = arith.index_cast %swap3A_587 : i32 to index
    %swap3A_589 = arith.constant 64 : index
    %swap3A_590 = tpu.vector_load %arg8[%swap3A_588, %swap3A_589] {strides = array<i32>} : memref<6x128xi32, #tpu.memory_space<vmem>>, vector<16xi32>,
    tpu.vector_store %arg8[%swap3A_588, %swap3A_589], %add3A_586 {strides = array<i32>} : memref<6x128xi32, #tpu.memory_space<vmem>>, vector<16xi32>,
    %add3A_591 = arith.constant 8192 : i32
    %add3A_592 = arith.addi %add3A_591, %add3A_73 : i32
    %add3A_593 = arith.constant 80 : i32
    %add3A_594 = vector.broadcast %add3A_593 : i32 to vector<16xi32>
    %add3A_595 = arith.addi %add3A_594, %iota3A : vector<16xi32>
    %mul3A_596 = arith.constant 8 : i32
    %mul3A_597 = vector.broadcast %mul3A_596 : i32 to vector<16xi32>
    %mul3A_598 = arith.muli %add3A_595, %mul3A_597 : vector<16xi32>
    %add3A_599 = vector.broadcast %add3A_592 : i32 to vector<16xi32>
    %add3A_600 = arith.addi %add3A_599, %mul3A_598 : vector<16xi32>
    %swap3A_601 = arith.constant 4 : i32
    %swap3A_602 = arith.index_cast %swap3A_601 : i32 to index
    %swap3A_603 = arith.constant 80 : index
    %swap3A_604 = tpu.vector_load %arg8[%swap3A_602, %swap3A_603] {strides = array<i32>} : memref<6x128xi32, #tpu.memory_space<vmem>>, vector<16xi32>,
    tpu.vector_store %arg8[%swap3A_602, %swap3A_603], %add3A_600 {strides = array<i32>} : memref<6x128xi32, #tpu.memory_space<vmem>>, vector<16xi32>,
    %add3A_605 = arith.constant 8192 : i32
    %add3A_606 = arith.addi %add3A_605, %add3A_73 : i32
    %add3A_607 = arith.constant 96 : i32
    %add3A_608 = vector.broadcast %add3A_607 : i32 to vector<16xi32>
    %add3A_609 = arith.addi %add3A_608, %iota3A : vector<16xi32>
    %mul3A_610 = arith.constant 8 : i32
    %mul3A_611 = vector.broadcast %mul3A_610 : i32 to vector<16xi32>
    %mul3A_612 = arith.muli %add3A_609, %mul3A_611 : vector<16xi32>
    %add3A_613 = vector.broadcast %add3A_606 : i32 to vector<16xi32>
    %add3A_614 = arith.addi %add3A_613, %mul3A_612 : vector<16xi32>
    %swap3A_615 = arith.constant 4 : i32
    %swap3A_616 = arith.index_cast %swap3A_615 : i32 to index
    %swap3A_617 = arith.constant 96 : index
    %swap3A_618 = tpu.vector_load %arg8[%swap3A_616, %swap3A_617] {strides = array<i32>} : memref<6x128xi32, #tpu.memory_space<vmem>>, vector<16xi32>,
    tpu.vector_store %arg8[%swap3A_616, %swap3A_617], %add3A_614 {strides = array<i32>} : memref<6x128xi32, #tpu.memory_space<vmem>>, vector<16xi32>,
    %add3A_619 = arith.constant 8192 : i32
    %add3A_620 = arith.addi %add3A_619, %add3A_73 : i32
    %add3A_621 = arith.constant 112 : i32
    %add3A_622 = vector.broadcast %add3A_621 : i32 to vector<16xi32>
    %add3A_623 = arith.addi %add3A_622, %iota3A : vector<16xi32>
    %mul3A_624 = arith.constant 8 : i32
    %mul3A_625 = vector.broadcast %mul3A_624 : i32 to vector<16xi32>
    %mul3A_626 = arith.muli %add3A_623, %mul3A_625 : vector<16xi32>
    %add3A_627 = vector.broadcast %add3A_620 : i32 to vector<16xi32>
    %add3A_628 = arith.addi %add3A_627, %mul3A_626 : vector<16xi32>
    %swap3A_629 = arith.constant 4 : i32
    %swap3A_630 = arith.index_cast %swap3A_629 : i32 to index
    %swap3A_631 = arith.constant 112 : index
    %swap3A_632 = tpu.vector_load %arg8[%swap3A_630, %swap3A_631] {strides = array<i32>} : memref<6x128xi32, #tpu.memory_space<vmem>>, vector<16xi32>,
    tpu.vector_store %arg8[%swap3A_630, %swap3A_631], %add3A_628 {strides = array<i32>} : memref<6x128xi32, #tpu.memory_space<vmem>>, vector<16xi32>,
    %add3A_633 = arith.constant 8192 : i32
    %add3A_634 = arith.addi %add3A_633, %add3A_73 : i32
    %add3A_635 = arith.constant 128 : i32
    %add3A_636 = vector.broadcast %add3A_635 : i32 to vector<16xi32>
    %add3A_637 = arith.addi %add3A_636, %iota3A : vector<16xi32>
    %mul3A_638 = arith.constant 8 : i32
    %mul3A_639 = vector.broadcast %mul3A_638 : i32 to vector<16xi32>
    %mul3A_640 = arith.muli %add3A_637, %mul3A_639 : vector<16xi32>
    %add3A_641 = vector.broadcast %add3A_634 : i32 to vector<16xi32>
    %add3A_642 = arith.addi %add3A_641, %mul3A_640 : vector<16xi32>
    %swap3A_643 = arith.constant 5 : i32
    %swap3A_644 = arith.index_cast %swap3A_643 : i32 to index
    %swap3A_645 = arith.constant 0 : index
    %swap3A_646 = tpu.vector_load %arg8[%swap3A_644, %swap3A_645] {strides = array<i32>} : memref<6x128xi32, #tpu.memory_space<vmem>>, vector<16xi32>,
    tpu.vector_store %arg8[%swap3A_644, %swap3A_645], %add3A_642 {strides = array<i32>} : memref<6x128xi32, #tpu.memory_space<vmem>>, vector<16xi32>,
    %add3A_647 = arith.constant 8192 : i32
    %add3A_648 = arith.addi %add3A_647, %add3A_73 : i32
    %add3A_649 = arith.constant 144 : i32
    %add3A_650 = vector.broadcast %add3A_649 : i32 to vector<16xi32>
    %add3A_651 = arith.addi %add3A_650, %iota3A : vector<16xi32>
    %mul3A_652 = arith.constant 8 : i32
    %mul3A_653 = vector.broadcast %mul3A_652 : i32 to vector<16xi32>
    %mul3A_654 = arith.muli %add3A_651, %mul3A_653 : vector<16xi32>
    %add3A_655 = vector.broadcast %add3A_648 : i32 to vector<16xi32>
    %add3A_656 = arith.addi %add3A_655, %mul3A_654 : vector<16xi32>
    %swap3A_657 = arith.constant 5 : i32
    %swap3A_658 = arith.index_cast %swap3A_657 : i32 to index
    %swap3A_659 = arith.constant 16 : index
    %swap3A_660 = tpu.vector_load %arg8[%swap3A_658, %swap3A_659] {strides = array<i32>} : memref<6x128xi32, #tpu.memory_space<vmem>>, vector<16xi32>,
    tpu.vector_store %arg8[%swap3A_658, %swap3A_659], %add3A_656 {strides = array<i32>} : memref<6x128xi32, #tpu.memory_space<vmem>>, vector<16xi32>,
    %add3A_661 = arith.constant 8192 : i32
    %add3A_662 = arith.addi %add3A_661, %add3A_73 : i32
    %add3A_663 = arith.constant 160 : i32
    %add3A_664 = vector.broadcast %add3A_663 : i32 to vector<16xi32>
    %add3A_665 = arith.addi %add3A_664, %iota3A : vector<16xi32>
    %mul3A_666 = arith.constant 8 : i32
    %mul3A_667 = vector.broadcast %mul3A_666 : i32 to vector<16xi32>
    %mul3A_668 = arith.muli %add3A_665, %mul3A_667 : vector<16xi32>
    %add3A_669 = vector.broadcast %add3A_662 : i32 to vector<16xi32>
    %add3A_670 = arith.addi %add3A_669, %mul3A_668 : vector<16xi32>
    %swap3A_671 = arith.constant 5 : i32
    %swap3A_672 = arith.index_cast %swap3A_671 : i32 to index
    %swap3A_673 = arith.constant 32 : index
    %swap3A_674 = tpu.vector_load %arg8[%swap3A_672, %swap3A_673] {strides = array<i32>} : memref<6x128xi32, #tpu.memory_space<vmem>>, vector<16xi32>,
    tpu.vector_store %arg8[%swap3A_672, %swap3A_673], %add3A_670 {strides = array<i32>} : memref<6x128xi32, #tpu.memory_space<vmem>>, vector<16xi32>,
    %add3A_675 = arith.constant 8192 : i32
    %add3A_676 = arith.addi %add3A_675, %add3A_73 : i32
    %add3A_677 = arith.constant 176 : i32
    %add3A_678 = vector.broadcast %add3A_677 : i32 to vector<16xi32>
    %add3A_679 = arith.addi %add3A_678, %iota3A : vector<16xi32>
    %mul3A_680 = arith.constant 8 : i32
    %mul3A_681 = vector.broadcast %mul3A_680 : i32 to vector<16xi32>
    %mul3A_682 = arith.muli %add3A_679, %mul3A_681 : vector<16xi32>
    %add3A_683 = vector.broadcast %add3A_676 : i32 to vector<16xi32>
    %add3A_684 = arith.addi %add3A_683, %mul3A_682 : vector<16xi32>
    %swap3A_685 = arith.constant 5 : i32
    %swap3A_686 = arith.index_cast %swap3A_685 : i32 to index
    %swap3A_687 = arith.constant 48 : index
    %swap3A_688 = tpu.vector_load %arg8[%swap3A_686, %swap3A_687] {strides = array<i32>} : memref<6x128xi32, #tpu.memory_space<vmem>>, vector<16xi32>,
    tpu.vector_store %arg8[%swap3A_686, %swap3A_687], %add3A_684 {strides = array<i32>} : memref<6x128xi32, #tpu.memory_space<vmem>>, vector<16xi32>,
    %add3A_689 = arith.constant 8192 : i32
    %add3A_690 = arith.addi %add3A_689, %add3A_73 : i32
    %add3A_691 = arith.constant 192 : i32
    %add3A_692 = vector.broadcast %add3A_691 : i32 to vector<16xi32>
    %add3A_693 = arith.addi %add3A_692, %iota3A : vector<16xi32>
    %mul3A_694 = arith.constant 8 : i32
    %mul3A_695 = vector.broadcast %mul3A_694 : i32 to vector<16xi32>
    %mul3A_696 = arith.muli %add3A_693, %mul3A_695 : vector<16xi32>
    %add3A_697 = vector.broadcast %add3A_690 : i32 to vector<16xi32>
    %add3A_698 = arith.addi %add3A_697, %mul3A_696 : vector<16xi32>
    %swap3A_699 = arith.constant 5 : i32
    %swap3A_700 = arith.index_cast %swap3A_699 : i32 to index
    %swap3A_701 = arith.constant 64 : index
    %swap3A_702 = tpu.vector_load %arg8[%swap3A_700, %swap3A_701] {strides = array<i32>} : memref<6x128xi32, #tpu.memory_space<vmem>>, vector<16xi32>,
    tpu.vector_store %arg8[%swap3A_700, %swap3A_701], %add3A_698 {strides = array<i32>} : memref<6x128xi32, #tpu.memory_space<vmem>>, vector<16xi32>,
    %add3A_703 = arith.constant 8192 : i32
    %add3A_704 = arith.addi %add3A_703, %add3A_73 : i32
    %add3A_705 = arith.constant 208 : i32
    %add3A_706 = vector.broadcast %add3A_705 : i32 to vector<16xi32>
    %add3A_707 = arith.addi %add3A_706, %iota3A : vector<16xi32>
    %mul3A_708 = arith.constant 8 : i32
    %mul3A_709 = vector.broadcast %mul3A_708 : i32 to vector<16xi32>
    %mul3A_710 = arith.muli %add3A_707, %mul3A_709 : vector<16xi32>
    %add3A_711 = vector.broadcast %add3A_704 : i32 to vector<16xi32>
    %add3A_712 = arith.addi %add3A_711, %mul3A_710 : vector<16xi32>
    %swap3A_713 = arith.constant 5 : i32
    %swap3A_714 = arith.index_cast %swap3A_713 : i32 to index
    %swap3A_715 = arith.constant 80 : index
    %swap3A_716 = tpu.vector_load %arg8[%swap3A_714, %swap3A_715] {strides = array<i32>} : memref<6x128xi32, #tpu.memory_space<vmem>>, vector<16xi32>,
    tpu.vector_store %arg8[%swap3A_714, %swap3A_715], %add3A_712 {strides = array<i32>} : memref<6x128xi32, #tpu.memory_space<vmem>>, vector<16xi32>,
    %add3A_717 = arith.constant 8192 : i32
    %add3A_718 = arith.addi %add3A_717, %add3A_73 : i32
    %add3A_719 = arith.constant 224 : i32
    %add3A_720 = vector.broadcast %add3A_719 : i32 to vector<16xi32>
    %add3A_721 = arith.addi %add3A_720, %iota3A : vector<16xi32>
    %mul3A_722 = arith.constant 8 : i32
    %mul3A_723 = vector.broadcast %mul3A_722 : i32 to vector<16xi32>
    %mul3A_724 = arith.muli %add3A_721, %mul3A_723 : vector<16xi32>
    %add3A_725 = vector.broadcast %add3A_718 : i32 to vector<16xi32>
    %add3A_726 = arith.addi %add3A_725, %mul3A_724 : vector<16xi32>
    %swap3A_727 = arith.constant 5 : i32
    %swap3A_728 = arith.index_cast %swap3A_727 : i32 to index
    %swap3A_729 = arith.constant 96 : index
    %swap3A_730 = tpu.vector_load %arg8[%swap3A_728, %swap3A_729] {strides = array<i32>} : memref<6x128xi32, #tpu.memory_space<vmem>>, vector<16xi32>,
    tpu.vector_store %arg8[%swap3A_728, %swap3A_729], %add3A_726 {strides = array<i32>} : memref<6x128xi32, #tpu.memory_space<vmem>>, vector<16xi32>,
    %add3A_731 = arith.constant 8192 : i32
    %add3A_732 = arith.addi %add3A_731, %add3A_73 : i32
    %add3A_733 = arith.constant 240 : i32
    %add3A_734 = vector.broadcast %add3A_733 : i32 to vector<16xi32>
    %add3A_735 = arith.addi %add3A_734, %iota3A : vector<16xi32>
    %mul3A_736 = arith.constant 8 : i32
    %mul3A_737 = vector.broadcast %mul3A_736 : i32 to vector<16xi32>
    %mul3A_738 = arith.muli %add3A_735, %mul3A_737 : vector<16xi32>
    %add3A_739 = vector.broadcast %add3A_732 : i32 to vector<16xi32>
    %add3A_740 = arith.addi %add3A_739, %mul3A_738 : vector<16xi32>
    %swap3A_741 = arith.constant 5 : i32
    %swap3A_742 = arith.index_cast %swap3A_741 : i32 to index
    %swap3A_743 = arith.constant 112 : index
    %swap3A_744 = tpu.vector_load %arg8[%swap3A_742, %swap3A_743] {strides = array<i32>} : memref<6x128xi32, #tpu.memory_space<vmem>>, vector<16xi32>,
    tpu.vector_store %arg8[%swap3A_742, %swap3A_743], %add3A_740 {strides = array<i32>} : memref<6x128xi32, #tpu.memory_space<vmem>>, vector<16xi32>,
    %dma_start3A = arith.constant 0 : i32
    %dma_start3A_745 = arith.constant 0 : i32
    %dma_start3A_746 = arith.constant 0 : i32
    %dma_start3A_747 = arith.constant 0 : i32
    %dma_start3A_748 = tpu.memref_slice %arg5[%dma_start3A_745, %dma_start3A_746, %dma_start3A_747] : memref<3x256x128xf32, #tpu.memory_space<vmem>> -> memref<1x128x128xf32, #tpu.memory_space<vmem>>
    %dma_start3A_749 = tpu.memref_squeeze %dma_start3A_748 : memref<1x128x128xf32, #tpu.memory_space<vmem>> -> memref<128x128xf32, #tpu.memory_space<vmem>>
    %dma_start3A_750 = arith.constant 0 : i32
    %dma_start3A_751 = tpu.memref_slice %arg8[%dma_start3A, %dma_start3A_750] : memref<6x128xi32, #tpu.memory_space<vmem>> -> memref<1x128xi32, #tpu.memory_space<vmem>>
    %dma_start3A_752 = tpu.memref_squeeze %dma_start3A_751 : memref<1x128xi32, #tpu.memory_space<vmem>> -> memref<128xi32, #tpu.memory_space<vmem>>
    %dma_start3A_753 = arith.constant 0 : i32
    %dma_start3A_754 = arith.constant 0 : i32
    %dma_start3A_755 = tpu.memref_slice %arg2[%dma_start3A_753, %dma_start3A_754] : memref<12288x128xf32, #tpu.memory_space<hbm>> -> memref<12288x128xf32, #tpu.memory_space<hbm>>
    tpu.enqueue_indirect_dma source(%dma_start3A_755 : memref<12288x128xf32, #tpu.memory_space<hbm>>) target(%dma_start3A_749 : memref<128x128xf32, #tpu.memory_space<vmem>>) offsets(%dma_start3A_752 : memref<128xi32, #tpu.memory_space<vmem>>) semaphore(%arg10 : memref<!tpu.dma_semaphore, #tpu.memory_space<semaphore_mem>>)
    %dma_start3A_756 = arith.constant 1 : i32
    %dma_start3A_757 = arith.constant 0 : i32
    %dma_start3A_758 = arith.constant 128 : i32
    %dma_start3A_759 = arith.constant 0 : i32
    %dma_start3A_760 = tpu.memref_slice %arg5[%dma_start3A_757, %dma_start3A_758, %dma_start3A_759] : memref<3x256x128xf32, #tpu.memory_space<vmem>> -> memref<1x128x128xf32, #tpu.memory_space<vmem>>
    %dma_start3A_761 = tpu.memref_squeeze %dma_start3A_760 : memref<1x128x128xf32, #tpu.memory_space<vmem>> -> memref<128x128xf32, #tpu.memory_space<vmem>>
    %dma_start3A_762 = arith.constant 0 : i32
    %dma_start3A_763 = tpu.memref_slice %arg8[%dma_start3A_756, %dma_start3A_762] : memref<6x128xi32, #tpu.memory_space<vmem>> -> memref<1x128xi32, #tpu.memory_space<vmem>>
    %dma_start3A_764 = tpu.memref_squeeze %dma_start3A_763 : memref<1x128xi32, #tpu.memory_space<vmem>> -> memref<128xi32, #tpu.memory_space<vmem>>
    %dma_start3A_765 = arith.constant 0 : i32
    %dma_start3A_766 = arith.constant 0 : i32
    %dma_start3A_767 = tpu.memref_slice %arg2[%dma_start3A_765, %dma_start3A_766] : memref<12288x128xf32, #tpu.memory_space<hbm>> -> memref<12288x128xf32, #tpu.memory_space<hbm>>
    tpu.enqueue_indirect_dma source(%dma_start3A_767 : memref<12288x128xf32, #tpu.memory_space<hbm>>) target(%dma_start3A_761 : memref<128x128xf32, #tpu.memory_space<vmem>>) offsets(%dma_start3A_764 : memref<128xi32, #tpu.memory_space<vmem>>) semaphore(%arg10 : memref<!tpu.dma_semaphore, #tpu.memory_space<semaphore_mem>>)
    %dma_start3A_768 = arith.constant 2 : i32
    %dma_start3A_769 = arith.constant 1 : i32
    %dma_start3A_770 = arith.constant 0 : i32
    %dma_start3A_771 = arith.constant 0 : i32
    %dma_start3A_772 = tpu.memref_slice %arg5[%dma_start3A_769, %dma_start3A_770, %dma_start3A_771] : memref<3x256x128xf32, #tpu.memory_space<vmem>> -> memref<1x128x128xf32, #tpu.memory_space<vmem>>
    %dma_start3A_773 = tpu.memref_squeeze %dma_start3A_772 : memref<1x128x128xf32, #tpu.memory_space<vmem>> -> memref<128x128xf32, #tpu.memory_space<vmem>>
    %dma_start3A_774 = arith.constant 0 : i32
    %dma_start3A_775 = tpu.memref_slice %arg8[%dma_start3A_768, %dma_start3A_774] : memref<6x128xi32, #tpu.memory_space<vmem>> -> memref<1x128xi32, #tpu.memory_space<vmem>>
    %dma_start3A_776 = tpu.memref_squeeze %dma_start3A_775 : memref<1x128xi32, #tpu.memory_space<vmem>> -> memref<128xi32, #tpu.memory_space<vmem>>
    %dma_start3A_777 = arith.constant 0 : i32
    %dma_start3A_778 = arith.constant 0 : i32
    %dma_start3A_779 = tpu.memref_slice %arg2[%dma_start3A_777, %dma_start3A_778] : memref<12288x128xf32, #tpu.memory_space<hbm>> -> memref<12288x128xf32, #tpu.memory_space<hbm>>
    tpu.enqueue_indirect_dma source(%dma_start3A_779 : memref<12288x128xf32, #tpu.memory_space<hbm>>) target(%dma_start3A_773 : memref<128x128xf32, #tpu.memory_space<vmem>>) offsets(%dma_start3A_776 : memref<128xi32, #tpu.memory_space<vmem>>) semaphore(%arg10 : memref<!tpu.dma_semaphore, #tpu.memory_space<semaphore_mem>>)
    %dma_start3A_780 = arith.constant 3 : i32
    %dma_start3A_781 = arith.constant 1 : i32
    %dma_start3A_782 = arith.constant 128 : i32
    %dma_start3A_783 = arith.constant 0 : i32
    %dma_start3A_784 = tpu.memref_slice %arg5[%dma_start3A_781, %dma_start3A_782, %dma_start3A_783] : memref<3x256x128xf32, #tpu.memory_space<vmem>> -> memref<1x128x128xf32, #tpu.memory_space<vmem>>
    %dma_start3A_785 = tpu.memref_squeeze %dma_start3A_784 : memref<1x128x128xf32, #tpu.memory_space<vmem>> -> memref<128x128xf32, #tpu.memory_space<vmem>>
    %dma_start3A_786 = arith.constant 0 : i32
    %dma_start3A_787 = tpu.memref_slice %arg8[%dma_start3A_780, %dma_start3A_786] : memref<6x128xi32, #tpu.memory_space<vmem>> -> memref<1x128xi32, #tpu.memory_space<vmem>>
    %dma_start3A_788 = tpu.memref_squeeze %dma_start3A_787 : memref<1x128xi32, #tpu.memory_space<vmem>> -> memref<128xi32, #tpu.memory_space<vmem>>
    %dma_start3A_789 = arith.constant 0 : i32
    %dma_start3A_790 = arith.constant 0 : i32
    %dma_start3A_791 = tpu.memref_slice %arg2[%dma_start3A_789, %dma_start3A_790] : memref<12288x128xf32, #tpu.memory_space<hbm>> -> memref<12288x128xf32, #tpu.memory_space<hbm>>
    tpu.enqueue_indirect_dma source(%dma_start3A_791 : memref<12288x128xf32, #tpu.memory_space<hbm>>) target(%dma_start3A_785 : memref<128x128xf32, #tpu.memory_space<vmem>>) offsets(%dma_start3A_788 : memref<128xi32, #tpu.memory_space<vmem>>) semaphore(%arg10 : memref<!tpu.dma_semaphore, #tpu.memory_space<semaphore_mem>>)
    %dma_start3A_792 = arith.constant 4 : i32
    %dma_start3A_793 = arith.constant 2 : i32
    %dma_start3A_794 = arith.constant 0 : i32
    %dma_start3A_795 = arith.constant 0 : i32
    %dma_start3A_796 = tpu.memref_slice %arg5[%dma_start3A_793, %dma_start3A_794, %dma_start3A_795] : memref<3x256x128xf32, #tpu.memory_space<vmem>> -> memref<1x128x128xf32, #tpu.memory_space<vmem>>
    %dma_start3A_797 = tpu.memref_squeeze %dma_start3A_796 : memref<1x128x128xf32, #tpu.memory_space<vmem>> -> memref<128x128xf32, #tpu.memory_space<vmem>>
    %dma_start3A_798 = arith.constant 0 : i32
    %dma_start3A_799 = tpu.memref_slice %arg8[%dma_start3A_792, %dma_start3A_798] : memref<6x128xi32, #tpu.memory_space<vmem>> -> memref<1x128xi32, #tpu.memory_space<vmem>>
    %dma_start3A_800 = tpu.memref_squeeze %dma_start3A_799 : memref<1x128xi32, #tpu.memory_space<vmem>> -> memref<128xi32, #tpu.memory_space<vmem>>
    %dma_start3A_801 = arith.constant 0 : i32
    %dma_start3A_802 = arith.constant 0 : i32
    %dma_start3A_803 = tpu.memref_slice %arg2[%dma_start3A_801, %dma_start3A_802] : memref<12288x128xf32, #tpu.memory_space<hbm>> -> memref<12288x128xf32, #tpu.memory_space<hbm>>
    tpu.enqueue_indirect_dma source(%dma_start3A_803 : memref<12288x128xf32, #tpu.memory_space<hbm>>) target(%dma_start3A_797 : memref<128x128xf32, #tpu.memory_space<vmem>>) offsets(%dma_start3A_800 : memref<128xi32, #tpu.memory_space<vmem>>) semaphore(%arg10 : memref<!tpu.dma_semaphore, #tpu.memory_space<semaphore_mem>>)
    %dma_start3A_804 = arith.constant 5 : i32
    %dma_start3A_805 = arith.constant 2 : i32
    %dma_start3A_806 = arith.constant 128 : i32
    %dma_start3A_807 = arith.constant 0 : i32
    %dma_start3A_808 = tpu.memref_slice %arg5[%dma_start3A_805, %dma_start3A_806, %dma_start3A_807] : memref<3x256x128xf32, #tpu.memory_space<vmem>> -> memref<1x128x128xf32, #tpu.memory_space<vmem>>
    %dma_start3A_809 = tpu.memref_squeeze %dma_start3A_808 : memref<1x128x128xf32, #tpu.memory_space<vmem>> -> memref<128x128xf32, #tpu.memory_space<vmem>>
    %dma_start3A_810 = arith.constant 0 : i32
    %dma_start3A_811 = tpu.memref_slice %arg8[%dma_start3A_804, %dma_start3A_810] : memref<6x128xi32, #tpu.memory_space<vmem>> -> memref<1x128xi32, #tpu.memory_space<vmem>>
    %dma_start3A_812 = tpu.memref_squeeze %dma_start3A_811 : memref<1x128xi32, #tpu.memory_space<vmem>> -> memref<128xi32, #tpu.memory_space<vmem>>
    %dma_start3A_813 = arith.constant 0 : i32
    %dma_start3A_814 = arith.constant 0 : i32
    %dma_start3A_815 = tpu.memref_slice %arg2[%dma_start3A_813, %dma_start3A_814] : memref<12288x128xf32, #tpu.memory_space<hbm>> -> memref<12288x128xf32, #tpu.memory_space<hbm>>
    tpu.enqueue_indirect_dma source(%dma_start3A_815 : memref<12288x128xf32, #tpu.memory_space<hbm>>) target(%dma_start3A_809 : memref<128x128xf32, #tpu.memory_space<vmem>>) offsets(%dma_start3A_812 : memref<128xi32, #tpu.memory_space<vmem>>) semaphore(%arg10 : memref<!tpu.dma_semaphore, #tpu.memory_space<semaphore_mem>>)
    %mul3A_816 = arith.constant 128 : i32
    %mul3A_817 = arith.muli %select_n3A_30, %mul3A_816 : i32
    %mul3A_818 = arith.constant 0 : i32
    %mul3A_819 = arith.constant 4 : i32
    %mul3A_820 = arith.muli %mul3A_818, %mul3A_819 : i32
    %add3A_821 = arith.addi %mul3A_817, %mul3A_820 : i32
    %mul3A_822 = arith.constant 8 : i32
    %mul3A_823 = arith.muli %add3A_821, %mul3A_822 : i32
    %add3A_824 = arith.addi %add3A_73, %mul3A_823 : i32
    %broadcast_in_dim3A = arith.constant 0 : i32
    %broadcast_in_dim3A_825 = vector.broadcast %broadcast_in_dim3A : i32 to vector<16xi32>
    %shift_right_logical3A = arith.constant 2 : i32
    %shift_right_logical3A_826 = vector.broadcast %shift_right_logical3A : i32 to vector<16xi32>
    %shift_right_logical3A_827 = arith.shrui %iota3A, %shift_right_logical3A_826 : vector<16xi32>
    %mul3A_828 = arith.constant 4096 : i32
    %mul3A_829 = vector.broadcast %mul3A_828 : i32 to vector<16xi32>
    %mul3A_830 = arith.muli %shift_right_logical3A_827, %mul3A_829 : vector<16xi32>
    %add3A_831 = vector.broadcast %add3A_824 : i32 to vector<16xi32>
    %add3A_832 = arith.addi %add3A_831, %mul3A_830 : vector<16xi32>
    %and3A_833 = arith.constant 3 : i32
    %and3A_834 = vector.broadcast %and3A_833 : i32 to vector<16xi32>
    %and3A_835 = arith.andi %iota3A, %and3A_834 : vector<16xi32>
    %mul3A_836 = arith.constant 8 : i32
    %mul3A_837 = vector.broadcast %mul3A_836 : i32 to vector<16xi32>
    %mul3A_838 = arith.muli %and3A_835, %mul3A_837 : vector<16xi32>
    %add3A_839 = arith.addi %add3A_832, %mul3A_838 : vector<16xi32>
    %lt3A_840 = arith.constant 12 : i32
    %lt3A_841 = vector.broadcast %lt3A_840 : i32 to vector<16xi32>
    %lt3A_842 = arith.cmpi slt, %iota3A, %lt3A_841 : vector<16xi32>
    tpu.vector_store_idx %arg9[%broadcast_in_dim3A_825, %iota3A], %add3A_839 masked %lt3A_842 : memref<2x16xi32, #tpu.memory_space<vmem>>[vector<16xi32>, vector<16xi32>], vector<16xi32>, vector<16xi1>
    %dma_start3A_843 = arith.constant 0 : i32
    %dma_start3A_844 = arith.constant 0 : i32
    %dma_start3A_845 = arith.constant 0 : i32
    %dma_start3A_846 = arith.constant 0 : i32
    %dma_start3A_847 = tpu.memref_slice %arg6[%dma_start3A_844, %dma_start3A_845, %dma_start3A_846] : memref<2x12x128xi32, #tpu.memory_space<vmem>> -> memref<1x12x128xi32, #tpu.memory_space<vmem>>
    %dma_start3A_848 = tpu.memref_squeeze %dma_start3A_847 : memref<1x12x128xi32, #tpu.memory_space<vmem>> -> memref<12x128xi32, #tpu.memory_space<vmem>>
    %dma_start3A_849 = arith.constant 0 : i32
    %dma_start3A_850 = tpu.memref_slice %arg9[%dma_start3A_843, %dma_start3A_849] : memref<2x16xi32, #tpu.memory_space<vmem>> -> memref<1x12xi32, #tpu.memory_space<vmem>>
    %dma_start3A_851 = tpu.memref_squeeze %dma_start3A_850 : memref<1x12xi32, #tpu.memory_space<vmem>> -> memref<12xi32, #tpu.memory_space<vmem>>
    %dma_start3A_852 = arith.constant 0 : i32
    %dma_start3A_853 = arith.constant 0 : i32
    %dma_start3A_854 = tpu.memref_slice %arg3[%dma_start3A_852, %dma_start3A_853] : memref<12288x128xi32, #tpu.memory_space<hbm>> -> memref<12288x128xi32, #tpu.memory_space<hbm>>
    tpu.enqueue_indirect_dma source(%dma_start3A_854 : memref<12288x128xi32, #tpu.memory_space<hbm>>) target(%dma_start3A_848 : memref<12x128xi32, #tpu.memory_space<vmem>>) offsets(%dma_start3A_851 : memref<12xi32, #tpu.memory_space<vmem>>) semaphore(%arg11 : memref<!tpu.dma_semaphore, #tpu.memory_space<semaphore_mem>>)
    %dma_wait3A = arith.constant 0 : i32
    %dma_wait3A_855 = arith.constant 0 : i32
    %dma_wait3A_856 = arith.constant 0 : i32
    %dma_wait3A_857 = arith.constant 0 : i32
    %dma_wait3A_858 = tpu.memref_slice %arg5[%dma_wait3A_855, %dma_wait3A_856, %dma_wait3A_857] : memref<3x256x128xf32, #tpu.memory_space<vmem>> -> memref<1x128x128xf32, #tpu.memory_space<vmem>>
    %dma_wait3A_859 = tpu.memref_squeeze %dma_wait3A_858 : memref<1x128x128xf32, #tpu.memory_space<vmem>> -> memref<128x128xf32, #tpu.memory_space<vmem>>
    %dma_wait3A_860 = arith.constant 0 : i32
    %dma_wait3A_861 = tpu.memref_slice %arg8[%dma_wait3A, %dma_wait3A_860] : memref<6x128xi32, #tpu.memory_space<vmem>> -> memref<1x128xi32, #tpu.memory_space<vmem>>
    %dma_wait3A_862 = tpu.memref_squeeze %dma_wait3A_861 : memref<1x128xi32, #tpu.memory_space<vmem>> -> memref<128xi32, #tpu.memory_space<vmem>>
    %dma_wait3A_863 = arith.constant 0 : i32
    %dma_wait3A_864 = arith.constant 0 : i32
    %dma_wait3A_865 = tpu.memref_slice %arg2[%dma_wait3A_863, %dma_wait3A_864] : memref<12288x128xf32, #tpu.memory_space<hbm>> -> memref<12288x128xf32, #tpu.memory_space<hbm>>
    tpu.wait_indirect_dma semaphore(%arg10 : memref<!tpu.dma_semaphore, #tpu.memory_space<semaphore_mem>>) src(%dma_wait3A_865 : memref<12288x128xf32, #tpu.memory_space<hbm>>) dst(%dma_wait3A_859 : memref<128x128xf32, #tpu.memory_space<vmem>>)
    %dma_wait3A_866 = arith.constant 1 : i32
    %dma_wait3A_867 = arith.constant 0 : i32
    %dma_wait3A_868 = arith.constant 128 : i32
    %dma_wait3A_869 = arith.constant 0 : i32
    %dma_wait3A_870 = tpu.memref_slice %arg5[%dma_wait3A_867, %dma_wait3A_868, %dma_wait3A_869] : memref<3x256x128xf32, #tpu.memory_space<vmem>> -> memref<1x128x128xf32, #tpu.memory_space<vmem>>
    %dma_wait3A_871 = tpu.memref_squeeze %dma_wait3A_870 : memref<1x128x128xf32, #tpu.memory_space<vmem>> -> memref<128x128xf32, #tpu.memory_space<vmem>>
    %dma_wait3A_872 = arith.constant 0 : i32
    %dma_wait3A_873 = tpu.memref_slice %arg8[%dma_wait3A_866, %dma_wait3A_872] : memref<6x128xi32, #tpu.memory_space<vmem>> -> memref<1x128xi32, #tpu.memory_space<vmem>>
    %dma_wait3A_874 = tpu.memref_squeeze %dma_wait3A_873 : memref<1x128xi32, #tpu.memory_space<vmem>> -> memref<128xi32, #tpu.memory_space<vmem>>
    %dma_wait3A_875 = arith.constant 0 : i32
    %dma_wait3A_876 = arith.constant 0 : i32
    %dma_wait3A_877 = tpu.memref_slice %arg2[%dma_wait3A_875, %dma_wait3A_876] : memref<12288x128xf32, #tpu.memory_space<hbm>> -> memref<12288x128xf32, #tpu.memory_space<hbm>>
    tpu.wait_indirect_dma semaphore(%arg10 : memref<!tpu.dma_semaphore, #tpu.memory_space<semaphore_mem>>) src(%dma_wait3A_877 : memref<12288x128xf32, #tpu.memory_space<hbm>>) dst(%dma_wait3A_871 : memref<128x128xf32, #tpu.memory_space<vmem>>)
    %dma_wait3A_878 = arith.constant 2 : i32
    %dma_wait3A_879 = arith.constant 1 : i32
    %dma_wait3A_880 = arith.constant 0 : i32
    %dma_wait3A_881 = arith.constant 0 : i32
    %dma_wait3A_882 = tpu.memref_slice %arg5[%dma_wait3A_879, %dma_wait3A_880, %dma_wait3A_881] : memref<3x256x128xf32, #tpu.memory_space<vmem>> -> memref<1x128x128xf32, #tpu.memory_space<vmem>>
    %dma_wait3A_883 = tpu.memref_squeeze %dma_wait3A_882 : memref<1x128x128xf32, #tpu.memory_space<vmem>> -> memref<128x128xf32, #tpu.memory_space<vmem>>
    %dma_wait3A_884 = arith.constant 0 : i32
    %dma_wait3A_885 = tpu.memref_slice %arg8[%dma_wait3A_878, %dma_wait3A_884] : memref<6x128xi32, #tpu.memory_space<vmem>> -> memref<1x128xi32, #tpu.memory_space<vmem>>
    %dma_wait3A_886 = tpu.memref_squeeze %dma_wait3A_885 : memref<1x128xi32, #tpu.memory_space<vmem>> -> memref<128xi32, #tpu.memory_space<vmem>>
    %dma_wait3A_887 = arith.constant 0 : i32
    %dma_wait3A_888 = arith.constant 0 : i32
    %dma_wait3A_889 = tpu.memref_slice %arg2[%dma_wait3A_887, %dma_wait3A_888] : memref<12288x128xf32, #tpu.memory_space<hbm>> -> memref<12288x128xf32, #tpu.memory_space<hbm>>
    tpu.wait_indirect_dma semaphore(%arg10 : memref<!tpu.dma_semaphore, #tpu.memory_space<semaphore_mem>>) src(%dma_wait3A_889 : memref<12288x128xf32, #tpu.memory_space<hbm>>) dst(%dma_wait3A_883 : memref<128x128xf32, #tpu.memory_space<vmem>>)
    %dma_wait3A_890 = arith.constant 3 : i32
    %dma_wait3A_891 = arith.constant 1 : i32
    %dma_wait3A_892 = arith.constant 128 : i32
    %dma_wait3A_893 = arith.constant 0 : i32
    %dma_wait3A_894 = tpu.memref_slice %arg5[%dma_wait3A_891, %dma_wait3A_892, %dma_wait3A_893] : memref<3x256x128xf32, #tpu.memory_space<vmem>> -> memref<1x128x128xf32, #tpu.memory_space<vmem>>
    %dma_wait3A_895 = tpu.memref_squeeze %dma_wait3A_894 : memref<1x128x128xf32, #tpu.memory_space<vmem>> -> memref<128x128xf32, #tpu.memory_space<vmem>>
    %dma_wait3A_896 = arith.constant 0 : i32
    %dma_wait3A_897 = tpu.memref_slice %arg8[%dma_wait3A_890, %dma_wait3A_896] : memref<6x128xi32, #tpu.memory_space<vmem>> -> memref<1x128xi32, #tpu.memory_space<vmem>>
    %dma_wait3A_898 = tpu.memref_squeeze %dma_wait3A_897 : memref<1x128xi32, #tpu.memory_space<vmem>> -> memref<128xi32, #tpu.memory_space<vmem>>
    %dma_wait3A_899 = arith.constant 0 : i32
    %dma_wait3A_900 = arith.constant 0 : i32
    %dma_wait3A_901 = tpu.memref_slice %arg2[%dma_wait3A_899, %dma_wait3A_900] : memref<12288x128xf32, #tpu.memory_space<hbm>> -> memref<12288x128xf32, #tpu.memory_space<hbm>>
    tpu.wait_indirect_dma semaphore(%arg10 : memref<!tpu.dma_semaphore, #tpu.memory_space<semaphore_mem>>) src(%dma_wait3A_901 : memref<12288x128xf32, #tpu.memory_space<hbm>>) dst(%dma_wait3A_895 : memref<128x128xf32, #tpu.memory_space<vmem>>)
    %dma_wait3A_902 = arith.constant 4 : i32
    %dma_wait3A_903 = arith.constant 2 : i32
    %dma_wait3A_904 = arith.constant 0 : i32
    %dma_wait3A_905 = arith.constant 0 : i32
    %dma_wait3A_906 = tpu.memref_slice %arg5[%dma_wait3A_903, %dma_wait3A_904, %dma_wait3A_905] : memref<3x256x128xf32, #tpu.memory_space<vmem>> -> memref<1x128x128xf32, #tpu.memory_space<vmem>>
    %dma_wait3A_907 = tpu.memref_squeeze %dma_wait3A_906 : memref<1x128x128xf32, #tpu.memory_space<vmem>> -> memref<128x128xf32, #tpu.memory_space<vmem>>
    %dma_wait3A_908 = arith.constant 0 : i32
    %dma_wait3A_909 = tpu.memref_slice %arg8[%dma_wait3A_902, %dma_wait3A_908] : memref<6x128xi32, #tpu.memory_space<vmem>> -> memref<1x128xi32, #tpu.memory_space<vmem>>
    %dma_wait3A_910 = tpu.memref_squeeze %dma_wait3A_909 : memref<1x128xi32, #tpu.memory_space<vmem>> -> memref<128xi32, #tpu.memory_space<vmem>>
    %dma_wait3A_911 = arith.constant 0 : i32
    %dma_wait3A_912 = arith.constant 0 : i32
    %dma_wait3A_913 = tpu.memref_slice %arg2[%dma_wait3A_911, %dma_wait3A_912] : memref<12288x128xf32, #tpu.memory_space<hbm>> -> memref<12288x128xf32, #tpu.memory_space<hbm>>
    tpu.wait_indirect_dma semaphore(%arg10 : memref<!tpu.dma_semaphore, #tpu.memory_space<semaphore_mem>>) src(%dma_wait3A_913 : memref<12288x128xf32, #tpu.memory_space<hbm>>) dst(%dma_wait3A_907 : memref<128x128xf32, #tpu.memory_space<vmem>>)
    %dma_wait3A_914 = arith.constant 5 : i32
    %dma_wait3A_915 = arith.constant 2 : i32
    %dma_wait3A_916 = arith.constant 128 : i32
    %dma_wait3A_917 = arith.constant 0 : i32
    %dma_wait3A_918 = tpu.memref_slice %arg5[%dma_wait3A_915, %dma_wait3A_916, %dma_wait3A_917] : memref<3x256x128xf32, #tpu.memory_space<vmem>> -> memref<1x128x128xf32, #tpu.memory_space<vmem>>
    %dma_wait3A_919 = tpu.memref_squeeze %dma_wait3A_918 : memref<1x128x128xf32, #tpu.memory_space<vmem>> -> memref<128x128xf32, #tpu.memory_space<vmem>>
    %dma_wait3A_920 = arith.constant 0 : i32
    %dma_wait3A_921 = tpu.memref_slice %arg8[%dma_wait3A_914, %dma_wait3A_920] : memref<6x128xi32, #tpu.memory_space<vmem>> -> memref<1x128xi32, #tpu.memory_space<vmem>>
    %dma_wait3A_922 = tpu.memref_squeeze %dma_wait3A_921 : memref<1x128xi32, #tpu.memory_space<vmem>> -> memref<128xi32, #tpu.memory_space<vmem>>
    %dma_wait3A_923 = arith.constant 0 : i32
    %dma_wait3A_924 = arith.constant 0 : i32
    %dma_wait3A_925 = tpu.memref_slice %arg2[%dma_wait3A_923, %dma_wait3A_924] : memref<12288x128xf32, #tpu.memory_space<hbm>> -> memref<12288x128xf32, #tpu.memory_space<hbm>>
    tpu.wait_indirect_dma semaphore(%arg10 : memref<!tpu.dma_semaphore, #tpu.memory_space<semaphore_mem>>) src(%dma_wait3A_925 : memref<12288x128xf32, #tpu.memory_space<hbm>>) dst(%dma_wait3A_919 : memref<128x128xf32, #tpu.memory_space<vmem>>)
    %scan3A = arith.constant 0 : i32
    %scan3A_926 = arith.constant 0 : i32
    %scan3A_927 = arith.constant 16 : i32
    %scan3A_928 = arith.addi %scan3A_926, %scan3A_927 : i32
    %scan3A_929 = arith.constant 1 : i32
    scf.for %scan3A_1027 = %scan3A_926 to %scan3A_928 step %scan3A_929  : i32 {
      %mul3A_1028 = arith.constant 2 : i32
      %mul3A_1029 = arith.muli %scan3A_1027, %mul3A_1028 : i32
      %add3A_1030 = arith.constant 0 : i32
      %add3A_1031 = arith.addi %mul3A_1029, %add3A_1030 : i32
      %ge3A = arith.constant 1 : i32
      %ge3A_1032 = arith.cmpi sge, %scan3A_1027, %ge3A : i32
      %convert_element_type3A = arith.extui %ge3A_1032 : i1 to i32
      %cond3A = arith.constant 0 : i32
      %cond3A_1033 = arith.cmpi ne, %convert_element_type3A, %cond3A : i32
      scf.if %cond3A_1033 {
        %dma_wait3A_1329 = arith.constant 0 : i32
        %dma_wait3A_1330 = arith.constant 0 : i32
        %dma_wait3A_1331 = arith.constant 0 : i32
        %dma_wait3A_1332 = arith.constant 0 : i32
        %dma_wait3A_1333 = tpu.memref_slice %arg7[%dma_wait3A_1329, %dma_wait3A_1330, %dma_wait3A_1331, %dma_wait3A_1332] : memref<2x3x16x128xf32, #tpu.memory_space<vmem>> -> memref<1x1x16x128xf32, #tpu.memory_space<vmem>>
        %dma_wait3A_1334 = tpu.memref_squeeze %dma_wait3A_1333 : memref<1x1x16x128xf32, #tpu.memory_space<vmem>> -> memref<16x128xf32, #tpu.memory_space<vmem>>
        %dma_wait3A_1335 = arith.constant 0 : i32
        %dma_wait3A_1336 = arith.constant 0 : i32
        %dma_wait3A_1337 = tpu.memref_slice %arg4[%dma_wait3A_1335, %dma_wait3A_1336] : memref<49152x128xf32, #tpu.memory_space<hbm>> -> memref<16x128xf32, #tpu.memory_space<hbm>>
        %dma_wait3A_1338 = arith.constant 0 : i32
        %dma_wait3A_1339 = arith.constant 0 : i32
        %dma_wait3A_1340 = tpu.memref_slice %arg4[%dma_wait3A_1338, %dma_wait3A_1339] : memref<49152x128xf32, #tpu.memory_space<hbm>> -> memref<16x128xf32, #tpu.memory_space<hbm>>
        %dma_wait3A_1341 = arith.constant 0 : i32
        %dma_wait3A_1342 = arith.constant 0 : i32
        %dma_wait3A_1343 = tpu.memref_slice %arg7[%dma_wait3A_1329, %dma_wait3A_1330, %dma_wait3A_1341, %dma_wait3A_1342] : memref<2x3x16x128xf32, #tpu.memory_space<vmem>> -> memref<1x1x16x128xf32, #tpu.memory_space<vmem>>
        %dma_wait3A_1344 = tpu.memref_squeeze %dma_wait3A_1343 : memref<1x1x16x128xf32, #tpu.memory_space<vmem>> -> memref<16x128xf32, #tpu.memory_space<vmem>>
        tpu.wait_dma2 semaphore(%arg12 : memref<!tpu.dma_semaphore, #tpu.memory_space<semaphore_mem>>) src(%dma_wait3A_1344 : memref<16x128xf32, #tpu.memory_space<vmem>>) dst(%dma_wait3A_1340 : memref<16x128xf32, #tpu.memory_space<hbm>>)
        %dma_wait3A_1345 = arith.constant 0 : i32
        %dma_wait3A_1346 = arith.constant 1 : i32
        %dma_wait3A_1347 = arith.constant 0 : i32
        %dma_wait3A_1348 = arith.constant 0 : i32
        %dma_wait3A_1349 = tpu.memref_slice %arg7[%dma_wait3A_1345, %dma_wait3A_1346, %dma_wait3A_1347, %dma_wait3A_1348] : memref<2x3x16x128xf32, #tpu.memory_space<vmem>> -> memref<1x1x16x128xf32, #tpu.memory_space<vmem>>
        %dma_wait3A_1350 = tpu.memref_squeeze %dma_wait3A_1349 : memref<1x1x16x128xf32, #tpu.memory_space<vmem>> -> memref<16x128xf32, #tpu.memory_space<vmem>>
        %dma_wait3A_1351 = arith.constant 0 : i32
        %dma_wait3A_1352 = arith.constant 0 : i32
        %dma_wait3A_1353 = tpu.memref_slice %arg4[%dma_wait3A_1351, %dma_wait3A_1352] : memref<49152x128xf32, #tpu.memory_space<hbm>> -> memref<16x128xf32, #tpu.memory_space<hbm>>
        %dma_wait3A_1354 = arith.constant 0 : i32
        %dma_wait3A_1355 = arith.constant 0 : i32
        %dma_wait3A_1356 = tpu.memref_slice %arg4[%dma_wait3A_1354, %dma_wait3A_1355] : memref<49152x128xf32, #tpu.memory_space<hbm>> -> memref<16x128xf32, #tpu.memory_space<hbm>>
        %dma_wait3A_1357 = arith.constant 0 : i32
        %dma_wait3A_1358 = arith.constant 0 : i32
        %dma_wait3A_1359 = tpu.memref_slice %arg7[%dma_wait3A_1345, %dma_wait3A_1346, %dma_wait3A_1357, %dma_wait3A_1358] : memref<2x3x16x128xf32, #tpu.memory_space<vmem>> -> memref<1x1x16x128xf32, #tpu.memory_space<vmem>>
        %dma_wait3A_1360 = tpu.memref_squeeze %dma_wait3A_1359 : memref<1x1x16x128xf32, #tpu.memory_space<vmem>> -> memref<16x128xf32, #tpu.memory_space<vmem>>
        tpu.wait_dma2 semaphore(%arg12 : memref<!tpu.dma_semaphore, #tpu.memory_space<semaphore_mem>>) src(%dma_wait3A_1360 : memref<16x128xf32, #tpu.memory_space<vmem>>) dst(%dma_wait3A_1356 : memref<16x128xf32, #tpu.memory_space<hbm>>)
        %dma_wait3A_1361 = arith.constant 0 : i32
        %dma_wait3A_1362 = arith.constant 2 : i32
        %dma_wait3A_1363 = arith.constant 0 : i32
        %dma_wait3A_1364 = arith.constant 0 : i32
        %dma_wait3A_1365 = tpu.memref_slice %arg7[%dma_wait3A_1361, %dma_wait3A_1362, %dma_wait3A_1363, %dma_wait3A_1364] : memref<2x3x16x128xf32, #tpu.memory_space<vmem>> -> memref<1x1x16x128xf32, #tpu.memory_space<vmem>>
        %dma_wait3A_1366 = tpu.memref_squeeze %dma_wait3A_1365 : memref<1x1x16x128xf32, #tpu.memory_space<vmem>> -> memref<16x128xf32, #tpu.memory_space<vmem>>
        %dma_wait3A_1367 = arith.constant 0 : i32
        %dma_wait3A_1368 = arith.constant 0 : i32
        %dma_wait3A_1369 = tpu.memref_slice %arg4[%dma_wait3A_1367, %dma_wait3A_1368] : memref<49152x128xf32, #tpu.memory_space<hbm>> -> memref<16x128xf32, #tpu.memory_space<hbm>>
        %dma_wait3A_1370 = arith.constant 0 : i32
        %dma_wait3A_1371 = arith.constant 0 : i32
        %dma_wait3A_1372 = tpu.memref_slice %arg4[%dma_wait3A_1370, %dma_wait3A_1371] : memref<49152x128xf32, #tpu.memory_space<hbm>> -> memref<16x128xf32, #tpu.memory_space<hbm>>
        %dma_wait3A_1373 = arith.constant 0 : i32
        %dma_wait3A_1374 = arith.constant 0 : i32
        %dma_wait3A_1375 = tpu.memref_slice %arg7[%dma_wait3A_1361, %dma_wait3A_1362, %dma_wait3A_1373, %dma_wait3A_1374] : memref<2x3x16x128xf32, #tpu.memory_space<vmem>> -> memref<1x1x16x128xf32, #tpu.memory_space<vmem>>
        %dma_wait3A_1376 = tpu.memref_squeeze %dma_wait3A_1375 : memref<1x1x16x128xf32, #tpu.memory_space<vmem>> -> memref<16x128xf32, #tpu.memory_space<vmem>>
        tpu.wait_dma2 semaphore(%arg12 : memref<!tpu.dma_semaphore, #tpu.memory_space<semaphore_mem>>) src(%dma_wait3A_1376 : memref<16x128xf32, #tpu.memory_space<vmem>>) dst(%dma_wait3A_1372 : memref<16x128xf32, #tpu.memory_space<hbm>>)
      } else {
      }
      %dma_wait3A_1034 = arith.constant 0 : i32
      %dma_wait3A_1035 = arith.constant 0 : i32
      %dma_wait3A_1036 = arith.constant 0 : i32
      %dma_wait3A_1037 = arith.constant 0 : i32
      %dma_wait3A_1038 = tpu.memref_slice %arg6[%dma_wait3A_1035, %dma_wait3A_1036, %dma_wait3A_1037] : memref<2x12x128xi32, #tpu.memory_space<vmem>> -> memref<1x12x128xi32, #tpu.memory_space<vmem>>
      %dma_wait3A_1039 = tpu.memref_squeeze %dma_wait3A_1038 : memref<1x12x128xi32, #tpu.memory_space<vmem>> -> memref<12x128xi32, #tpu.memory_space<vmem>>
      %dma_wait3A_1040 = arith.constant 0 : i32
      %dma_wait3A_1041 = tpu.memref_slice %arg9[%dma_wait3A_1034, %dma_wait3A_1040] : memref<2x16xi32, #tpu.memory_space<vmem>> -> memref<1x12xi32, #tpu.memory_space<vmem>>
      %dma_wait3A_1042 = tpu.memref_squeeze %dma_wait3A_1041 : memref<1x12xi32, #tpu.memory_space<vmem>> -> memref<12xi32, #tpu.memory_space<vmem>>
      %dma_wait3A_1043 = arith.constant 0 : i32
      %dma_wait3A_1044 = arith.constant 0 : i32
      %dma_wait3A_1045 = tpu.memref_slice %arg3[%dma_wait3A_1043, %dma_wait3A_1044] : memref<12288x128xi32, #tpu.memory_space<hbm>> -> memref<12288x128xi32, #tpu.memory_space<hbm>>
      tpu.wait_indirect_dma semaphore(%arg11 : memref<!tpu.dma_semaphore, #tpu.memory_space<semaphore_mem>>) src(%dma_wait3A_1045 : memref<12288x128xi32, #tpu.memory_space<hbm>>) dst(%dma_wait3A_1039 : memref<12x128xi32, #tpu.memory_space<vmem>>)
      %add3A_1046 = arith.constant 1 : i32
      %add3A_1047 = arith.addi %add3A_1031, %add3A_1046 : i32
      %lt3A_1048 = arith.constant 32 : i32
      %lt3A_1049 = arith.cmpi slt, %add3A_1047, %lt3A_1048 : i32
      %convert_element_type3A_1050 = arith.extui %lt3A_1049 : i1 to i32
      %cond3A_1051 = arith.constant 0 : i32
      %cond3A_1052 = arith.cmpi ne, %convert_element_type3A_1050, %cond3A_1051 : i32
      scf.if %cond3A_1052 {
        %add3A_1329 = arith.constant 1 : i32
        %add3A_1330 = arith.addi %add3A_1031, %add3A_1329 : i32
        %mul3A_1331 = arith.constant 128 : i32
        %mul3A_1332 = arith.muli %select_n3A_30, %mul3A_1331 : i32
        %mul3A_1333 = arith.constant 4 : i32
        %mul3A_1334 = arith.muli %add3A_1330, %mul3A_1333 : i32
        %add3A_1335 = arith.addi %mul3A_1332, %mul3A_1334 : i32
        %mul3A_1336 = arith.constant 8 : i32
        %mul3A_1337 = arith.muli %add3A_1335, %mul3A_1336 : i32
        %add3A_1338 = arith.addi %add3A_73, %mul3A_1337 : i32
        %broadcast_in_dim3A_1339 = arith.constant 1 : i32
        %broadcast_in_dim3A_1340 = vector.broadcast %broadcast_in_dim3A_1339 : i32 to vector<16xi32>
        %shift_right_logical3A_1341 = arith.constant 2 : i32
        %shift_right_logical3A_1342 = vector.broadcast %shift_right_logical3A_1341 : i32 to vector<16xi32>
        %shift_right_logical3A_1343 = arith.shrui %iota3A, %shift_right_logical3A_1342 : vector<16xi32>
        %mul3A_1344 = arith.constant 4096 : i32
        %mul3A_1345 = vector.broadcast %mul3A_1344 : i32 to vector<16xi32>
        %mul3A_1346 = arith.muli %shift_right_logical3A_1343, %mul3A_1345 : vector<16xi32>
        %add3A_1347 = vector.broadcast %add3A_1338 : i32 to vector<16xi32>
        %add3A_1348 = arith.addi %add3A_1347, %mul3A_1346 : vector<16xi32>
        %and3A_1349 = arith.constant 3 : i32
        %and3A_1350 = vector.broadcast %and3A_1349 : i32 to vector<16xi32>
        %and3A_1351 = arith.andi %iota3A, %and3A_1350 : vector<16xi32>
        %mul3A_1352 = arith.constant 8 : i32
        %mul3A_1353 = vector.broadcast %mul3A_1352 : i32 to vector<16xi32>
        %mul3A_1354 = arith.muli %and3A_1351, %mul3A_1353 : vector<16xi32>
        %add3A_1355 = arith.addi %add3A_1348, %mul3A_1354 : vector<16xi32>
        %lt3A_1356 = arith.constant 12 : i32
        %lt3A_1357 = vector.broadcast %lt3A_1356 : i32 to vector<16xi32>
        %lt3A_1358 = arith.cmpi slt, %iota3A, %lt3A_1357 : vector<16xi32>
        tpu.vector_store_idx %arg9[%broadcast_in_dim3A_1340, %iota3A], %add3A_1355 masked %lt3A_1358 : memref<2x16xi32, #tpu.memory_space<vmem>>[vector<16xi32>, vector<16xi32>], vector<16xi32>, vector<16xi1>
        %dma_start3A_1359 = arith.constant 1 : i32
        %dma_start3A_1360 = arith.constant 1 : i32
        %dma_start3A_1361 = arith.constant 0 : i32
        %dma_start3A_1362 = arith.constant 0 : i32
        %dma_start3A_1363 = tpu.memref_slice %arg6[%dma_start3A_1360, %dma_start3A_1361, %dma_start3A_1362] : memref<2x12x128xi32, #tpu.memory_space<vmem>> -> memref<1x12x128xi32, #tpu.memory_space<vmem>>
        %dma_start3A_1364 = tpu.memref_squeeze %dma_start3A_1363 : memref<1x12x128xi32, #tpu.memory_space<vmem>> -> memref<12x128xi32, #tpu.memory_space<vmem>>
        %dma_start3A_1365 = arith.constant 0 : i32
        %dma_start3A_1366 = tpu.memref_slice %arg9[%dma_start3A_1359, %dma_start3A_1365] : memref<2x16xi32, #tpu.memory_space<vmem>> -> memref<1x12xi32, #tpu.memory_space<vmem>>
        %dma_start3A_1367 = tpu.memref_squeeze %dma_start3A_1366 : memref<1x12xi32, #tpu.memory_space<vmem>> -> memref<12xi32, #tpu.memory_space<vmem>>
        %dma_start3A_1368 = arith.constant 0 : i32
        %dma_start3A_1369 = arith.constant 0 : i32
        %dma_start3A_1370 = tpu.memref_slice %arg3[%dma_start3A_1368, %dma_start3A_1369] : memref<12288x128xi32, #tpu.memory_space<hbm>> -> memref<12288x128xi32, #tpu.memory_space<hbm>>
        tpu.enqueue_indirect_dma source(%dma_start3A_1370 : memref<12288x128xi32, #tpu.memory_space<hbm>>) target(%dma_start3A_1364 : memref<12x128xi32, #tpu.memory_space<vmem>>) offsets(%dma_start3A_1367 : memref<12xi32, #tpu.memory_space<vmem>>) semaphore(%arg11 : memref<!tpu.dma_semaphore, #tpu.memory_space<semaphore_mem>>)
      } else {
      }
      %parallel_loop3A = arith.constant 0 : i32
      %parallel_loop3A_1053 = arith.constant 32 : i32
      %parallel_loop3A_1054 = arith.constant 1 : i32
      %parallel_loop3A_1055 = arith.constant 0 : i32
      %parallel_loop3A_1056 = arith.constant 0 : i32
      %parallel_loop3A_1057 = arith.constant 1 : i32
      %parallel_loop3A_1058 = arith.constant 2 : i32
      %parallel_loop3A_1059 = arith.constant 0 : i32
      scf.for %parallel_loop3A_1329 = %parallel_loop3A to %parallel_loop3A_1053 step %parallel_loop3A_1054  : i32 {
        %parallel_loop3A_1330 = arith.constant 3 : i32
        %parallel_loop3A_1331 = arith.shrui %parallel_loop3A_1329, %parallel_loop3A_1330 : i32
        %parallel_loop3A_1332 = arith.constant 7 : i32
        %parallel_loop3A_1333 = arith.andi %parallel_loop3A_1329, %parallel_loop3A_1332 : i32
        %parallel_loop3A_1334 = arith.constant 16 : i32
        %parallel_loop3A_1335 = arith.muli %parallel_loop3A_1333, %parallel_loop3A_1334 : i32
        %parallel_loop3A_1336 = arith.constant 0 : i32
        %parallel_loop3A_1337 = arith.constant 0 : i32
        %parallel_loop3A_1338 = tpu.memref_slice %arg6[%parallel_loop3A_1055, %parallel_loop3A_1336, %parallel_loop3A_1337] : memref<2x12x128xi32, #tpu.memory_space<vmem>> -> memref<1x12x128xi32, #tpu.memory_space<vmem>>
        %parallel_loop3A_1339 = tpu.memref_squeeze %parallel_loop3A_1338 : memref<1x12x128xi32, #tpu.memory_space<vmem>> -> memref<12x128xi32, #tpu.memory_space<vmem>>
        %parallel_loop3A_1340 = arith.index_cast %parallel_loop3A_1331 : i32 to index
        %parallel_loop3A_1341 = arith.index_cast %parallel_loop3A_1335 : i32 to index
        %parallel_loop3A_1342 = tpu.vector_load %parallel_loop3A_1339[%parallel_loop3A_1340, %parallel_loop3A_1341] {strides = array<i32>} : memref<12x128xi32, #tpu.memory_space<vmem>>, vector<16xi32>,
        %parallel_loop3A_1343 = arith.constant 4 : i32
        %parallel_loop3A_1344 = arith.addi %parallel_loop3A_1331, %parallel_loop3A_1343 : i32
        %parallel_loop3A_1345 = arith.constant 0 : i32
        %parallel_loop3A_1346 = arith.constant 0 : i32
        %parallel_loop3A_1347 = tpu.memref_slice %arg6[%parallel_loop3A_1055, %parallel_loop3A_1345, %parallel_loop3A_1346] : memref<2x12x128xi32, #tpu.memory_space<vmem>> -> memref<1x12x128xi32, #tpu.memory_space<vmem>>
        %parallel_loop3A_1348 = tpu.memref_squeeze %parallel_loop3A_1347 : memref<1x12x128xi32, #tpu.memory_space<vmem>> -> memref<12x128xi32, #tpu.memory_space<vmem>>
        %parallel_loop3A_1349 = arith.index_cast %parallel_loop3A_1344 : i32 to index
        %parallel_loop3A_1350 = arith.index_cast %parallel_loop3A_1335 : i32 to index
        %parallel_loop3A_1351 = tpu.vector_load %parallel_loop3A_1348[%parallel_loop3A_1349, %parallel_loop3A_1350] {strides = array<i32>} : memref<12x128xi32, #tpu.memory_space<vmem>>, vector<16xi32>,
        %parallel_loop3A_1352 = arith.constant 8 : i32
        %parallel_loop3A_1353 = arith.addi %parallel_loop3A_1331, %parallel_loop3A_1352 : i32
        %parallel_loop3A_1354 = arith.constant 0 : i32
        %parallel_loop3A_1355 = arith.constant 0 : i32
        %parallel_loop3A_1356 = tpu.memref_slice %arg6[%parallel_loop3A_1055, %parallel_loop3A_1354, %parallel_loop3A_1355] : memref<2x12x128xi32, #tpu.memory_space<vmem>> -> memref<1x12x128xi32, #tpu.memory_space<vmem>>
        %parallel_loop3A_1357 = tpu.memref_squeeze %parallel_loop3A_1356 : memref<1x12x128xi32, #tpu.memory_space<vmem>> -> memref<12x128xi32, #tpu.memory_space<vmem>>
        %parallel_loop3A_1358 = arith.index_cast %parallel_loop3A_1353 : i32 to index
        %parallel_loop3A_1359 = arith.index_cast %parallel_loop3A_1335 : i32 to index
        %parallel_loop3A_1360 = tpu.vector_load %parallel_loop3A_1357[%parallel_loop3A_1358, %parallel_loop3A_1359] {strides = array<i32>} : memref<12x128xi32, #tpu.memory_space<vmem>>, vector<16xi32>,
        %parallel_loop3A_1361 = arith.constant 7 : i32
        %parallel_loop3A_1362 = vector.broadcast %parallel_loop3A_1361 : i32 to vector<16xi32>
        %parallel_loop3A_1363 = arith.shrui %parallel_loop3A_1342, %parallel_loop3A_1362 : vector<16xi32>
        %parallel_loop3A_1364 = arith.constant 127 : i32
        %parallel_loop3A_1365 = vector.broadcast %parallel_loop3A_1364 : i32 to vector<16xi32>
        %parallel_loop3A_1366 = arith.andi %parallel_loop3A_1342, %parallel_loop3A_1365 : vector<16xi32>
        %parallel_loop3A_1367 = arith.constant 7 : i32
        %parallel_loop3A_1368 = vector.broadcast %parallel_loop3A_1367 : i32 to vector<16xi32>
        %parallel_loop3A_1369 = arith.shrui %parallel_loop3A_1351, %parallel_loop3A_1368 : vector<16xi32>
        %parallel_loop3A_1370 = arith.constant 127 : i32
        %parallel_loop3A_1371 = vector.broadcast %parallel_loop3A_1370 : i32 to vector<16xi32>
        %parallel_loop3A_1372 = arith.andi %parallel_loop3A_1351, %parallel_loop3A_1371 : vector<16xi32>
        %parallel_loop3A_1373 = arith.constant 7 : i32
        %parallel_loop3A_1374 = vector.broadcast %parallel_loop3A_1373 : i32 to vector<16xi32>
        %parallel_loop3A_1375 = arith.shrui %parallel_loop3A_1360, %parallel_loop3A_1374 : vector<16xi32>
        %parallel_loop3A_1376 = arith.constant 127 : i32
        %parallel_loop3A_1377 = vector.broadcast %parallel_loop3A_1376 : i32 to vector<16xi32>
        %parallel_loop3A_1378 = arith.andi %parallel_loop3A_1360, %parallel_loop3A_1377 : vector<16xi32>
        %parallel_loop3A_1379 = arith.constant 0 : i32
        %parallel_loop3A_1380 = arith.constant 0 : i32
        %parallel_loop3A_1381 = tpu.memref_slice %arg5[%parallel_loop3A_1056, %parallel_loop3A_1379, %parallel_loop3A_1380] : memref<3x256x128xf32, #tpu.memory_space<vmem>> -> memref<1x256x128xf32, #tpu.memory_space<vmem>>
        %parallel_loop3A_1382 = tpu.memref_squeeze %parallel_loop3A_1381 : memref<1x256x128xf32, #tpu.memory_space<vmem>> -> memref<256x128xf32, #tpu.memory_space<vmem>>
        %parallel_loop3A_1383 = tpu.vector_load_idx %parallel_loop3A_1382[%parallel_loop3A_1363, %parallel_loop3A_1366] : memref<256x128xf32, #tpu.memory_space<vmem>>[vector<16xi32>, vector<16xi32>], vector<16xf32>,
        %parallel_loop3A_1384 = arith.constant 0 : i32
        %parallel_loop3A_1385 = arith.constant 0 : i32
        %parallel_loop3A_1386 = tpu.memref_slice %arg5[%parallel_loop3A_1057, %parallel_loop3A_1384, %parallel_loop3A_1385] : memref<3x256x128xf32, #tpu.memory_space<vmem>> -> memref<1x256x128xf32, #tpu.memory_space<vmem>>
        %parallel_loop3A_1387 = tpu.memref_squeeze %parallel_loop3A_1386 : memref<1x256x128xf32, #tpu.memory_space<vmem>> -> memref<256x128xf32, #tpu.memory_space<vmem>>
        %parallel_loop3A_1388 = tpu.vector_load_idx %parallel_loop3A_1387[%parallel_loop3A_1363, %parallel_loop3A_1366] : memref<256x128xf32, #tpu.memory_space<vmem>>[vector<16xi32>, vector<16xi32>], vector<16xf32>,
        %parallel_loop3A_1389 = arith.constant 0 : i32
        %parallel_loop3A_1390 = arith.constant 0 : i32
        %parallel_loop3A_1391 = tpu.memref_slice %arg5[%parallel_loop3A_1058, %parallel_loop3A_1389, %parallel_loop3A_1390] : memref<3x256x128xf32, #tpu.memory_space<vmem>> -> memref<1x256x128xf32, #tpu.memory_space<vmem>>
        %parallel_loop3A_1392 = tpu.memref_squeeze %parallel_loop3A_1391 : memref<1x256x128xf32, #tpu.memory_space<vmem>> -> memref<256x128xf32, #tpu.memory_space<vmem>>
        %parallel_loop3A_1393 = tpu.vector_load_idx %parallel_loop3A_1392[%parallel_loop3A_1363, %parallel_loop3A_1366] : memref<256x128xf32, #tpu.memory_space<vmem>>[vector<16xi32>, vector<16xi32>], vector<16xf32>,
        %parallel_loop3A_1394 = arith.constant 0 : i32
        %parallel_loop3A_1395 = arith.constant 0 : i32
        %parallel_loop3A_1396 = tpu.memref_slice %arg5[%parallel_loop3A_1056, %parallel_loop3A_1394, %parallel_loop3A_1395] : memref<3x256x128xf32, #tpu.memory_space<vmem>> -> memref<1x256x128xf32, #tpu.memory_space<vmem>>
        %parallel_loop3A_1397 = tpu.memref_squeeze %parallel_loop3A_1396 : memref<1x256x128xf32, #tpu.memory_space<vmem>> -> memref<256x128xf32, #tpu.memory_space<vmem>>
        %parallel_loop3A_1398 = tpu.vector_load_idx %parallel_loop3A_1397[%parallel_loop3A_1369, %parallel_loop3A_1372] : memref<256x128xf32, #tpu.memory_space<vmem>>[vector<16xi32>, vector<16xi32>], vector<16xf32>,
        %parallel_loop3A_1399 = arith.constant 0 : i32
        %parallel_loop3A_1400 = arith.constant 0 : i32
        %parallel_loop3A_1401 = tpu.memref_slice %arg5[%parallel_loop3A_1057, %parallel_loop3A_1399, %parallel_loop3A_1400] : memref<3x256x128xf32, #tpu.memory_space<vmem>> -> memref<1x256x128xf32, #tpu.memory_space<vmem>>
        %parallel_loop3A_1402 = tpu.memref_squeeze %parallel_loop3A_1401 : memref<1x256x128xf32, #tpu.memory_space<vmem>> -> memref<256x128xf32, #tpu.memory_space<vmem>>
        %parallel_loop3A_1403 = tpu.vector_load_idx %parallel_loop3A_1402[%parallel_loop3A_1369, %parallel_loop3A_1372] : memref<256x128xf32, #tpu.memory_space<vmem>>[vector<16xi32>, vector<16xi32>], vector<16xf32>,
        %parallel_loop3A_1404 = arith.constant 0 : i32
        %parallel_loop3A_1405 = arith.constant 0 : i32
        %parallel_loop3A_1406 = tpu.memref_slice %arg5[%parallel_loop3A_1058, %parallel_loop3A_1404, %parallel_loop3A_1405] : memref<3x256x128xf32, #tpu.memory_space<vmem>> -> memref<1x256x128xf32, #tpu.memory_space<vmem>>
        %parallel_loop3A_1407 = tpu.memref_squeeze %parallel_loop3A_1406 : memref<1x256x128xf32, #tpu.memory_space<vmem>> -> memref<256x128xf32, #tpu.memory_space<vmem>>
        %parallel_loop3A_1408 = tpu.vector_load_idx %parallel_loop3A_1407[%parallel_loop3A_1369, %parallel_loop3A_1372] : memref<256x128xf32, #tpu.memory_space<vmem>>[vector<16xi32>, vector<16xi32>], vector<16xf32>,
        %parallel_loop3A_1409 = arith.constant 0 : i32
        %parallel_loop3A_1410 = arith.constant 0 : i32
        %parallel_loop3A_1411 = tpu.memref_slice %arg5[%parallel_loop3A_1056, %parallel_loop3A_1409, %parallel_loop3A_1410] : memref<3x256x128xf32, #tpu.memory_space<vmem>> -> memref<1x256x128xf32, #tpu.memory_space<vmem>>
        %parallel_loop3A_1412 = tpu.memref_squeeze %parallel_loop3A_1411 : memref<1x256x128xf32, #tpu.memory_space<vmem>> -> memref<256x128xf32, #tpu.memory_space<vmem>>
        %parallel_loop3A_1413 = tpu.vector_load_idx %parallel_loop3A_1412[%parallel_loop3A_1375, %parallel_loop3A_1378] : memref<256x128xf32, #tpu.memory_space<vmem>>[vector<16xi32>, vector<16xi32>], vector<16xf32>,
        %parallel_loop3A_1414 = arith.constant 0 : i32
        %parallel_loop3A_1415 = arith.constant 0 : i32
        %parallel_loop3A_1416 = tpu.memref_slice %arg5[%parallel_loop3A_1057, %parallel_loop3A_1414, %parallel_loop3A_1415] : memref<3x256x128xf32, #tpu.memory_space<vmem>> -> memref<1x256x128xf32, #tpu.memory_space<vmem>>
        %parallel_loop3A_1417 = tpu.memref_squeeze %parallel_loop3A_1416 : memref<1x256x128xf32, #tpu.memory_space<vmem>> -> memref<256x128xf32, #tpu.memory_space<vmem>>
        %parallel_loop3A_1418 = tpu.vector_load_idx %parallel_loop3A_1417[%parallel_loop3A_1375, %parallel_loop3A_1378] : memref<256x128xf32, #tpu.memory_space<vmem>>[vector<16xi32>, vector<16xi32>], vector<16xf32>,
        %parallel_loop3A_1419 = arith.constant 0 : i32
        %parallel_loop3A_1420 = arith.constant 0 : i32
        %parallel_loop3A_1421 = tpu.memref_slice %arg5[%parallel_loop3A_1058, %parallel_loop3A_1419, %parallel_loop3A_1420] : memref<3x256x128xf32, #tpu.memory_space<vmem>> -> memref<1x256x128xf32, #tpu.memory_space<vmem>>
        %parallel_loop3A_1422 = tpu.memref_squeeze %parallel_loop3A_1421 : memref<1x256x128xf32, #tpu.memory_space<vmem>> -> memref<256x128xf32, #tpu.memory_space<vmem>>
        %parallel_loop3A_1423 = tpu.vector_load_idx %parallel_loop3A_1422[%parallel_loop3A_1375, %parallel_loop3A_1378] : memref<256x128xf32, #tpu.memory_space<vmem>>[vector<16xi32>, vector<16xi32>], vector<16xf32>,
        %parallel_loop3A_1424 = arith.subf %parallel_loop3A_1398, %parallel_loop3A_1383 : vector<16xf32>
        %parallel_loop3A_1425 = arith.subf %parallel_loop3A_1403, %parallel_loop3A_1388 : vector<16xf32>
        %parallel_loop3A_1426 = arith.subf %parallel_loop3A_1408, %parallel_loop3A_1393 : vector<16xf32>
        %parallel_loop3A_1427 = arith.subf %parallel_loop3A_1413, %parallel_loop3A_1383 : vector<16xf32>
        %parallel_loop3A_1428 = arith.subf %parallel_loop3A_1418, %parallel_loop3A_1388 : vector<16xf32>
        %parallel_loop3A_1429 = arith.subf %parallel_loop3A_1423, %parallel_loop3A_1393 : vector<16xf32>
        %parallel_loop3A_1430 = arith.constant 4 : i32
        %parallel_loop3A_1431 = arith.muli %parallel_loop3A_1331, %parallel_loop3A_1430 : i32
        %parallel_loop3A_1432 = arith.constant 0 : i32
        %parallel_loop3A_1433 = arith.constant 0 : i32
        %parallel_loop3A_1434 = arith.constant 0 : i32
        %parallel_loop3A_1435 = arith.constant 0 : i32
        %parallel_loop3A_1436 = tpu.memref_slice %arg7[%parallel_loop3A_1059, %parallel_loop3A_1433, %parallel_loop3A_1434, %parallel_loop3A_1435] : memref<2x3x16x128xf32, #tpu.memory_space<vmem>> -> memref<1x3x16x128xf32, #tpu.memory_space<vmem>>
        %parallel_loop3A_1437 = tpu.memref_squeeze %parallel_loop3A_1436 : memref<1x3x16x128xf32, #tpu.memory_space<vmem>> -> memref<3x16x128xf32, #tpu.memory_space<vmem>>
        %parallel_loop3A_1438 = arith.index_cast %parallel_loop3A_1432 : i32 to index
        %parallel_loop3A_1439 = arith.index_cast %parallel_loop3A_1431 : i32 to index
        %parallel_loop3A_1440 = arith.index_cast %parallel_loop3A_1335 : i32 to index
        %parallel_loop3A_1441 = tpu.vector_load %parallel_loop3A_1437[%parallel_loop3A_1438, %parallel_loop3A_1439, %parallel_loop3A_1440] {strides = array<i32>} : memref<3x16x128xf32, #tpu.memory_space<vmem>>, vector<16xf32>,
        tpu.vector_store %parallel_loop3A_1437[%parallel_loop3A_1438, %parallel_loop3A_1439, %parallel_loop3A_1440], %parallel_loop3A_1383 {strides = array<i32>} : memref<3x16x128xf32, #tpu.memory_space<vmem>>, vector<16xf32>,
        %parallel_loop3A_1442 = arith.constant 1 : i32
        %parallel_loop3A_1443 = arith.constant 0 : i32
        %parallel_loop3A_1444 = arith.constant 0 : i32
        %parallel_loop3A_1445 = arith.constant 0 : i32
        %parallel_loop3A_1446 = tpu.memref_slice %arg7[%parallel_loop3A_1059, %parallel_loop3A_1443, %parallel_loop3A_1444, %parallel_loop3A_1445] : memref<2x3x16x128xf32, #tpu.memory_space<vmem>> -> memref<1x3x16x128xf32, #tpu.memory_space<vmem>>
        %parallel_loop3A_1447 = tpu.memref_squeeze %parallel_loop3A_1446 : memref<1x3x16x128xf32, #tpu.memory_space<vmem>> -> memref<3x16x128xf32, #tpu.memory_space<vmem>>
        %parallel_loop3A_1448 = arith.index_cast %parallel_loop3A_1442 : i32 to index
        %parallel_loop3A_1449 = arith.index_cast %parallel_loop3A_1431 : i32 to index
        %parallel_loop3A_1450 = arith.index_cast %parallel_loop3A_1335 : i32 to index
        %parallel_loop3A_1451 = tpu.vector_load %parallel_loop3A_1447[%parallel_loop3A_1448, %parallel_loop3A_1449, %parallel_loop3A_1450] {strides = array<i32>} : memref<3x16x128xf32, #tpu.memory_space<vmem>>, vector<16xf32>,
        tpu.vector_store %parallel_loop3A_1447[%parallel_loop3A_1448, %parallel_loop3A_1449, %parallel_loop3A_1450], %parallel_loop3A_1388 {strides = array<i32>} : memref<3x16x128xf32, #tpu.memory_space<vmem>>, vector<16xf32>,
        %parallel_loop3A_1452 = arith.constant 2 : i32
        %parallel_loop3A_1453 = arith.constant 0 : i32
        %parallel_loop3A_1454 = arith.constant 0 : i32
        %parallel_loop3A_1455 = arith.constant 0 : i32
        %parallel_loop3A_1456 = tpu.memref_slice %arg7[%parallel_loop3A_1059, %parallel_loop3A_1453, %parallel_loop3A_1454, %parallel_loop3A_1455] : memref<2x3x16x128xf32, #tpu.memory_space<vmem>> -> memref<1x3x16x128xf32, #tpu.memory_space<vmem>>
        %parallel_loop3A_1457 = tpu.memref_squeeze %parallel_loop3A_1456 : memref<1x3x16x128xf32, #tpu.memory_space<vmem>> -> memref<3x16x128xf32, #tpu.memory_space<vmem>>
        %parallel_loop3A_1458 = arith.index_cast %parallel_loop3A_1452 : i32 to index
        %parallel_loop3A_1459 = arith.index_cast %parallel_loop3A_1431 : i32 to index
        %parallel_loop3A_1460 = arith.index_cast %parallel_loop3A_1335 : i32 to index
        %parallel_loop3A_1461 = tpu.vector_load %parallel_loop3A_1457[%parallel_loop3A_1458, %parallel_loop3A_1459, %parallel_loop3A_1460] {strides = array<i32>} : memref<3x16x128xf32, #tpu.memory_space<vmem>>, vector<16xf32>,
        tpu.vector_store %parallel_loop3A_1457[%parallel_loop3A_1458, %parallel_loop3A_1459, %parallel_loop3A_1460], %parallel_loop3A_1393 {strides = array<i32>} : memref<3x16x128xf32, #tpu.memory_space<vmem>>, vector<16xf32>,
        %parallel_loop3A_1462 = arith.constant 9.99999997E-7 : f32
        %parallel_loop3A_1463 = vector.broadcast %parallel_loop3A_1462 : f32 to vector<16xf32>
        %parallel_loop3A_1464 = arith.addf %parallel_loop3A_1426, %parallel_loop3A_1463 : vector<16xf32>
        %parallel_loop3A_1465 = arith.mulf %parallel_loop3A_1424, %parallel_loop3A_1424 : vector<16xf32>
        %parallel_loop3A_1466 = arith.mulf %parallel_loop3A_1425, %parallel_loop3A_1425 : vector<16xf32>
        %parallel_loop3A_1467 = arith.addf %parallel_loop3A_1465, %parallel_loop3A_1466 : vector<16xf32>
        %parallel_loop3A_1468 = arith.mulf %parallel_loop3A_1464, %parallel_loop3A_1464 : vector<16xf32>
        %parallel_loop3A_1469 = arith.addf %parallel_loop3A_1467, %parallel_loop3A_1468 : vector<16xf32>
        %parallel_loop3A_1470 = vector.bitcast %parallel_loop3A_1469 : vector<16xf32> to vector<16xi32>
        %parallel_loop3A_1471 = arith.constant 1 : i32
        %parallel_loop3A_1472 = vector.broadcast %parallel_loop3A_1471 : i32 to vector<16xi32>
        %parallel_loop3A_1473 = arith.shrsi %parallel_loop3A_1470, %parallel_loop3A_1472 : vector<16xi32>
        %parallel_loop3A_1474 = arith.constant 1597463007 : i32
        %parallel_loop3A_1475 = vector.broadcast %parallel_loop3A_1474 : i32 to vector<16xi32>
        %parallel_loop3A_1476 = arith.subi %parallel_loop3A_1475, %parallel_loop3A_1473 : vector<16xi32>
        %parallel_loop3A_1477 = vector.bitcast %parallel_loop3A_1476 : vector<16xi32> to vector<16xf32>
        %parallel_loop3A_1478 = arith.constant 5.000000e-01 : f32
        %parallel_loop3A_1479 = vector.broadcast %parallel_loop3A_1478 : f32 to vector<16xf32>
        %parallel_loop3A_1480 = arith.mulf %parallel_loop3A_1479, %parallel_loop3A_1469 : vector<16xf32>
        %parallel_loop3A_1481 = arith.mulf %parallel_loop3A_1480, %parallel_loop3A_1477 : vector<16xf32>
        %parallel_loop3A_1482 = arith.mulf %parallel_loop3A_1481, %parallel_loop3A_1477 : vector<16xf32>
        %parallel_loop3A_1483 = arith.constant 1.500000e+00 : f32
        %parallel_loop3A_1484 = vector.broadcast %parallel_loop3A_1483 : f32 to vector<16xf32>
        %parallel_loop3A_1485 = arith.subf %parallel_loop3A_1484, %parallel_loop3A_1482 : vector<16xf32>
        %parallel_loop3A_1486 = arith.mulf %parallel_loop3A_1477, %parallel_loop3A_1485 : vector<16xf32>
        %parallel_loop3A_1487 = arith.mulf %parallel_loop3A_1469, %parallel_loop3A_1486 : vector<16xf32>
        %parallel_loop3A_1488 = arith.constant 9.99999997E-7 : f32
        %parallel_loop3A_1489 = vector.broadcast %parallel_loop3A_1488 : f32 to vector<16xf32>
        %parallel_loop3A_1490 = arith.addf %parallel_loop3A_1487, %parallel_loop3A_1489 : vector<16xf32>
        %parallel_loop3A_1491 = arith.constant 9.99999997E-7 : f32
        %parallel_loop3A_1492 = vector.broadcast %parallel_loop3A_1491 : f32 to vector<16xf32>
        %parallel_loop3A_1493 = arith.mulf %parallel_loop3A_1492, %parallel_loop3A_1490 : vector<16xf32>
        %parallel_loop3A_1494 = arith.mulf %parallel_loop3A_1425, %parallel_loop3A_1429 : vector<16xf32>
        %parallel_loop3A_1495 = arith.mulf %parallel_loop3A_1464, %parallel_loop3A_1428 : vector<16xf32>
        %parallel_loop3A_1496 = arith.subf %parallel_loop3A_1494, %parallel_loop3A_1495 : vector<16xf32>
        %parallel_loop3A_1497 = arith.mulf %parallel_loop3A_1464, %parallel_loop3A_1427 : vector<16xf32>
        %parallel_loop3A_1498 = arith.mulf %parallel_loop3A_1424, %parallel_loop3A_1429 : vector<16xf32>
        %parallel_loop3A_1499 = arith.subf %parallel_loop3A_1497, %parallel_loop3A_1498 : vector<16xf32>
        %parallel_loop3A_1500 = arith.addf %parallel_loop3A_1499, %parallel_loop3A_1493 : vector<16xf32>
        %parallel_loop3A_1501 = arith.mulf %parallel_loop3A_1424, %parallel_loop3A_1428 : vector<16xf32>
        %parallel_loop3A_1502 = arith.mulf %parallel_loop3A_1425, %parallel_loop3A_1427 : vector<16xf32>
        %parallel_loop3A_1503 = arith.subf %parallel_loop3A_1501, %parallel_loop3A_1502 : vector<16xf32>
        %parallel_loop3A_1504 = arith.mulf %parallel_loop3A_1496, %parallel_loop3A_1496 : vector<16xf32>
        %parallel_loop3A_1505 = arith.mulf %parallel_loop3A_1500, %parallel_loop3A_1500 : vector<16xf32>
        %parallel_loop3A_1506 = arith.addf %parallel_loop3A_1504, %parallel_loop3A_1505 : vector<16xf32>
        %parallel_loop3A_1507 = arith.mulf %parallel_loop3A_1503, %parallel_loop3A_1503 : vector<16xf32>
        %parallel_loop3A_1508 = arith.addf %parallel_loop3A_1506, %parallel_loop3A_1507 : vector<16xf32>
        %parallel_loop3A_1509 = vector.bitcast %parallel_loop3A_1508 : vector<16xf32> to vector<16xi32>
        %parallel_loop3A_1510 = arith.constant 1 : i32
        %parallel_loop3A_1511 = vector.broadcast %parallel_loop3A_1510 : i32 to vector<16xi32>
        %parallel_loop3A_1512 = arith.shrsi %parallel_loop3A_1509, %parallel_loop3A_1511 : vector<16xi32>
        %parallel_loop3A_1513 = arith.constant 1597463007 : i32
        %parallel_loop3A_1514 = vector.broadcast %parallel_loop3A_1513 : i32 to vector<16xi32>
        %parallel_loop3A_1515 = arith.subi %parallel_loop3A_1514, %parallel_loop3A_1512 : vector<16xi32>
        %parallel_loop3A_1516 = vector.bitcast %parallel_loop3A_1515 : vector<16xi32> to vector<16xf32>
        %parallel_loop3A_1517 = arith.constant 5.000000e-01 : f32
        %parallel_loop3A_1518 = vector.broadcast %parallel_loop3A_1517 : f32 to vector<16xf32>
        %parallel_loop3A_1519 = arith.mulf %parallel_loop3A_1518, %parallel_loop3A_1508 : vector<16xf32>
        %parallel_loop3A_1520 = arith.mulf %parallel_loop3A_1519, %parallel_loop3A_1516 : vector<16xf32>
        %parallel_loop3A_1521 = arith.mulf %parallel_loop3A_1520, %parallel_loop3A_1516 : vector<16xf32>
        %parallel_loop3A_1522 = arith.constant 1.500000e+00 : f32
        %parallel_loop3A_1523 = vector.broadcast %parallel_loop3A_1522 : f32 to vector<16xf32>
        %parallel_loop3A_1524 = arith.subf %parallel_loop3A_1523, %parallel_loop3A_1521 : vector<16xf32>
        %parallel_loop3A_1525 = arith.mulf %parallel_loop3A_1516, %parallel_loop3A_1524 : vector<16xf32>
        %parallel_loop3A_1526 = arith.mulf %parallel_loop3A_1508, %parallel_loop3A_1525 : vector<16xf32>
        %parallel_loop3A_1527 = arith.addf %parallel_loop3A_1526, %parallel_loop3A_1493 : vector<16xf32>
        %parallel_loop3A_1528 = arith.constant 9.99999997E-7 : f32
        %parallel_loop3A_1529 = vector.broadcast %parallel_loop3A_1528 : f32 to vector<16xf32>
        %parallel_loop3A_1530 = arith.mulf %parallel_loop3A_1529, %parallel_loop3A_1527 : vector<16xf32>
        %parallel_loop3A_1531 = arith.mulf %parallel_loop3A_1530, %parallel_loop3A_1490 : vector<16xf32>
        %parallel_loop3A_1532 = arith.mulf %parallel_loop3A_1500, %parallel_loop3A_1464 : vector<16xf32>
        %parallel_loop3A_1533 = arith.mulf %parallel_loop3A_1503, %parallel_loop3A_1425 : vector<16xf32>
        %parallel_loop3A_1534 = arith.subf %parallel_loop3A_1532, %parallel_loop3A_1533 : vector<16xf32>
        %parallel_loop3A_1535 = arith.addf %parallel_loop3A_1534, %parallel_loop3A_1531 : vector<16xf32>
        %parallel_loop3A_1536 = arith.mulf %parallel_loop3A_1503, %parallel_loop3A_1424 : vector<16xf32>
        %parallel_loop3A_1537 = arith.mulf %parallel_loop3A_1496, %parallel_loop3A_1464 : vector<16xf32>
        %parallel_loop3A_1538 = arith.subf %parallel_loop3A_1536, %parallel_loop3A_1537 : vector<16xf32>
        %parallel_loop3A_1539 = arith.mulf %parallel_loop3A_1496, %parallel_loop3A_1425 : vector<16xf32>
        %parallel_loop3A_1540 = arith.mulf %parallel_loop3A_1500, %parallel_loop3A_1424 : vector<16xf32>
        %parallel_loop3A_1541 = arith.subf %parallel_loop3A_1539, %parallel_loop3A_1540 : vector<16xf32>
        %parallel_loop3A_1542 = arith.mulf %parallel_loop3A_1535, %parallel_loop3A_1535 : vector<16xf32>
        %parallel_loop3A_1543 = arith.mulf %parallel_loop3A_1538, %parallel_loop3A_1538 : vector<16xf32>
        %parallel_loop3A_1544 = arith.addf %parallel_loop3A_1542, %parallel_loop3A_1543 : vector<16xf32>
        %parallel_loop3A_1545 = arith.mulf %parallel_loop3A_1541, %parallel_loop3A_1541 : vector<16xf32>
        %parallel_loop3A_1546 = arith.addf %parallel_loop3A_1544, %parallel_loop3A_1545 : vector<16xf32>
        %parallel_loop3A_1547 = vector.bitcast %parallel_loop3A_1546 : vector<16xf32> to vector<16xi32>
        %parallel_loop3A_1548 = arith.constant 1 : i32
        %parallel_loop3A_1549 = vector.broadcast %parallel_loop3A_1548 : i32 to vector<16xi32>
        %parallel_loop3A_1550 = arith.shrsi %parallel_loop3A_1547, %parallel_loop3A_1549 : vector<16xi32>
        %parallel_loop3A_1551 = arith.constant 1597463007 : i32
        %parallel_loop3A_1552 = vector.broadcast %parallel_loop3A_1551 : i32 to vector<16xi32>
        %parallel_loop3A_1553 = arith.subi %parallel_loop3A_1552, %parallel_loop3A_1550 : vector<16xi32>
        %parallel_loop3A_1554 = vector.bitcast %parallel_loop3A_1553 : vector<16xi32> to vector<16xf32>
        %parallel_loop3A_1555 = arith.constant 5.000000e-01 : f32
        %parallel_loop3A_1556 = vector.broadcast %parallel_loop3A_1555 : f32 to vector<16xf32>
        %parallel_loop3A_1557 = arith.mulf %parallel_loop3A_1556, %parallel_loop3A_1546 : vector<16xf32>
        %parallel_loop3A_1558 = arith.mulf %parallel_loop3A_1557, %parallel_loop3A_1554 : vector<16xf32>
        %parallel_loop3A_1559 = arith.mulf %parallel_loop3A_1558, %parallel_loop3A_1554 : vector<16xf32>
        %parallel_loop3A_1560 = arith.constant 1.500000e+00 : f32
        %parallel_loop3A_1561 = vector.broadcast %parallel_loop3A_1560 : f32 to vector<16xf32>
        %parallel_loop3A_1562 = arith.subf %parallel_loop3A_1561, %parallel_loop3A_1559 : vector<16xf32>
        %parallel_loop3A_1563 = arith.mulf %parallel_loop3A_1554, %parallel_loop3A_1562 : vector<16xf32>
        %parallel_loop3A_1564 = arith.mulf %parallel_loop3A_1546, %parallel_loop3A_1563 : vector<16xf32>
        %parallel_loop3A_1565 = arith.addf %parallel_loop3A_1564, %parallel_loop3A_1531 : vector<16xf32>
        %parallel_loop3A_1566 = arith.constant 1.000000e+00 : f32
        %parallel_loop3A_1567 = vector.broadcast %parallel_loop3A_1566 : f32 to vector<16xf32>
        %parallel_loop3A_1568 = arith.divf %parallel_loop3A_1567, %parallel_loop3A_1490 : vector<16xf32>
        %parallel_loop3A_1569 = arith.constant 1.000000e+00 : f32
        %parallel_loop3A_1570 = vector.broadcast %parallel_loop3A_1569 : f32 to vector<16xf32>
        %parallel_loop3A_1571 = arith.divf %parallel_loop3A_1570, %parallel_loop3A_1527 : vector<16xf32>
        %parallel_loop3A_1572 = arith.constant 1.000000e+00 : f32
        %parallel_loop3A_1573 = vector.broadcast %parallel_loop3A_1572 : f32 to vector<16xf32>
        %parallel_loop3A_1574 = arith.divf %parallel_loop3A_1573, %parallel_loop3A_1565 : vector<16xf32>
        %parallel_loop3A_1575 = arith.mulf %parallel_loop3A_1424, %parallel_loop3A_1568 : vector<16xf32>
        %parallel_loop3A_1576 = arith.mulf %parallel_loop3A_1425, %parallel_loop3A_1568 : vector<16xf32>
        %parallel_loop3A_1577 = arith.mulf %parallel_loop3A_1464, %parallel_loop3A_1568 : vector<16xf32>
        %parallel_loop3A_1578 = arith.mulf %parallel_loop3A_1496, %parallel_loop3A_1571 : vector<16xf32>
        %parallel_loop3A_1579 = arith.mulf %parallel_loop3A_1500, %parallel_loop3A_1571 : vector<16xf32>
        %parallel_loop3A_1580 = arith.mulf %parallel_loop3A_1503, %parallel_loop3A_1571 : vector<16xf32>
        %parallel_loop3A_1581 = arith.mulf %parallel_loop3A_1535, %parallel_loop3A_1574 : vector<16xf32>
        %parallel_loop3A_1582 = arith.mulf %parallel_loop3A_1538, %parallel_loop3A_1574 : vector<16xf32>
        %parallel_loop3A_1583 = arith.mulf %parallel_loop3A_1541, %parallel_loop3A_1574 : vector<16xf32>
        %parallel_loop3A_1584 = arith.constant 1 : i32
        %parallel_loop3A_1585 = arith.addi %parallel_loop3A_1431, %parallel_loop3A_1584 : i32
        %parallel_loop3A_1586 = arith.constant 0 : i32
        %parallel_loop3A_1587 = arith.constant 0 : i32
        %parallel_loop3A_1588 = arith.constant 0 : i32
        %parallel_loop3A_1589 = arith.constant 0 : i32
        %parallel_loop3A_1590 = tpu.memref_slice %arg7[%parallel_loop3A_1059, %parallel_loop3A_1587, %parallel_loop3A_1588, %parallel_loop3A_1589] : memref<2x3x16x128xf32, #tpu.memory_space<vmem>> -> memref<1x3x16x128xf32, #tpu.memory_space<vmem>>
        %parallel_loop3A_1591 = tpu.memref_squeeze %parallel_loop3A_1590 : memref<1x3x16x128xf32, #tpu.memory_space<vmem>> -> memref<3x16x128xf32, #tpu.memory_space<vmem>>
        %parallel_loop3A_1592 = arith.index_cast %parallel_loop3A_1586 : i32 to index
        %parallel_loop3A_1593 = arith.index_cast %parallel_loop3A_1585 : i32 to index
        %parallel_loop3A_1594 = arith.index_cast %parallel_loop3A_1335 : i32 to index
        %parallel_loop3A_1595 = tpu.vector_load %parallel_loop3A_1591[%parallel_loop3A_1592, %parallel_loop3A_1593, %parallel_loop3A_1594] {strides = array<i32>} : memref<3x16x128xf32, #tpu.memory_space<vmem>>, vector<16xf32>,
        tpu.vector_store %parallel_loop3A_1591[%parallel_loop3A_1592, %parallel_loop3A_1593, %parallel_loop3A_1594], %parallel_loop3A_1581 {strides = array<i32>} : memref<3x16x128xf32, #tpu.memory_space<vmem>>, vector<16xf32>,
        %parallel_loop3A_1596 = arith.constant 1 : i32
        %parallel_loop3A_1597 = arith.addi %parallel_loop3A_1431, %parallel_loop3A_1596 : i32
        %parallel_loop3A_1598 = arith.constant 1 : i32
        %parallel_loop3A_1599 = arith.constant 0 : i32
        %parallel_loop3A_1600 = arith.constant 0 : i32
        %parallel_loop3A_1601 = arith.constant 0 : i32
        %parallel_loop3A_1602 = tpu.memref_slice %arg7[%parallel_loop3A_1059, %parallel_loop3A_1599, %parallel_loop3A_1600, %parallel_loop3A_1601] : memref<2x3x16x128xf32, #tpu.memory_space<vmem>> -> memref<1x3x16x128xf32, #tpu.memory_space<vmem>>
        %parallel_loop3A_1603 = tpu.memref_squeeze %parallel_loop3A_1602 : memref<1x3x16x128xf32, #tpu.memory_space<vmem>> -> memref<3x16x128xf32, #tpu.memory_space<vmem>>
        %parallel_loop3A_1604 = arith.index_cast %parallel_loop3A_1598 : i32 to index
        %parallel_loop3A_1605 = arith.index_cast %parallel_loop3A_1597 : i32 to index
        %parallel_loop3A_1606 = arith.index_cast %parallel_loop3A_1335 : i32 to index
        %parallel_loop3A_1607 = tpu.vector_load %parallel_loop3A_1603[%parallel_loop3A_1604, %parallel_loop3A_1605, %parallel_loop3A_1606] {strides = array<i32>} : memref<3x16x128xf32, #tpu.memory_space<vmem>>, vector<16xf32>,
        tpu.vector_store %parallel_loop3A_1603[%parallel_loop3A_1604, %parallel_loop3A_1605, %parallel_loop3A_1606], %parallel_loop3A_1582 {strides = array<i32>} : memref<3x16x128xf32, #tpu.memory_space<vmem>>, vector<16xf32>,
        %parallel_loop3A_1608 = arith.constant 1 : i32
        %parallel_loop3A_1609 = arith.addi %parallel_loop3A_1431, %parallel_loop3A_1608 : i32
        %parallel_loop3A_1610 = arith.constant 2 : i32
        %parallel_loop3A_1611 = arith.constant 0 : i32
        %parallel_loop3A_1612 = arith.constant 0 : i32
        %parallel_loop3A_1613 = arith.constant 0 : i32
        %parallel_loop3A_1614 = tpu.memref_slice %arg7[%parallel_loop3A_1059, %parallel_loop3A_1611, %parallel_loop3A_1612, %parallel_loop3A_1613] : memref<2x3x16x128xf32, #tpu.memory_space<vmem>> -> memref<1x3x16x128xf32, #tpu.memory_space<vmem>>
        %parallel_loop3A_1615 = tpu.memref_squeeze %parallel_loop3A_1614 : memref<1x3x16x128xf32, #tpu.memory_space<vmem>> -> memref<3x16x128xf32, #tpu.memory_space<vmem>>
        %parallel_loop3A_1616 = arith.index_cast %parallel_loop3A_1610 : i32 to index
        %parallel_loop3A_1617 = arith.index_cast %parallel_loop3A_1609 : i32 to index
        %parallel_loop3A_1618 = arith.index_cast %parallel_loop3A_1335 : i32 to index
        %parallel_loop3A_1619 = tpu.vector_load %parallel_loop3A_1615[%parallel_loop3A_1616, %parallel_loop3A_1617, %parallel_loop3A_1618] {strides = array<i32>} : memref<3x16x128xf32, #tpu.memory_space<vmem>>, vector<16xf32>,
        tpu.vector_store %parallel_loop3A_1615[%parallel_loop3A_1616, %parallel_loop3A_1617, %parallel_loop3A_1618], %parallel_loop3A_1583 {strides = array<i32>} : memref<3x16x128xf32, #tpu.memory_space<vmem>>, vector<16xf32>,
        %parallel_loop3A_1620 = arith.constant 2 : i32
        %parallel_loop3A_1621 = arith.addi %parallel_loop3A_1431, %parallel_loop3A_1620 : i32
        %parallel_loop3A_1622 = arith.constant 0 : i32
        %parallel_loop3A_1623 = arith.constant 0 : i32
        %parallel_loop3A_1624 = arith.constant 0 : i32
        %parallel_loop3A_1625 = arith.constant 0 : i32
        %parallel_loop3A_1626 = tpu.memref_slice %arg7[%parallel_loop3A_1059, %parallel_loop3A_1623, %parallel_loop3A_1624, %parallel_loop3A_1625] : memref<2x3x16x128xf32, #tpu.memory_space<vmem>> -> memref<1x3x16x128xf32, #tpu.memory_space<vmem>>
        %parallel_loop3A_1627 = tpu.memref_squeeze %parallel_loop3A_1626 : memref<1x3x16x128xf32, #tpu.memory_space<vmem>> -> memref<3x16x128xf32, #tpu.memory_space<vmem>>
        %parallel_loop3A_1628 = arith.index_cast %parallel_loop3A_1622 : i32 to index
        %parallel_loop3A_1629 = arith.index_cast %parallel_loop3A_1621 : i32 to index
        %parallel_loop3A_1630 = arith.index_cast %parallel_loop3A_1335 : i32 to index
        %parallel_loop3A_1631 = tpu.vector_load %parallel_loop3A_1627[%parallel_loop3A_1628, %parallel_loop3A_1629, %parallel_loop3A_1630] {strides = array<i32>} : memref<3x16x128xf32, #tpu.memory_space<vmem>>, vector<16xf32>,
        tpu.vector_store %parallel_loop3A_1627[%parallel_loop3A_1628, %parallel_loop3A_1629, %parallel_loop3A_1630], %parallel_loop3A_1578 {strides = array<i32>} : memref<3x16x128xf32, #tpu.memory_space<vmem>>, vector<16xf32>,
        %parallel_loop3A_1632 = arith.constant 2 : i32
        %parallel_loop3A_1633 = arith.addi %parallel_loop3A_1431, %parallel_loop3A_1632 : i32
        %parallel_loop3A_1634 = arith.constant 1 : i32
        %parallel_loop3A_1635 = arith.constant 0 : i32
        %parallel_loop3A_1636 = arith.constant 0 : i32
        %parallel_loop3A_1637 = arith.constant 0 : i32
        %parallel_loop3A_1638 = tpu.memref_slice %arg7[%parallel_loop3A_1059, %parallel_loop3A_1635, %parallel_loop3A_1636, %parallel_loop3A_1637] : memref<2x3x16x128xf32, #tpu.memory_space<vmem>> -> memref<1x3x16x128xf32, #tpu.memory_space<vmem>>
        %parallel_loop3A_1639 = tpu.memref_squeeze %parallel_loop3A_1638 : memref<1x3x16x128xf32, #tpu.memory_space<vmem>> -> memref<3x16x128xf32, #tpu.memory_space<vmem>>
        %parallel_loop3A_1640 = arith.index_cast %parallel_loop3A_1634 : i32 to index
        %parallel_loop3A_1641 = arith.index_cast %parallel_loop3A_1633 : i32 to index
        %parallel_loop3A_1642 = arith.index_cast %parallel_loop3A_1335 : i32 to index
        %parallel_loop3A_1643 = tpu.vector_load %parallel_loop3A_1639[%parallel_loop3A_1640, %parallel_loop3A_1641, %parallel_loop3A_1642] {strides = array<i32>} : memref<3x16x128xf32, #tpu.memory_space<vmem>>, vector<16xf32>,
        tpu.vector_store %parallel_loop3A_1639[%parallel_loop3A_1640, %parallel_loop3A_1641, %parallel_loop3A_1642], %parallel_loop3A_1579 {strides = array<i32>} : memref<3x16x128xf32, #tpu.memory_space<vmem>>, vector<16xf32>,
        %parallel_loop3A_1644 = arith.constant 2 : i32
        %parallel_loop3A_1645 = arith.addi %parallel_loop3A_1431, %parallel_loop3A_1644 : i32
        %parallel_loop3A_1646 = arith.constant 2 : i32
        %parallel_loop3A_1647 = arith.constant 0 : i32
        %parallel_loop3A_1648 = arith.constant 0 : i32
        %parallel_loop3A_1649 = arith.constant 0 : i32
        %parallel_loop3A_1650 = tpu.memref_slice %arg7[%parallel_loop3A_1059, %parallel_loop3A_1647, %parallel_loop3A_1648, %parallel_loop3A_1649] : memref<2x3x16x128xf32, #tpu.memory_space<vmem>> -> memref<1x3x16x128xf32, #tpu.memory_space<vmem>>
        %parallel_loop3A_1651 = tpu.memref_squeeze %parallel_loop3A_1650 : memref<1x3x16x128xf32, #tpu.memory_space<vmem>> -> memref<3x16x128xf32, #tpu.memory_space<vmem>>
        %parallel_loop3A_1652 = arith.index_cast %parallel_loop3A_1646 : i32 to index
        %parallel_loop3A_1653 = arith.index_cast %parallel_loop3A_1645 : i32 to index
        %parallel_loop3A_1654 = arith.index_cast %parallel_loop3A_1335 : i32 to index
        %parallel_loop3A_1655 = tpu.vector_load %parallel_loop3A_1651[%parallel_loop3A_1652, %parallel_loop3A_1653, %parallel_loop3A_1654] {strides = array<i32>} : memref<3x16x128xf32, #tpu.memory_space<vmem>>, vector<16xf32>,
        tpu.vector_store %parallel_loop3A_1651[%parallel_loop3A_1652, %parallel_loop3A_1653, %parallel_loop3A_1654], %parallel_loop3A_1580 {strides = array<i32>} : memref<3x16x128xf32, #tpu.memory_space<vmem>>, vector<16xf32>,
        %parallel_loop3A_1656 = arith.constant 3 : i32
        %parallel_loop3A_1657 = arith.addi %parallel_loop3A_1431, %parallel_loop3A_1656 : i32
        %parallel_loop3A_1658 = arith.constant 0 : i32
        %parallel_loop3A_1659 = arith.constant 0 : i32
        %parallel_loop3A_1660 = arith.constant 0 : i32
        %parallel_loop3A_1661 = arith.constant 0 : i32
        %parallel_loop3A_1662 = tpu.memref_slice %arg7[%parallel_loop3A_1059, %parallel_loop3A_1659, %parallel_loop3A_1660, %parallel_loop3A_1661] : memref<2x3x16x128xf32, #tpu.memory_space<vmem>> -> memref<1x3x16x128xf32, #tpu.memory_space<vmem>>
        %parallel_loop3A_1663 = tpu.memref_squeeze %parallel_loop3A_1662 : memref<1x3x16x128xf32, #tpu.memory_space<vmem>> -> memref<3x16x128xf32, #tpu.memory_space<vmem>>
        %parallel_loop3A_1664 = arith.index_cast %parallel_loop3A_1658 : i32 to index
        %parallel_loop3A_1665 = arith.index_cast %parallel_loop3A_1657 : i32 to index
        %parallel_loop3A_1666 = arith.index_cast %parallel_loop3A_1335 : i32 to index
        %parallel_loop3A_1667 = tpu.vector_load %parallel_loop3A_1663[%parallel_loop3A_1664, %parallel_loop3A_1665, %parallel_loop3A_1666] {strides = array<i32>} : memref<3x16x128xf32, #tpu.memory_space<vmem>>, vector<16xf32>,
        tpu.vector_store %parallel_loop3A_1663[%parallel_loop3A_1664, %parallel_loop3A_1665, %parallel_loop3A_1666], %parallel_loop3A_1575 {strides = array<i32>} : memref<3x16x128xf32, #tpu.memory_space<vmem>>, vector<16xf32>,
        %parallel_loop3A_1668 = arith.constant 3 : i32
        %parallel_loop3A_1669 = arith.addi %parallel_loop3A_1431, %parallel_loop3A_1668 : i32
        %parallel_loop3A_1670 = arith.constant 1 : i32
        %parallel_loop3A_1671 = arith.constant 0 : i32
        %parallel_loop3A_1672 = arith.constant 0 : i32
        %parallel_loop3A_1673 = arith.constant 0 : i32
        %parallel_loop3A_1674 = tpu.memref_slice %arg7[%parallel_loop3A_1059, %parallel_loop3A_1671, %parallel_loop3A_1672, %parallel_loop3A_1673] : memref<2x3x16x128xf32, #tpu.memory_space<vmem>> -> memref<1x3x16x128xf32, #tpu.memory_space<vmem>>
        %parallel_loop3A_1675 = tpu.memref_squeeze %parallel_loop3A_1674 : memref<1x3x16x128xf32, #tpu.memory_space<vmem>> -> memref<3x16x128xf32, #tpu.memory_space<vmem>>
        %parallel_loop3A_1676 = arith.index_cast %parallel_loop3A_1670 : i32 to index
        %parallel_loop3A_1677 = arith.index_cast %parallel_loop3A_1669 : i32 to index
        %parallel_loop3A_1678 = arith.index_cast %parallel_loop3A_1335 : i32 to index
        %parallel_loop3A_1679 = tpu.vector_load %parallel_loop3A_1675[%parallel_loop3A_1676, %parallel_loop3A_1677, %parallel_loop3A_1678] {strides = array<i32>} : memref<3x16x128xf32, #tpu.memory_space<vmem>>, vector<16xf32>,
        tpu.vector_store %parallel_loop3A_1675[%parallel_loop3A_1676, %parallel_loop3A_1677, %parallel_loop3A_1678], %parallel_loop3A_1576 {strides = array<i32>} : memref<3x16x128xf32, #tpu.memory_space<vmem>>, vector<16xf32>,
        %parallel_loop3A_1680 = arith.constant 3 : i32
        %parallel_loop3A_1681 = arith.addi %parallel_loop3A_1431, %parallel_loop3A_1680 : i32
        %parallel_loop3A_1682 = arith.constant 2 : i32
        %parallel_loop3A_1683 = arith.constant 0 : i32
        %parallel_loop3A_1684 = arith.constant 0 : i32
        %parallel_loop3A_1685 = arith.constant 0 : i32
        %parallel_loop3A_1686 = tpu.memref_slice %arg7[%parallel_loop3A_1059, %parallel_loop3A_1683, %parallel_loop3A_1684, %parallel_loop3A_1685] : memref<2x3x16x128xf32, #tpu.memory_space<vmem>> -> memref<1x3x16x128xf32, #tpu.memory_space<vmem>>
        %parallel_loop3A_1687 = tpu.memref_squeeze %parallel_loop3A_1686 : memref<1x3x16x128xf32, #tpu.memory_space<vmem>> -> memref<3x16x128xf32, #tpu.memory_space<vmem>>
        %parallel_loop3A_1688 = arith.index_cast %parallel_loop3A_1682 : i32 to index
        %parallel_loop3A_1689 = arith.index_cast %parallel_loop3A_1681 : i32 to index
        %parallel_loop3A_1690 = arith.index_cast %parallel_loop3A_1335 : i32 to index
        %parallel_loop3A_1691 = tpu.vector_load %parallel_loop3A_1687[%parallel_loop3A_1688, %parallel_loop3A_1689, %parallel_loop3A_1690] {strides = array<i32>} : memref<3x16x128xf32, #tpu.memory_space<vmem>>, vector<16xf32>,
        tpu.vector_store %parallel_loop3A_1687[%parallel_loop3A_1688, %parallel_loop3A_1689, %parallel_loop3A_1690], %parallel_loop3A_1577 {strides = array<i32>} : memref<3x16x128xf32, #tpu.memory_space<vmem>>, vector<16xf32>,
      } {sc.loop_unroll_factor = 4 : i64, sc.parallel_access}
      %mul3A_1060 = arith.constant 3 : i32
      %mul3A_1061 = arith.muli %select_n3A, %mul3A_1060 : i32
      %add3A_1062 = arith.constant 0 : i32
      %add3A_1063 = arith.addi %mul3A_1061, %add3A_1062 : i32
      %mul3A_1064 = arith.constant 1024 : i32
      %mul3A_1065 = arith.muli %add3A_1063, %mul3A_1064 : i32
      %mul3A_1066 = arith.constant 128 : i32
      %mul3A_1067 = arith.muli %select_n3A_30, %mul3A_1066 : i32
      %mul3A_1068 = arith.constant 4 : i32
      %mul3A_1069 = arith.muli %add3A_1031, %mul3A_1068 : i32
      %add3A_1070 = arith.addi %mul3A_1067, %mul3A_1069 : i32
      %mul3A_1071 = arith.constant 4 : i32
      %mul3A_1072 = arith.muli %add3A_1070, %mul3A_1071 : i32
      %add3A_1073 = arith.addi %mul3A_1065, %mul3A_1072 : i32
      %multiple_of3A = tpu.assume_multiple %add3A_1073, 8 : i32
      %dma_start3A_1074 = arith.constant 0 : i32
      %dma_start3A_1075 = arith.constant 0 : i32
      %dma_start3A_1076 = arith.constant 0 : i32
      %dma_start3A_1077 = arith.constant 0 : i32
      %dma_start3A_1078 = arith.constant 0 : i32
      %dma_start3A_1079 = tpu.memref_slice %arg7[%dma_start3A_1074, %dma_start3A_1076, %dma_start3A_1077, %dma_start3A_1078] : memref<2x3x16x128xf32, #tpu.memory_space<vmem>> -> memref<1x3x16x128xf32, #tpu.memory_space<vmem>>
      %dma_start3A_1080 = tpu.memref_squeeze %dma_start3A_1079 : memref<1x3x16x128xf32, #tpu.memory_space<vmem>> -> memref<3x16x128xf32, #tpu.memory_space<vmem>>
      %dma_start3A_1081 = arith.constant 0 : i32
      %dma_start3A_1082 = arith.constant 0 : i32
      %dma_start3A_1083 = tpu.memref_slice %dma_start3A_1080[%dma_start3A_1075, %dma_start3A_1081, %dma_start3A_1082] : memref<3x16x128xf32, #tpu.memory_space<vmem>> -> memref<1x16x128xf32, #tpu.memory_space<vmem>>
      %dma_start3A_1084 = tpu.memref_squeeze %dma_start3A_1083 : memref<1x16x128xf32, #tpu.memory_space<vmem>> -> memref<16x128xf32, #tpu.memory_space<vmem>>
      %dma_start3A_1085 = arith.constant 0 : i32
      %dma_start3A_1086 = tpu.memref_slice %arg4[%multiple_of3A, %dma_start3A_1085] : memref<49152x128xf32, #tpu.memory_space<hbm>> -> memref<16x128xf32, #tpu.memory_space<hbm>>
      %dma_start3A_1087 = arith.constant 0 : i32
      %dma_start3A_1088 = tpu.memref_slice %arg4[%multiple_of3A, %dma_start3A_1087] : memref<49152x128xf32, #tpu.memory_space<hbm>> -> memref<16x128xf32, #tpu.memory_space<hbm>>
      %dma_start3A_1089 = arith.constant 0 : i32
      %dma_start3A_1090 = arith.constant 0 : i32
      %dma_start3A_1091 = arith.constant 0 : i32
      %dma_start3A_1092 = tpu.memref_slice %arg7[%dma_start3A_1074, %dma_start3A_1089, %dma_start3A_1090, %dma_start3A_1091] : memref<2x3x16x128xf32, #tpu.memory_space<vmem>> -> memref<1x3x16x128xf32, #tpu.memory_space<vmem>>
      %dma_start3A_1093 = tpu.memref_squeeze %dma_start3A_1092 : memref<1x3x16x128xf32, #tpu.memory_space<vmem>> -> memref<3x16x128xf32, #tpu.memory_space<vmem>>
      %dma_start3A_1094 = arith.constant 0 : i32
      %dma_start3A_1095 = arith.constant 0 : i32
      %dma_start3A_1096 = tpu.memref_slice %dma_start3A_1093[%dma_start3A_1075, %dma_start3A_1094, %dma_start3A_1095] : memref<3x16x128xf32, #tpu.memory_space<vmem>> -> memref<1x16x128xf32, #tpu.memory_space<vmem>>
      %dma_start3A_1097 = tpu.memref_squeeze %dma_start3A_1096 : memref<1x16x128xf32, #tpu.memory_space<vmem>> -> memref<16x128xf32, #tpu.memory_space<vmem>>
      tpu.enqueue_dma source(%dma_start3A_1097 : memref<16x128xf32, #tpu.memory_space<vmem>>) target(%dma_start3A_1088 : memref<16x128xf32, #tpu.memory_space<hbm>>) target_semaphore(%arg12 : memref<!tpu.dma_semaphore, #tpu.memory_space<semaphore_mem>>)
      %mul3A_1098 = arith.constant 3 : i32
      %mul3A_1099 = arith.muli %select_n3A, %mul3A_1098 : i32
      %add3A_1100 = arith.constant 1 : i32
      %add3A_1101 = arith.addi %mul3A_1099, %add3A_1100 : i32
      %mul3A_1102 = arith.constant 1024 : i32
      %mul3A_1103 = arith.muli %add3A_1101, %mul3A_1102 : i32
      %mul3A_1104 = arith.constant 128 : i32
      %mul3A_1105 = arith.muli %select_n3A_30, %mul3A_1104 : i32
      %mul3A_1106 = arith.constant 4 : i32
      %mul3A_1107 = arith.muli %add3A_1031, %mul3A_1106 : i32
      %add3A_1108 = arith.addi %mul3A_1105, %mul3A_1107 : i32
      %mul3A_1109 = arith.constant 4 : i32
      %mul3A_1110 = arith.muli %add3A_1108, %mul3A_1109 : i32
      %add3A_1111 = arith.addi %mul3A_1103, %mul3A_1110 : i32
      %multiple_of3A_1112 = tpu.assume_multiple %add3A_1111, 8 : i32
      %dma_start3A_1113 = arith.constant 0 : i32
      %dma_start3A_1114 = arith.constant 1 : i32
      %dma_start3A_1115 = arith.constant 0 : i32
      %dma_start3A_1116 = arith.constant 0 : i32
      %dma_start3A_1117 = arith.constant 0 : i32
      %dma_start3A_1118 = tpu.memref_slice %arg7[%dma_start3A_1113, %dma_start3A_1115, %dma_start3A_1116, %dma_start3A_1117] : memref<2x3x16x128xf32, #tpu.memory_space<vmem>> -> memref<1x3x16x128xf32, #tpu.memory_space<vmem>>
      %dma_start3A_1119 = tpu.memref_squeeze %dma_start3A_1118 : memref<1x3x16x128xf32, #tpu.memory_space<vmem>> -> memref<3x16x128xf32, #tpu.memory_space<vmem>>
      %dma_start3A_1120 = arith.constant 0 : i32
      %dma_start3A_1121 = arith.constant 0 : i32
      %dma_start3A_1122 = tpu.memref_slice %dma_start3A_1119[%dma_start3A_1114, %dma_start3A_1120, %dma_start3A_1121] : memref<3x16x128xf32, #tpu.memory_space<vmem>> -> memref<1x16x128xf32, #tpu.memory_space<vmem>>
      %dma_start3A_1123 = tpu.memref_squeeze %dma_start3A_1122 : memref<1x16x128xf32, #tpu.memory_space<vmem>> -> memref<16x128xf32, #tpu.memory_space<vmem>>
      %dma_start3A_1124 = arith.constant 0 : i32
      %dma_start3A_1125 = tpu.memref_slice %arg4[%multiple_of3A_1112, %dma_start3A_1124] : memref<49152x128xf32, #tpu.memory_space<hbm>> -> memref<16x128xf32, #tpu.memory_space<hbm>>
      %dma_start3A_1126 = arith.constant 0 : i32
      %dma_start3A_1127 = tpu.memref_slice %arg4[%multiple_of3A_1112, %dma_start3A_1126] : memref<49152x128xf32, #tpu.memory_space<hbm>> -> memref<16x128xf32, #tpu.memory_space<hbm>>
      %dma_start3A_1128 = arith.constant 0 : i32
      %dma_start3A_1129 = arith.constant 0 : i32
      %dma_start3A_1130 = arith.constant 0 : i32
      %dma_start3A_1131 = tpu.memref_slice %arg7[%dma_start3A_1113, %dma_start3A_1128, %dma_start3A_1129, %dma_start3A_1130] : memref<2x3x16x128xf32, #tpu.memory_space<vmem>> -> memref<1x3x16x128xf32, #tpu.memory_space<vmem>>
      %dma_start3A_1132 = tpu.memref_squeeze %dma_start3A_1131 : memref<1x3x16x128xf32, #tpu.memory_space<vmem>> -> memref<3x16x128xf32, #tpu.memory_space<vmem>>
      %dma_start3A_1133 = arith.constant 0 : i32
      %dma_start3A_1134 = arith.constant 0 : i32
      %dma_start3A_1135 = tpu.memref_slice %dma_start3A_1132[%dma_start3A_1114, %dma_start3A_1133, %dma_start3A_1134] : memref<3x16x128xf32, #tpu.memory_space<vmem>> -> memref<1x16x128xf32, #tpu.memory_space<vmem>>
      %dma_start3A_1136 = tpu.memref_squeeze %dma_start3A_1135 : memref<1x16x128xf32, #tpu.memory_space<vmem>> -> memref<16x128xf32, #tpu.memory_space<vmem>>
      tpu.enqueue_dma source(%dma_start3A_1136 : memref<16x128xf32, #tpu.memory_space<vmem>>) target(%dma_start3A_1127 : memref<16x128xf32, #tpu.memory_space<hbm>>) target_semaphore(%arg12 : memref<!tpu.dma_semaphore, #tpu.memory_space<semaphore_mem>>)
      %mul3A_1137 = arith.constant 3 : i32
      %mul3A_1138 = arith.muli %select_n3A, %mul3A_1137 : i32
      %add3A_1139 = arith.constant 2 : i32
      %add3A_1140 = arith.addi %mul3A_1138, %add3A_1139 : i32
      %mul3A_1141 = arith.constant 1024 : i32
      %mul3A_1142 = arith.muli %add3A_1140, %mul3A_1141 : i32
      %mul3A_1143 = arith.constant 128 : i32
      %mul3A_1144 = arith.muli %select_n3A_30, %mul3A_1143 : i32
      %mul3A_1145 = arith.constant 4 : i32
      %mul3A_1146 = arith.muli %add3A_1031, %mul3A_1145 : i32
      %add3A_1147 = arith.addi %mul3A_1144, %mul3A_1146 : i32
      %mul3A_1148 = arith.constant 4 : i32
      %mul3A_1149 = arith.muli %add3A_1147, %mul3A_1148 : i32
      %add3A_1150 = arith.addi %mul3A_1142, %mul3A_1149 : i32
      %multiple_of3A_1151 = tpu.assume_multiple %add3A_1150, 8 : i32
      %dma_start3A_1152 = arith.constant 0 : i32
      %dma_start3A_1153 = arith.constant 2 : i32
      %dma_start3A_1154 = arith.constant 0 : i32
      %dma_start3A_1155 = arith.constant 0 : i32
      %dma_start3A_1156 = arith.constant 0 : i32
      %dma_start3A_1157 = tpu.memref_slice %arg7[%dma_start3A_1152, %dma_start3A_1154, %dma_start3A_1155, %dma_start3A_1156] : memref<2x3x16x128xf32, #tpu.memory_space<vmem>> -> memref<1x3x16x128xf32, #tpu.memory_space<vmem>>
      %dma_start3A_1158 = tpu.memref_squeeze %dma_start3A_1157 : memref<1x3x16x128xf32, #tpu.memory_space<vmem>> -> memref<3x16x128xf32, #tpu.memory_space<vmem>>
      %dma_start3A_1159 = arith.constant 0 : i32
      %dma_start3A_1160 = arith.constant 0 : i32
      %dma_start3A_1161 = tpu.memref_slice %dma_start3A_1158[%dma_start3A_1153, %dma_start3A_1159, %dma_start3A_1160] : memref<3x16x128xf32, #tpu.memory_space<vmem>> -> memref<1x16x128xf32, #tpu.memory_space<vmem>>
      %dma_start3A_1162 = tpu.memref_squeeze %dma_start3A_1161 : memref<1x16x128xf32, #tpu.memory_space<vmem>> -> memref<16x128xf32, #tpu.memory_space<vmem>>
      %dma_start3A_1163 = arith.constant 0 : i32
      %dma_start3A_1164 = tpu.memref_slice %arg4[%multiple_of3A_1151, %dma_start3A_1163] : memref<49152x128xf32, #tpu.memory_space<hbm>> -> memref<16x128xf32, #tpu.memory_space<hbm>>
      %dma_start3A_1165 = arith.constant 0 : i32
      %dma_start3A_1166 = tpu.memref_slice %arg4[%multiple_of3A_1151, %dma_start3A_1165] : memref<49152x128xf32, #tpu.memory_space<hbm>> -> memref<16x128xf32, #tpu.memory_space<hbm>>
      %dma_start3A_1167 = arith.constant 0 : i32
      %dma_start3A_1168 = arith.constant 0 : i32
      %dma_start3A_1169 = arith.constant 0 : i32
      %dma_start3A_1170 = tpu.memref_slice %arg7[%dma_start3A_1152, %dma_start3A_1167, %dma_start3A_1168, %dma_start3A_1169] : memref<2x3x16x128xf32, #tpu.memory_space<vmem>> -> memref<1x3x16x128xf32, #tpu.memory_space<vmem>>
      %dma_start3A_1171 = tpu.memref_squeeze %dma_start3A_1170 : memref<1x3x16x128xf32, #tpu.memory_space<vmem>> -> memref<3x16x128xf32, #tpu.memory_space<vmem>>
      %dma_start3A_1172 = arith.constant 0 : i32
      %dma_start3A_1173 = arith.constant 0 : i32
      %dma_start3A_1174 = tpu.memref_slice %dma_start3A_1171[%dma_start3A_1153, %dma_start3A_1172, %dma_start3A_1173] : memref<3x16x128xf32, #tpu.memory_space<vmem>> -> memref<1x16x128xf32, #tpu.memory_space<vmem>>
      %dma_start3A_1175 = tpu.memref_squeeze %dma_start3A_1174 : memref<1x16x128xf32, #tpu.memory_space<vmem>> -> memref<16x128xf32, #tpu.memory_space<vmem>>
      tpu.enqueue_dma source(%dma_start3A_1175 : memref<16x128xf32, #tpu.memory_space<vmem>>) target(%dma_start3A_1166 : memref<16x128xf32, #tpu.memory_space<hbm>>) target_semaphore(%arg12 : memref<!tpu.dma_semaphore, #tpu.memory_space<semaphore_mem>>)
      %mul3A_1176 = arith.constant 2 : i32
      %mul3A_1177 = arith.muli %scan3A_1027, %mul3A_1176 : i32
      %add3A_1178 = arith.constant 1 : i32
      %add3A_1179 = arith.addi %mul3A_1177, %add3A_1178 : i32
      %ge3A_1180 = arith.constant 1 : i32
      %ge3A_1181 = arith.cmpi sge, %scan3A_1027, %ge3A_1180 : i32
      %convert_element_type3A_1182 = arith.extui %ge3A_1181 : i1 to i32
      %cond3A_1183 = arith.constant 0 : i32
      %cond3A_1184 = arith.cmpi ne, %convert_element_type3A_1182, %cond3A_1183 : i32
      scf.if %cond3A_1184 {
        %dma_wait3A_1329 = arith.constant 1 : i32
        %dma_wait3A_1330 = arith.constant 0 : i32
        %dma_wait3A_1331 = arith.constant 0 : i32
        %dma_wait3A_1332 = arith.constant 0 : i32
        %dma_wait3A_1333 = tpu.memref_slice %arg7[%dma_wait3A_1329, %dma_wait3A_1330, %dma_wait3A_1331, %dma_wait3A_1332] : memref<2x3x16x128xf32, #tpu.memory_space<vmem>> -> memref<1x1x16x128xf32, #tpu.memory_space<vmem>>
        %dma_wait3A_1334 = tpu.memref_squeeze %dma_wait3A_1333 : memref<1x1x16x128xf32, #tpu.memory_space<vmem>> -> memref<16x128xf32, #tpu.memory_space<vmem>>
        %dma_wait3A_1335 = arith.constant 0 : i32
        %dma_wait3A_1336 = arith.constant 0 : i32
        %dma_wait3A_1337 = tpu.memref_slice %arg4[%dma_wait3A_1335, %dma_wait3A_1336] : memref<49152x128xf32, #tpu.memory_space<hbm>> -> memref<16x128xf32, #tpu.memory_space<hbm>>
        %dma_wait3A_1338 = arith.constant 0 : i32
        %dma_wait3A_1339 = arith.constant 0 : i32
        %dma_wait3A_1340 = tpu.memref_slice %arg4[%dma_wait3A_1338, %dma_wait3A_1339] : memref<49152x128xf32, #tpu.memory_space<hbm>> -> memref<16x128xf32, #tpu.memory_space<hbm>>
        %dma_wait3A_1341 = arith.constant 0 : i32
        %dma_wait3A_1342 = arith.constant 0 : i32
        %dma_wait3A_1343 = tpu.memref_slice %arg7[%dma_wait3A_1329, %dma_wait3A_1330, %dma_wait3A_1341, %dma_wait3A_1342] : memref<2x3x16x128xf32, #tpu.memory_space<vmem>> -> memref<1x1x16x128xf32, #tpu.memory_space<vmem>>
        %dma_wait3A_1344 = tpu.memref_squeeze %dma_wait3A_1343 : memref<1x1x16x128xf32, #tpu.memory_space<vmem>> -> memref<16x128xf32, #tpu.memory_space<vmem>>
        tpu.wait_dma2 semaphore(%arg12 : memref<!tpu.dma_semaphore, #tpu.memory_space<semaphore_mem>>) src(%dma_wait3A_1344 : memref<16x128xf32, #tpu.memory_space<vmem>>) dst(%dma_wait3A_1340 : memref<16x128xf32, #tpu.memory_space<hbm>>)
        %dma_wait3A_1345 = arith.constant 1 : i32
        %dma_wait3A_1346 = arith.constant 1 : i32
        %dma_wait3A_1347 = arith.constant 0 : i32
        %dma_wait3A_1348 = arith.constant 0 : i32
        %dma_wait3A_1349 = tpu.memref_slice %arg7[%dma_wait3A_1345, %dma_wait3A_1346, %dma_wait3A_1347, %dma_wait3A_1348] : memref<2x3x16x128xf32, #tpu.memory_space<vmem>> -> memref<1x1x16x128xf32, #tpu.memory_space<vmem>>
        %dma_wait3A_1350 = tpu.memref_squeeze %dma_wait3A_1349 : memref<1x1x16x128xf32, #tpu.memory_space<vmem>> -> memref<16x128xf32, #tpu.memory_space<vmem>>
        %dma_wait3A_1351 = arith.constant 0 : i32
        %dma_wait3A_1352 = arith.constant 0 : i32
        %dma_wait3A_1353 = tpu.memref_slice %arg4[%dma_wait3A_1351, %dma_wait3A_1352] : memref<49152x128xf32, #tpu.memory_space<hbm>> -> memref<16x128xf32, #tpu.memory_space<hbm>>
        %dma_wait3A_1354 = arith.constant 0 : i32
        %dma_wait3A_1355 = arith.constant 0 : i32
        %dma_wait3A_1356 = tpu.memref_slice %arg4[%dma_wait3A_1354, %dma_wait3A_1355] : memref<49152x128xf32, #tpu.memory_space<hbm>> -> memref<16x128xf32, #tpu.memory_space<hbm>>
        %dma_wait3A_1357 = arith.constant 0 : i32
        %dma_wait3A_1358 = arith.constant 0 : i32
        %dma_wait3A_1359 = tpu.memref_slice %arg7[%dma_wait3A_1345, %dma_wait3A_1346, %dma_wait3A_1357, %dma_wait3A_1358] : memref<2x3x16x128xf32, #tpu.memory_space<vmem>> -> memref<1x1x16x128xf32, #tpu.memory_space<vmem>>
        %dma_wait3A_1360 = tpu.memref_squeeze %dma_wait3A_1359 : memref<1x1x16x128xf32, #tpu.memory_space<vmem>> -> memref<16x128xf32, #tpu.memory_space<vmem>>
        tpu.wait_dma2 semaphore(%arg12 : memref<!tpu.dma_semaphore, #tpu.memory_space<semaphore_mem>>) src(%dma_wait3A_1360 : memref<16x128xf32, #tpu.memory_space<vmem>>) dst(%dma_wait3A_1356 : memref<16x128xf32, #tpu.memory_space<hbm>>)
        %dma_wait3A_1361 = arith.constant 1 : i32
        %dma_wait3A_1362 = arith.constant 2 : i32
        %dma_wait3A_1363 = arith.constant 0 : i32
        %dma_wait3A_1364 = arith.constant 0 : i32
        %dma_wait3A_1365 = tpu.memref_slice %arg7[%dma_wait3A_1361, %dma_wait3A_1362, %dma_wait3A_1363, %dma_wait3A_1364] : memref<2x3x16x128xf32, #tpu.memory_space<vmem>> -> memref<1x1x16x128xf32, #tpu.memory_space<vmem>>
        %dma_wait3A_1366 = tpu.memref_squeeze %dma_wait3A_1365 : memref<1x1x16x128xf32, #tpu.memory_space<vmem>> -> memref<16x128xf32, #tpu.memory_space<vmem>>
        %dma_wait3A_1367 = arith.constant 0 : i32
        %dma_wait3A_1368 = arith.constant 0 : i32
        %dma_wait3A_1369 = tpu.memref_slice %arg4[%dma_wait3A_1367, %dma_wait3A_1368] : memref<49152x128xf32, #tpu.memory_space<hbm>> -> memref<16x128xf32, #tpu.memory_space<hbm>>
        %dma_wait3A_1370 = arith.constant 0 : i32
        %dma_wait3A_1371 = arith.constant 0 : i32
        %dma_wait3A_1372 = tpu.memref_slice %arg4[%dma_wait3A_1370, %dma_wait3A_1371] : memref<49152x128xf32, #tpu.memory_space<hbm>> -> memref<16x128xf32, #tpu.memory_space<hbm>>
        %dma_wait3A_1373 = arith.constant 0 : i32
        %dma_wait3A_1374 = arith.constant 0 : i32
        %dma_wait3A_1375 = tpu.memref_slice %arg7[%dma_wait3A_1361, %dma_wait3A_1362, %dma_wait3A_1373, %dma_wait3A_1374] : memref<2x3x16x128xf32, #tpu.memory_space<vmem>> -> memref<1x1x16x128xf32, #tpu.memory_space<vmem>>
        %dma_wait3A_1376 = tpu.memref_squeeze %dma_wait3A_1375 : memref<1x1x16x128xf32, #tpu.memory_space<vmem>> -> memref<16x128xf32, #tpu.memory_space<vmem>>
        tpu.wait_dma2 semaphore(%arg12 : memref<!tpu.dma_semaphore, #tpu.memory_space<semaphore_mem>>) src(%dma_wait3A_1376 : memref<16x128xf32, #tpu.memory_space<vmem>>) dst(%dma_wait3A_1372 : memref<16x128xf32, #tpu.memory_space<hbm>>)
      } else {
      }
      %dma_wait3A_1185 = arith.constant 1 : i32
      %dma_wait3A_1186 = arith.constant 1 : i32
      %dma_wait3A_1187 = arith.constant 0 : i32
      %dma_wait3A_1188 = arith.constant 0 : i32
      %dma_wait3A_1189 = tpu.memref_slice %arg6[%dma_wait3A_1186, %dma_wait3A_1187, %dma_wait3A_1188] : memref<2x12x128xi32, #tpu.memory_space<vmem>> -> memref<1x12x128xi32, #tpu.memory_space<vmem>>
      %dma_wait3A_1190 = tpu.memref_squeeze %dma_wait3A_1189 : memref<1x12x128xi32, #tpu.memory_space<vmem>> -> memref<12x128xi32, #tpu.memory_space<vmem>>
      %dma_wait3A_1191 = arith.constant 0 : i32
      %dma_wait3A_1192 = tpu.memref_slice %arg9[%dma_wait3A_1185, %dma_wait3A_1191] : memref<2x16xi32, #tpu.memory_space<vmem>> -> memref<1x12xi32, #tpu.memory_space<vmem>>
      %dma_wait3A_1193 = tpu.memref_squeeze %dma_wait3A_1192 : memref<1x12xi32, #tpu.memory_space<vmem>> -> memref<12xi32, #tpu.memory_space<vmem>>
      %dma_wait3A_1194 = arith.constant 0 : i32
      %dma_wait3A_1195 = arith.constant 0 : i32
      %dma_wait3A_1196 = tpu.memref_slice %arg3[%dma_wait3A_1194, %dma_wait3A_1195] : memref<12288x128xi32, #tpu.memory_space<hbm>> -> memref<12288x128xi32, #tpu.memory_space<hbm>>
      tpu.wait_indirect_dma semaphore(%arg11 : memref<!tpu.dma_semaphore, #tpu.memory_space<semaphore_mem>>) src(%dma_wait3A_1196 : memref<12288x128xi32, #tpu.memory_space<hbm>>) dst(%dma_wait3A_1190 : memref<12x128xi32, #tpu.memory_space<vmem>>)
      %add3A_1197 = arith.constant 1 : i32
      %add3A_1198 = arith.addi %add3A_1179, %add3A_1197 : i32
      %lt3A_1199 = arith.constant 32 : i32
      %lt3A_1200 = arith.cmpi slt, %add3A_1198, %lt3A_1199 : i32
      %convert_element_type3A_1201 = arith.extui %lt3A_1200 : i1 to i32
      %cond3A_1202 = arith.constant 0 : i32
      %cond3A_1203 = arith.cmpi ne, %convert_element_type3A_1201, %cond3A_1202 : i32
      scf.if %cond3A_1203 {
        %add3A_1329 = arith.constant 1 : i32
        %add3A_1330 = arith.addi %add3A_1179, %add3A_1329 : i32
        %mul3A_1331 = arith.constant 128 : i32
        %mul3A_1332 = arith.muli %select_n3A_30, %mul3A_1331 : i32
        %mul3A_1333 = arith.constant 4 : i32
        %mul3A_1334 = arith.muli %add3A_1330, %mul3A_1333 : i32
        %add3A_1335 = arith.addi %mul3A_1332, %mul3A_1334 : i32
        %mul3A_1336 = arith.constant 8 : i32
        %mul3A_1337 = arith.muli %add3A_1335, %mul3A_1336 : i32
        %add3A_1338 = arith.addi %add3A_73, %mul3A_1337 : i32
        %broadcast_in_dim3A_1339 = arith.constant 0 : i32
        %broadcast_in_dim3A_1340 = vector.broadcast %broadcast_in_dim3A_1339 : i32 to vector<16xi32>
        %shift_right_logical3A_1341 = arith.constant 2 : i32
        %shift_right_logical3A_1342 = vector.broadcast %shift_right_logical3A_1341 : i32 to vector<16xi32>
        %shift_right_logical3A_1343 = arith.shrui %iota3A, %shift_right_logical3A_1342 : vector<16xi32>
        %mul3A_1344 = arith.constant 4096 : i32
        %mul3A_1345 = vector.broadcast %mul3A_1344 : i32 to vector<16xi32>
        %mul3A_1346 = arith.muli %shift_right_logical3A_1343, %mul3A_1345 : vector<16xi32>
        %add3A_1347 = vector.broadcast %add3A_1338 : i32 to vector<16xi32>
        %add3A_1348 = arith.addi %add3A_1347, %mul3A_1346 : vector<16xi32>
        %and3A_1349 = arith.constant 3 : i32
        %and3A_1350 = vector.broadcast %and3A_1349 : i32 to vector<16xi32>
        %and3A_1351 = arith.andi %iota3A, %and3A_1350 : vector<16xi32>
        %mul3A_1352 = arith.constant 8 : i32
        %mul3A_1353 = vector.broadcast %mul3A_1352 : i32 to vector<16xi32>
        %mul3A_1354 = arith.muli %and3A_1351, %mul3A_1353 : vector<16xi32>
        %add3A_1355 = arith.addi %add3A_1348, %mul3A_1354 : vector<16xi32>
        %lt3A_1356 = arith.constant 12 : i32
        %lt3A_1357 = vector.broadcast %lt3A_1356 : i32 to vector<16xi32>
        %lt3A_1358 = arith.cmpi slt, %iota3A, %lt3A_1357 : vector<16xi32>
        tpu.vector_store_idx %arg9[%broadcast_in_dim3A_1340, %iota3A], %add3A_1355 masked %lt3A_1358 : memref<2x16xi32, #tpu.memory_space<vmem>>[vector<16xi32>, vector<16xi32>], vector<16xi32>, vector<16xi1>
        %dma_start3A_1359 = arith.constant 0 : i32
        %dma_start3A_1360 = arith.constant 0 : i32
        %dma_start3A_1361 = arith.constant 0 : i32
        %dma_start3A_1362 = arith.constant 0 : i32
        %dma_start3A_1363 = tpu.memref_slice %arg6[%dma_start3A_1360, %dma_start3A_1361, %dma_start3A_1362] : memref<2x12x128xi32, #tpu.memory_space<vmem>> -> memref<1x12x128xi32, #tpu.memory_space<vmem>>
        %dma_start3A_1364 = tpu.memref_squeeze %dma_start3A_1363 : memref<1x12x128xi32, #tpu.memory_space<vmem>> -> memref<12x128xi32, #tpu.memory_space<vmem>>
        %dma_start3A_1365 = arith.constant 0 : i32
        %dma_start3A_1366 = tpu.memref_slice %arg9[%dma_start3A_1359, %dma_start3A_1365] : memref<2x16xi32, #tpu.memory_space<vmem>> -> memref<1x12xi32, #tpu.memory_space<vmem>>
        %dma_start3A_1367 = tpu.memref_squeeze %dma_start3A_1366 : memref<1x12xi32, #tpu.memory_space<vmem>> -> memref<12xi32, #tpu.memory_space<vmem>>
        %dma_start3A_1368 = arith.constant 0 : i32
        %dma_start3A_1369 = arith.constant 0 : i32
        %dma_start3A_1370 = tpu.memref_slice %arg3[%dma_start3A_1368, %dma_start3A_1369] : memref<12288x128xi32, #tpu.memory_space<hbm>> -> memref<12288x128xi32, #tpu.memory_space<hbm>>
        tpu.enqueue_indirect_dma source(%dma_start3A_1370 : memref<12288x128xi32, #tpu.memory_space<hbm>>) target(%dma_start3A_1364 : memref<12x128xi32, #tpu.memory_space<vmem>>) offsets(%dma_start3A_1367 : memref<12xi32, #tpu.memory_space<vmem>>) semaphore(%arg11 : memref<!tpu.dma_semaphore, #tpu.memory_space<semaphore_mem>>)
      } else {
      }
      %parallel_loop3A_1204 = arith.constant 0 : i32
      %parallel_loop3A_1205 = arith.constant 32 : i32
      %parallel_loop3A_1206 = arith.constant 1 : i32
      %parallel_loop3A_1207 = arith.constant 1 : i32
      %parallel_loop3A_1208 = arith.constant 0 : i32
      %parallel_loop3A_1209 = arith.constant 1 : i32
      %parallel_loop3A_1210 = arith.constant 2 : i32
      %parallel_loop3A_1211 = arith.constant 1 : i32
      scf.for %parallel_loop3A_1329 = %parallel_loop3A_1204 to %parallel_loop3A_1205 step %parallel_loop3A_1206  : i32 {
        %parallel_loop3A_1330 = arith.constant 3 : i32
        %parallel_loop3A_1331 = arith.shrui %parallel_loop3A_1329, %parallel_loop3A_1330 : i32
        %parallel_loop3A_1332 = arith.constant 7 : i32
        %parallel_loop3A_1333 = arith.andi %parallel_loop3A_1329, %parallel_loop3A_1332 : i32
        %parallel_loop3A_1334 = arith.constant 16 : i32
        %parallel_loop3A_1335 = arith.muli %parallel_loop3A_1333, %parallel_loop3A_1334 : i32
        %parallel_loop3A_1336 = arith.constant 0 : i32
        %parallel_loop3A_1337 = arith.constant 0 : i32
        %parallel_loop3A_1338 = tpu.memref_slice %arg6[%parallel_loop3A_1207, %parallel_loop3A_1336, %parallel_loop3A_1337] : memref<2x12x128xi32, #tpu.memory_space<vmem>> -> memref<1x12x128xi32, #tpu.memory_space<vmem>>
        %parallel_loop3A_1339 = tpu.memref_squeeze %parallel_loop3A_1338 : memref<1x12x128xi32, #tpu.memory_space<vmem>> -> memref<12x128xi32, #tpu.memory_space<vmem>>
        %parallel_loop3A_1340 = arith.index_cast %parallel_loop3A_1331 : i32 to index
        %parallel_loop3A_1341 = arith.index_cast %parallel_loop3A_1335 : i32 to index
        %parallel_loop3A_1342 = tpu.vector_load %parallel_loop3A_1339[%parallel_loop3A_1340, %parallel_loop3A_1341] {strides = array<i32>} : memref<12x128xi32, #tpu.memory_space<vmem>>, vector<16xi32>,
        %parallel_loop3A_1343 = arith.constant 4 : i32
        %parallel_loop3A_1344 = arith.addi %parallel_loop3A_1331, %parallel_loop3A_1343 : i32
        %parallel_loop3A_1345 = arith.constant 0 : i32
        %parallel_loop3A_1346 = arith.constant 0 : i32
        %parallel_loop3A_1347 = tpu.memref_slice %arg6[%parallel_loop3A_1207, %parallel_loop3A_1345, %parallel_loop3A_1346] : memref<2x12x128xi32, #tpu.memory_space<vmem>> -> memref<1x12x128xi32, #tpu.memory_space<vmem>>
        %parallel_loop3A_1348 = tpu.memref_squeeze %parallel_loop3A_1347 : memref<1x12x128xi32, #tpu.memory_space<vmem>> -> memref<12x128xi32, #tpu.memory_space<vmem>>
        %parallel_loop3A_1349 = arith.index_cast %parallel_loop3A_1344 : i32 to index
        %parallel_loop3A_1350 = arith.index_cast %parallel_loop3A_1335 : i32 to index
        %parallel_loop3A_1351 = tpu.vector_load %parallel_loop3A_1348[%parallel_loop3A_1349, %parallel_loop3A_1350] {strides = array<i32>} : memref<12x128xi32, #tpu.memory_space<vmem>>, vector<16xi32>,
        %parallel_loop3A_1352 = arith.constant 8 : i32
        %parallel_loop3A_1353 = arith.addi %parallel_loop3A_1331, %parallel_loop3A_1352 : i32
        %parallel_loop3A_1354 = arith.constant 0 : i32
        %parallel_loop3A_1355 = arith.constant 0 : i32
        %parallel_loop3A_1356 = tpu.memref_slice %arg6[%parallel_loop3A_1207, %parallel_loop3A_1354, %parallel_loop3A_1355] : memref<2x12x128xi32, #tpu.memory_space<vmem>> -> memref<1x12x128xi32, #tpu.memory_space<vmem>>
        %parallel_loop3A_1357 = tpu.memref_squeeze %parallel_loop3A_1356 : memref<1x12x128xi32, #tpu.memory_space<vmem>> -> memref<12x128xi32, #tpu.memory_space<vmem>>
        %parallel_loop3A_1358 = arith.index_cast %parallel_loop3A_1353 : i32 to index
        %parallel_loop3A_1359 = arith.index_cast %parallel_loop3A_1335 : i32 to index
        %parallel_loop3A_1360 = tpu.vector_load %parallel_loop3A_1357[%parallel_loop3A_1358, %parallel_loop3A_1359] {strides = array<i32>} : memref<12x128xi32, #tpu.memory_space<vmem>>, vector<16xi32>,
        %parallel_loop3A_1361 = arith.constant 7 : i32
        %parallel_loop3A_1362 = vector.broadcast %parallel_loop3A_1361 : i32 to vector<16xi32>
        %parallel_loop3A_1363 = arith.shrui %parallel_loop3A_1342, %parallel_loop3A_1362 : vector<16xi32>
        %parallel_loop3A_1364 = arith.constant 127 : i32
        %parallel_loop3A_1365 = vector.broadcast %parallel_loop3A_1364 : i32 to vector<16xi32>
        %parallel_loop3A_1366 = arith.andi %parallel_loop3A_1342, %parallel_loop3A_1365 : vector<16xi32>
        %parallel_loop3A_1367 = arith.constant 7 : i32
        %parallel_loop3A_1368 = vector.broadcast %parallel_loop3A_1367 : i32 to vector<16xi32>
        %parallel_loop3A_1369 = arith.shrui %parallel_loop3A_1351, %parallel_loop3A_1368 : vector<16xi32>
        %parallel_loop3A_1370 = arith.constant 127 : i32
        %parallel_loop3A_1371 = vector.broadcast %parallel_loop3A_1370 : i32 to vector<16xi32>
        %parallel_loop3A_1372 = arith.andi %parallel_loop3A_1351, %parallel_loop3A_1371 : vector<16xi32>
        %parallel_loop3A_1373 = arith.constant 7 : i32
        %parallel_loop3A_1374 = vector.broadcast %parallel_loop3A_1373 : i32 to vector<16xi32>
        %parallel_loop3A_1375 = arith.shrui %parallel_loop3A_1360, %parallel_loop3A_1374 : vector<16xi32>
        %parallel_loop3A_1376 = arith.constant 127 : i32
        %parallel_loop3A_1377 = vector.broadcast %parallel_loop3A_1376 : i32 to vector<16xi32>
        %parallel_loop3A_1378 = arith.andi %parallel_loop3A_1360, %parallel_loop3A_1377 : vector<16xi32>
        %parallel_loop3A_1379 = arith.constant 0 : i32
        %parallel_loop3A_1380 = arith.constant 0 : i32
        %parallel_loop3A_1381 = tpu.memref_slice %arg5[%parallel_loop3A_1208, %parallel_loop3A_1379, %parallel_loop3A_1380] : memref<3x256x128xf32, #tpu.memory_space<vmem>> -> memref<1x256x128xf32, #tpu.memory_space<vmem>>
        %parallel_loop3A_1382 = tpu.memref_squeeze %parallel_loop3A_1381 : memref<1x256x128xf32, #tpu.memory_space<vmem>> -> memref<256x128xf32, #tpu.memory_space<vmem>>
        %parallel_loop3A_1383 = tpu.vector_load_idx %parallel_loop3A_1382[%parallel_loop3A_1363, %parallel_loop3A_1366] : memref<256x128xf32, #tpu.memory_space<vmem>>[vector<16xi32>, vector<16xi32>], vector<16xf32>,
        %parallel_loop3A_1384 = arith.constant 0 : i32
        %parallel_loop3A_1385 = arith.constant 0 : i32
        %parallel_loop3A_1386 = tpu.memref_slice %arg5[%parallel_loop3A_1209, %parallel_loop3A_1384, %parallel_loop3A_1385] : memref<3x256x128xf32, #tpu.memory_space<vmem>> -> memref<1x256x128xf32, #tpu.memory_space<vmem>>
        %parallel_loop3A_1387 = tpu.memref_squeeze %parallel_loop3A_1386 : memref<1x256x128xf32, #tpu.memory_space<vmem>> -> memref<256x128xf32, #tpu.memory_space<vmem>>
        %parallel_loop3A_1388 = tpu.vector_load_idx %parallel_loop3A_1387[%parallel_loop3A_1363, %parallel_loop3A_1366] : memref<256x128xf32, #tpu.memory_space<vmem>>[vector<16xi32>, vector<16xi32>], vector<16xf32>,
        %parallel_loop3A_1389 = arith.constant 0 : i32
        %parallel_loop3A_1390 = arith.constant 0 : i32
        %parallel_loop3A_1391 = tpu.memref_slice %arg5[%parallel_loop3A_1210, %parallel_loop3A_1389, %parallel_loop3A_1390] : memref<3x256x128xf32, #tpu.memory_space<vmem>> -> memref<1x256x128xf32, #tpu.memory_space<vmem>>
        %parallel_loop3A_1392 = tpu.memref_squeeze %parallel_loop3A_1391 : memref<1x256x128xf32, #tpu.memory_space<vmem>> -> memref<256x128xf32, #tpu.memory_space<vmem>>
        %parallel_loop3A_1393 = tpu.vector_load_idx %parallel_loop3A_1392[%parallel_loop3A_1363, %parallel_loop3A_1366] : memref<256x128xf32, #tpu.memory_space<vmem>>[vector<16xi32>, vector<16xi32>], vector<16xf32>,
        %parallel_loop3A_1394 = arith.constant 0 : i32
        %parallel_loop3A_1395 = arith.constant 0 : i32
        %parallel_loop3A_1396 = tpu.memref_slice %arg5[%parallel_loop3A_1208, %parallel_loop3A_1394, %parallel_loop3A_1395] : memref<3x256x128xf32, #tpu.memory_space<vmem>> -> memref<1x256x128xf32, #tpu.memory_space<vmem>>
        %parallel_loop3A_1397 = tpu.memref_squeeze %parallel_loop3A_1396 : memref<1x256x128xf32, #tpu.memory_space<vmem>> -> memref<256x128xf32, #tpu.memory_space<vmem>>
        %parallel_loop3A_1398 = tpu.vector_load_idx %parallel_loop3A_1397[%parallel_loop3A_1369, %parallel_loop3A_1372] : memref<256x128xf32, #tpu.memory_space<vmem>>[vector<16xi32>, vector<16xi32>], vector<16xf32>,
        %parallel_loop3A_1399 = arith.constant 0 : i32
        %parallel_loop3A_1400 = arith.constant 0 : i32
        %parallel_loop3A_1401 = tpu.memref_slice %arg5[%parallel_loop3A_1209, %parallel_loop3A_1399, %parallel_loop3A_1400] : memref<3x256x128xf32, #tpu.memory_space<vmem>> -> memref<1x256x128xf32, #tpu.memory_space<vmem>>
        %parallel_loop3A_1402 = tpu.memref_squeeze %parallel_loop3A_1401 : memref<1x256x128xf32, #tpu.memory_space<vmem>> -> memref<256x128xf32, #tpu.memory_space<vmem>>
        %parallel_loop3A_1403 = tpu.vector_load_idx %parallel_loop3A_1402[%parallel_loop3A_1369, %parallel_loop3A_1372] : memref<256x128xf32, #tpu.memory_space<vmem>>[vector<16xi32>, vector<16xi32>], vector<16xf32>,
        %parallel_loop3A_1404 = arith.constant 0 : i32
        %parallel_loop3A_1405 = arith.constant 0 : i32
        %parallel_loop3A_1406 = tpu.memref_slice %arg5[%parallel_loop3A_1210, %parallel_loop3A_1404, %parallel_loop3A_1405] : memref<3x256x128xf32, #tpu.memory_space<vmem>> -> memref<1x256x128xf32, #tpu.memory_space<vmem>>
        %parallel_loop3A_1407 = tpu.memref_squeeze %parallel_loop3A_1406 : memref<1x256x128xf32, #tpu.memory_space<vmem>> -> memref<256x128xf32, #tpu.memory_space<vmem>>
        %parallel_loop3A_1408 = tpu.vector_load_idx %parallel_loop3A_1407[%parallel_loop3A_1369, %parallel_loop3A_1372] : memref<256x128xf32, #tpu.memory_space<vmem>>[vector<16xi32>, vector<16xi32>], vector<16xf32>,
        %parallel_loop3A_1409 = arith.constant 0 : i32
        %parallel_loop3A_1410 = arith.constant 0 : i32
        %parallel_loop3A_1411 = tpu.memref_slice %arg5[%parallel_loop3A_1208, %parallel_loop3A_1409, %parallel_loop3A_1410] : memref<3x256x128xf32, #tpu.memory_space<vmem>> -> memref<1x256x128xf32, #tpu.memory_space<vmem>>
        %parallel_loop3A_1412 = tpu.memref_squeeze %parallel_loop3A_1411 : memref<1x256x128xf32, #tpu.memory_space<vmem>> -> memref<256x128xf32, #tpu.memory_space<vmem>>
        %parallel_loop3A_1413 = tpu.vector_load_idx %parallel_loop3A_1412[%parallel_loop3A_1375, %parallel_loop3A_1378] : memref<256x128xf32, #tpu.memory_space<vmem>>[vector<16xi32>, vector<16xi32>], vector<16xf32>,
        %parallel_loop3A_1414 = arith.constant 0 : i32
        %parallel_loop3A_1415 = arith.constant 0 : i32
        %parallel_loop3A_1416 = tpu.memref_slice %arg5[%parallel_loop3A_1209, %parallel_loop3A_1414, %parallel_loop3A_1415] : memref<3x256x128xf32, #tpu.memory_space<vmem>> -> memref<1x256x128xf32, #tpu.memory_space<vmem>>
        %parallel_loop3A_1417 = tpu.memref_squeeze %parallel_loop3A_1416 : memref<1x256x128xf32, #tpu.memory_space<vmem>> -> memref<256x128xf32, #tpu.memory_space<vmem>>
        %parallel_loop3A_1418 = tpu.vector_load_idx %parallel_loop3A_1417[%parallel_loop3A_1375, %parallel_loop3A_1378] : memref<256x128xf32, #tpu.memory_space<vmem>>[vector<16xi32>, vector<16xi32>], vector<16xf32>,
        %parallel_loop3A_1419 = arith.constant 0 : i32
        %parallel_loop3A_1420 = arith.constant 0 : i32
        %parallel_loop3A_1421 = tpu.memref_slice %arg5[%parallel_loop3A_1210, %parallel_loop3A_1419, %parallel_loop3A_1420] : memref<3x256x128xf32, #tpu.memory_space<vmem>> -> memref<1x256x128xf32, #tpu.memory_space<vmem>>
        %parallel_loop3A_1422 = tpu.memref_squeeze %parallel_loop3A_1421 : memref<1x256x128xf32, #tpu.memory_space<vmem>> -> memref<256x128xf32, #tpu.memory_space<vmem>>
        %parallel_loop3A_1423 = tpu.vector_load_idx %parallel_loop3A_1422[%parallel_loop3A_1375, %parallel_loop3A_1378] : memref<256x128xf32, #tpu.memory_space<vmem>>[vector<16xi32>, vector<16xi32>], vector<16xf32>,
        %parallel_loop3A_1424 = arith.subf %parallel_loop3A_1398, %parallel_loop3A_1383 : vector<16xf32>
        %parallel_loop3A_1425 = arith.subf %parallel_loop3A_1403, %parallel_loop3A_1388 : vector<16xf32>
        %parallel_loop3A_1426 = arith.subf %parallel_loop3A_1408, %parallel_loop3A_1393 : vector<16xf32>
        %parallel_loop3A_1427 = arith.subf %parallel_loop3A_1413, %parallel_loop3A_1383 : vector<16xf32>
        %parallel_loop3A_1428 = arith.subf %parallel_loop3A_1418, %parallel_loop3A_1388 : vector<16xf32>
        %parallel_loop3A_1429 = arith.subf %parallel_loop3A_1423, %parallel_loop3A_1393 : vector<16xf32>
        %parallel_loop3A_1430 = arith.constant 4 : i32
        %parallel_loop3A_1431 = arith.muli %parallel_loop3A_1331, %parallel_loop3A_1430 : i32
        %parallel_loop3A_1432 = arith.constant 0 : i32
        %parallel_loop3A_1433 = arith.constant 0 : i32
        %parallel_loop3A_1434 = arith.constant 0 : i32
        %parallel_loop3A_1435 = arith.constant 0 : i32
        %parallel_loop3A_1436 = tpu.memref_slice %arg7[%parallel_loop3A_1211, %parallel_loop3A_1433, %parallel_loop3A_1434, %parallel_loop3A_1435] : memref<2x3x16x128xf32, #tpu.memory_space<vmem>> -> memref<1x3x16x128xf32, #tpu.memory_space<vmem>>
        %parallel_loop3A_1437 = tpu.memref_squeeze %parallel_loop3A_1436 : memref<1x3x16x128xf32, #tpu.memory_space<vmem>> -> memref<3x16x128xf32, #tpu.memory_space<vmem>>
        %parallel_loop3A_1438 = arith.index_cast %parallel_loop3A_1432 : i32 to index
        %parallel_loop3A_1439 = arith.index_cast %parallel_loop3A_1431 : i32 to index
        %parallel_loop3A_1440 = arith.index_cast %parallel_loop3A_1335 : i32 to index
        %parallel_loop3A_1441 = tpu.vector_load %parallel_loop3A_1437[%parallel_loop3A_1438, %parallel_loop3A_1439, %parallel_loop3A_1440] {strides = array<i32>} : memref<3x16x128xf32, #tpu.memory_space<vmem>>, vector<16xf32>,
        tpu.vector_store %parallel_loop3A_1437[%parallel_loop3A_1438, %parallel_loop3A_1439, %parallel_loop3A_1440], %parallel_loop3A_1383 {strides = array<i32>} : memref<3x16x128xf32, #tpu.memory_space<vmem>>, vector<16xf32>,
        %parallel_loop3A_1442 = arith.constant 1 : i32
        %parallel_loop3A_1443 = arith.constant 0 : i32
        %parallel_loop3A_1444 = arith.constant 0 : i32
        %parallel_loop3A_1445 = arith.constant 0 : i32
        %parallel_loop3A_1446 = tpu.memref_slice %arg7[%parallel_loop3A_1211, %parallel_loop3A_1443, %parallel_loop3A_1444, %parallel_loop3A_1445] : memref<2x3x16x128xf32, #tpu.memory_space<vmem>> -> memref<1x3x16x128xf32, #tpu.memory_space<vmem>>
        %parallel_loop3A_1447 = tpu.memref_squeeze %parallel_loop3A_1446 : memref<1x3x16x128xf32, #tpu.memory_space<vmem>> -> memref<3x16x128xf32, #tpu.memory_space<vmem>>
        %parallel_loop3A_1448 = arith.index_cast %parallel_loop3A_1442 : i32 to index
        %parallel_loop3A_1449 = arith.index_cast %parallel_loop3A_1431 : i32 to index
        %parallel_loop3A_1450 = arith.index_cast %parallel_loop3A_1335 : i32 to index
        %parallel_loop3A_1451 = tpu.vector_load %parallel_loop3A_1447[%parallel_loop3A_1448, %parallel_loop3A_1449, %parallel_loop3A_1450] {strides = array<i32>} : memref<3x16x128xf32, #tpu.memory_space<vmem>>, vector<16xf32>,
        tpu.vector_store %parallel_loop3A_1447[%parallel_loop3A_1448, %parallel_loop3A_1449, %parallel_loop3A_1450], %parallel_loop3A_1388 {strides = array<i32>} : memref<3x16x128xf32, #tpu.memory_space<vmem>>, vector<16xf32>,
        %parallel_loop3A_1452 = arith.constant 2 : i32
        %parallel_loop3A_1453 = arith.constant 0 : i32
        %parallel_loop3A_1454 = arith.constant 0 : i32
        %parallel_loop3A_1455 = arith.constant 0 : i32
        %parallel_loop3A_1456 = tpu.memref_slice %arg7[%parallel_loop3A_1211, %parallel_loop3A_1453, %parallel_loop3A_1454, %parallel_loop3A_1455] : memref<2x3x16x128xf32, #tpu.memory_space<vmem>> -> memref<1x3x16x128xf32, #tpu.memory_space<vmem>>
        %parallel_loop3A_1457 = tpu.memref_squeeze %parallel_loop3A_1456 : memref<1x3x16x128xf32, #tpu.memory_space<vmem>> -> memref<3x16x128xf32, #tpu.memory_space<vmem>>
        %parallel_loop3A_1458 = arith.index_cast %parallel_loop3A_1452 : i32 to index
        %parallel_loop3A_1459 = arith.index_cast %parallel_loop3A_1431 : i32 to index
        %parallel_loop3A_1460 = arith.index_cast %parallel_loop3A_1335 : i32 to index
        %parallel_loop3A_1461 = tpu.vector_load %parallel_loop3A_1457[%parallel_loop3A_1458, %parallel_loop3A_1459, %parallel_loop3A_1460] {strides = array<i32>} : memref<3x16x128xf32, #tpu.memory_space<vmem>>, vector<16xf32>,
        tpu.vector_store %parallel_loop3A_1457[%parallel_loop3A_1458, %parallel_loop3A_1459, %parallel_loop3A_1460], %parallel_loop3A_1393 {strides = array<i32>} : memref<3x16x128xf32, #tpu.memory_space<vmem>>, vector<16xf32>,
        %parallel_loop3A_1462 = arith.constant 9.99999997E-7 : f32
        %parallel_loop3A_1463 = vector.broadcast %parallel_loop3A_1462 : f32 to vector<16xf32>
        %parallel_loop3A_1464 = arith.addf %parallel_loop3A_1426, %parallel_loop3A_1463 : vector<16xf32>
        %parallel_loop3A_1465 = arith.mulf %parallel_loop3A_1424, %parallel_loop3A_1424 : vector<16xf32>
        %parallel_loop3A_1466 = arith.mulf %parallel_loop3A_1425, %parallel_loop3A_1425 : vector<16xf32>
        %parallel_loop3A_1467 = arith.addf %parallel_loop3A_1465, %parallel_loop3A_1466 : vector<16xf32>
        %parallel_loop3A_1468 = arith.mulf %parallel_loop3A_1464, %parallel_loop3A_1464 : vector<16xf32>
        %parallel_loop3A_1469 = arith.addf %parallel_loop3A_1467, %parallel_loop3A_1468 : vector<16xf32>
        %parallel_loop3A_1470 = vector.bitcast %parallel_loop3A_1469 : vector<16xf32> to vector<16xi32>
        %parallel_loop3A_1471 = arith.constant 1 : i32
        %parallel_loop3A_1472 = vector.broadcast %parallel_loop3A_1471 : i32 to vector<16xi32>
        %parallel_loop3A_1473 = arith.shrsi %parallel_loop3A_1470, %parallel_loop3A_1472 : vector<16xi32>
        %parallel_loop3A_1474 = arith.constant 1597463007 : i32
        %parallel_loop3A_1475 = vector.broadcast %parallel_loop3A_1474 : i32 to vector<16xi32>
        %parallel_loop3A_1476 = arith.subi %parallel_loop3A_1475, %parallel_loop3A_1473 : vector<16xi32>
        %parallel_loop3A_1477 = vector.bitcast %parallel_loop3A_1476 : vector<16xi32> to vector<16xf32>
        %parallel_loop3A_1478 = arith.constant 5.000000e-01 : f32
        %parallel_loop3A_1479 = vector.broadcast %parallel_loop3A_1478 : f32 to vector<16xf32>
        %parallel_loop3A_1480 = arith.mulf %parallel_loop3A_1479, %parallel_loop3A_1469 : vector<16xf32>
        %parallel_loop3A_1481 = arith.mulf %parallel_loop3A_1480, %parallel_loop3A_1477 : vector<16xf32>
        %parallel_loop3A_1482 = arith.mulf %parallel_loop3A_1481, %parallel_loop3A_1477 : vector<16xf32>
        %parallel_loop3A_1483 = arith.constant 1.500000e+00 : f32
        %parallel_loop3A_1484 = vector.broadcast %parallel_loop3A_1483 : f32 to vector<16xf32>
        %parallel_loop3A_1485 = arith.subf %parallel_loop3A_1484, %parallel_loop3A_1482 : vector<16xf32>
        %parallel_loop3A_1486 = arith.mulf %parallel_loop3A_1477, %parallel_loop3A_1485 : vector<16xf32>
        %parallel_loop3A_1487 = arith.mulf %parallel_loop3A_1469, %parallel_loop3A_1486 : vector<16xf32>
        %parallel_loop3A_1488 = arith.constant 9.99999997E-7 : f32
        %parallel_loop3A_1489 = vector.broadcast %parallel_loop3A_1488 : f32 to vector<16xf32>
        %parallel_loop3A_1490 = arith.addf %parallel_loop3A_1487, %parallel_loop3A_1489 : vector<16xf32>
        %parallel_loop3A_1491 = arith.constant 9.99999997E-7 : f32
        %parallel_loop3A_1492 = vector.broadcast %parallel_loop3A_1491 : f32 to vector<16xf32>
        %parallel_loop3A_1493 = arith.mulf %parallel_loop3A_1492, %parallel_loop3A_1490 : vector<16xf32>
        %parallel_loop3A_1494 = arith.mulf %parallel_loop3A_1425, %parallel_loop3A_1429 : vector<16xf32>
        %parallel_loop3A_1495 = arith.mulf %parallel_loop3A_1464, %parallel_loop3A_1428 : vector<16xf32>
        %parallel_loop3A_1496 = arith.subf %parallel_loop3A_1494, %parallel_loop3A_1495 : vector<16xf32>
        %parallel_loop3A_1497 = arith.mulf %parallel_loop3A_1464, %parallel_loop3A_1427 : vector<16xf32>
        %parallel_loop3A_1498 = arith.mulf %parallel_loop3A_1424, %parallel_loop3A_1429 : vector<16xf32>
        %parallel_loop3A_1499 = arith.subf %parallel_loop3A_1497, %parallel_loop3A_1498 : vector<16xf32>
        %parallel_loop3A_1500 = arith.addf %parallel_loop3A_1499, %parallel_loop3A_1493 : vector<16xf32>
        %parallel_loop3A_1501 = arith.mulf %parallel_loop3A_1424, %parallel_loop3A_1428 : vector<16xf32>
        %parallel_loop3A_1502 = arith.mulf %parallel_loop3A_1425, %parallel_loop3A_1427 : vector<16xf32>
        %parallel_loop3A_1503 = arith.subf %parallel_loop3A_1501, %parallel_loop3A_1502 : vector<16xf32>
        %parallel_loop3A_1504 = arith.mulf %parallel_loop3A_1496, %parallel_loop3A_1496 : vector<16xf32>
        %parallel_loop3A_1505 = arith.mulf %parallel_loop3A_1500, %parallel_loop3A_1500 : vector<16xf32>
        %parallel_loop3A_1506 = arith.addf %parallel_loop3A_1504, %parallel_loop3A_1505 : vector<16xf32>
        %parallel_loop3A_1507 = arith.mulf %parallel_loop3A_1503, %parallel_loop3A_1503 : vector<16xf32>
        %parallel_loop3A_1508 = arith.addf %parallel_loop3A_1506, %parallel_loop3A_1507 : vector<16xf32>
        %parallel_loop3A_1509 = vector.bitcast %parallel_loop3A_1508 : vector<16xf32> to vector<16xi32>
        %parallel_loop3A_1510 = arith.constant 1 : i32
        %parallel_loop3A_1511 = vector.broadcast %parallel_loop3A_1510 : i32 to vector<16xi32>
        %parallel_loop3A_1512 = arith.shrsi %parallel_loop3A_1509, %parallel_loop3A_1511 : vector<16xi32>
        %parallel_loop3A_1513 = arith.constant 1597463007 : i32
        %parallel_loop3A_1514 = vector.broadcast %parallel_loop3A_1513 : i32 to vector<16xi32>
        %parallel_loop3A_1515 = arith.subi %parallel_loop3A_1514, %parallel_loop3A_1512 : vector<16xi32>
        %parallel_loop3A_1516 = vector.bitcast %parallel_loop3A_1515 : vector<16xi32> to vector<16xf32>
        %parallel_loop3A_1517 = arith.constant 5.000000e-01 : f32
        %parallel_loop3A_1518 = vector.broadcast %parallel_loop3A_1517 : f32 to vector<16xf32>
        %parallel_loop3A_1519 = arith.mulf %parallel_loop3A_1518, %parallel_loop3A_1508 : vector<16xf32>
        %parallel_loop3A_1520 = arith.mulf %parallel_loop3A_1519, %parallel_loop3A_1516 : vector<16xf32>
        %parallel_loop3A_1521 = arith.mulf %parallel_loop3A_1520, %parallel_loop3A_1516 : vector<16xf32>
        %parallel_loop3A_1522 = arith.constant 1.500000e+00 : f32
        %parallel_loop3A_1523 = vector.broadcast %parallel_loop3A_1522 : f32 to vector<16xf32>
        %parallel_loop3A_1524 = arith.subf %parallel_loop3A_1523, %parallel_loop3A_1521 : vector<16xf32>
        %parallel_loop3A_1525 = arith.mulf %parallel_loop3A_1516, %parallel_loop3A_1524 : vector<16xf32>
        %parallel_loop3A_1526 = arith.mulf %parallel_loop3A_1508, %parallel_loop3A_1525 : vector<16xf32>
        %parallel_loop3A_1527 = arith.addf %parallel_loop3A_1526, %parallel_loop3A_1493 : vector<16xf32>
        %parallel_loop3A_1528 = arith.constant 9.99999997E-7 : f32
        %parallel_loop3A_1529 = vector.broadcast %parallel_loop3A_1528 : f32 to vector<16xf32>
        %parallel_loop3A_1530 = arith.mulf %parallel_loop3A_1529, %parallel_loop3A_1527 : vector<16xf32>
        %parallel_loop3A_1531 = arith.mulf %parallel_loop3A_1530, %parallel_loop3A_1490 : vector<16xf32>
        %parallel_loop3A_1532 = arith.mulf %parallel_loop3A_1500, %parallel_loop3A_1464 : vector<16xf32>
        %parallel_loop3A_1533 = arith.mulf %parallel_loop3A_1503, %parallel_loop3A_1425 : vector<16xf32>
        %parallel_loop3A_1534 = arith.subf %parallel_loop3A_1532, %parallel_loop3A_1533 : vector<16xf32>
        %parallel_loop3A_1535 = arith.addf %parallel_loop3A_1534, %parallel_loop3A_1531 : vector<16xf32>
        %parallel_loop3A_1536 = arith.mulf %parallel_loop3A_1503, %parallel_loop3A_1424 : vector<16xf32>
        %parallel_loop3A_1537 = arith.mulf %parallel_loop3A_1496, %parallel_loop3A_1464 : vector<16xf32>
        %parallel_loop3A_1538 = arith.subf %parallel_loop3A_1536, %parallel_loop3A_1537 : vector<16xf32>
        %parallel_loop3A_1539 = arith.mulf %parallel_loop3A_1496, %parallel_loop3A_1425 : vector<16xf32>
        %parallel_loop3A_1540 = arith.mulf %parallel_loop3A_1500, %parallel_loop3A_1424 : vector<16xf32>
        %parallel_loop3A_1541 = arith.subf %parallel_loop3A_1539, %parallel_loop3A_1540 : vector<16xf32>
        %parallel_loop3A_1542 = arith.mulf %parallel_loop3A_1535, %parallel_loop3A_1535 : vector<16xf32>
        %parallel_loop3A_1543 = arith.mulf %parallel_loop3A_1538, %parallel_loop3A_1538 : vector<16xf32>
        %parallel_loop3A_1544 = arith.addf %parallel_loop3A_1542, %parallel_loop3A_1543 : vector<16xf32>
        %parallel_loop3A_1545 = arith.mulf %parallel_loop3A_1541, %parallel_loop3A_1541 : vector<16xf32>
        %parallel_loop3A_1546 = arith.addf %parallel_loop3A_1544, %parallel_loop3A_1545 : vector<16xf32>
        %parallel_loop3A_1547 = vector.bitcast %parallel_loop3A_1546 : vector<16xf32> to vector<16xi32>
        %parallel_loop3A_1548 = arith.constant 1 : i32
        %parallel_loop3A_1549 = vector.broadcast %parallel_loop3A_1548 : i32 to vector<16xi32>
        %parallel_loop3A_1550 = arith.shrsi %parallel_loop3A_1547, %parallel_loop3A_1549 : vector<16xi32>
        %parallel_loop3A_1551 = arith.constant 1597463007 : i32
        %parallel_loop3A_1552 = vector.broadcast %parallel_loop3A_1551 : i32 to vector<16xi32>
        %parallel_loop3A_1553 = arith.subi %parallel_loop3A_1552, %parallel_loop3A_1550 : vector<16xi32>
        %parallel_loop3A_1554 = vector.bitcast %parallel_loop3A_1553 : vector<16xi32> to vector<16xf32>
        %parallel_loop3A_1555 = arith.constant 5.000000e-01 : f32
        %parallel_loop3A_1556 = vector.broadcast %parallel_loop3A_1555 : f32 to vector<16xf32>
        %parallel_loop3A_1557 = arith.mulf %parallel_loop3A_1556, %parallel_loop3A_1546 : vector<16xf32>
        %parallel_loop3A_1558 = arith.mulf %parallel_loop3A_1557, %parallel_loop3A_1554 : vector<16xf32>
        %parallel_loop3A_1559 = arith.mulf %parallel_loop3A_1558, %parallel_loop3A_1554 : vector<16xf32>
        %parallel_loop3A_1560 = arith.constant 1.500000e+00 : f32
        %parallel_loop3A_1561 = vector.broadcast %parallel_loop3A_1560 : f32 to vector<16xf32>
        %parallel_loop3A_1562 = arith.subf %parallel_loop3A_1561, %parallel_loop3A_1559 : vector<16xf32>
        %parallel_loop3A_1563 = arith.mulf %parallel_loop3A_1554, %parallel_loop3A_1562 : vector<16xf32>
        %parallel_loop3A_1564 = arith.mulf %parallel_loop3A_1546, %parallel_loop3A_1563 : vector<16xf32>
        %parallel_loop3A_1565 = arith.addf %parallel_loop3A_1564, %parallel_loop3A_1531 : vector<16xf32>
        %parallel_loop3A_1566 = arith.constant 1.000000e+00 : f32
        %parallel_loop3A_1567 = vector.broadcast %parallel_loop3A_1566 : f32 to vector<16xf32>
        %parallel_loop3A_1568 = arith.divf %parallel_loop3A_1567, %parallel_loop3A_1490 : vector<16xf32>
        %parallel_loop3A_1569 = arith.constant 1.000000e+00 : f32
        %parallel_loop3A_1570 = vector.broadcast %parallel_loop3A_1569 : f32 to vector<16xf32>
        %parallel_loop3A_1571 = arith.divf %parallel_loop3A_1570, %parallel_loop3A_1527 : vector<16xf32>
        %parallel_loop3A_1572 = arith.constant 1.000000e+00 : f32
        %parallel_loop3A_1573 = vector.broadcast %parallel_loop3A_1572 : f32 to vector<16xf32>
        %parallel_loop3A_1574 = arith.divf %parallel_loop3A_1573, %parallel_loop3A_1565 : vector<16xf32>
        %parallel_loop3A_1575 = arith.mulf %parallel_loop3A_1424, %parallel_loop3A_1568 : vector<16xf32>
        %parallel_loop3A_1576 = arith.mulf %parallel_loop3A_1425, %parallel_loop3A_1568 : vector<16xf32>
        %parallel_loop3A_1577 = arith.mulf %parallel_loop3A_1464, %parallel_loop3A_1568 : vector<16xf32>
        %parallel_loop3A_1578 = arith.mulf %parallel_loop3A_1496, %parallel_loop3A_1571 : vector<16xf32>
        %parallel_loop3A_1579 = arith.mulf %parallel_loop3A_1500, %parallel_loop3A_1571 : vector<16xf32>
        %parallel_loop3A_1580 = arith.mulf %parallel_loop3A_1503, %parallel_loop3A_1571 : vector<16xf32>
        %parallel_loop3A_1581 = arith.mulf %parallel_loop3A_1535, %parallel_loop3A_1574 : vector<16xf32>
        %parallel_loop3A_1582 = arith.mulf %parallel_loop3A_1538, %parallel_loop3A_1574 : vector<16xf32>
        %parallel_loop3A_1583 = arith.mulf %parallel_loop3A_1541, %parallel_loop3A_1574 : vector<16xf32>
        %parallel_loop3A_1584 = arith.constant 1 : i32
        %parallel_loop3A_1585 = arith.addi %parallel_loop3A_1431, %parallel_loop3A_1584 : i32
        %parallel_loop3A_1586 = arith.constant 0 : i32
        %parallel_loop3A_1587 = arith.constant 0 : i32
        %parallel_loop3A_1588 = arith.constant 0 : i32
        %parallel_loop3A_1589 = arith.constant 0 : i32
        %parallel_loop3A_1590 = tpu.memref_slice %arg7[%parallel_loop3A_1211, %parallel_loop3A_1587, %parallel_loop3A_1588, %parallel_loop3A_1589] : memref<2x3x16x128xf32, #tpu.memory_space<vmem>> -> memref<1x3x16x128xf32, #tpu.memory_space<vmem>>
        %parallel_loop3A_1591 = tpu.memref_squeeze %parallel_loop3A_1590 : memref<1x3x16x128xf32, #tpu.memory_space<vmem>> -> memref<3x16x128xf32, #tpu.memory_space<vmem>>
        %parallel_loop3A_1592 = arith.index_cast %parallel_loop3A_1586 : i32 to index
        %parallel_loop3A_1593 = arith.index_cast %parallel_loop3A_1585 : i32 to index
        %parallel_loop3A_1594 = arith.index_cast %parallel_loop3A_1335 : i32 to index
        %parallel_loop3A_1595 = tpu.vector_load %parallel_loop3A_1591[%parallel_loop3A_1592, %parallel_loop3A_1593, %parallel_loop3A_1594] {strides = array<i32>} : memref<3x16x128xf32, #tpu.memory_space<vmem>>, vector<16xf32>,
        tpu.vector_store %parallel_loop3A_1591[%parallel_loop3A_1592, %parallel_loop3A_1593, %parallel_loop3A_1594], %parallel_loop3A_1581 {strides = array<i32>} : memref<3x16x128xf32, #tpu.memory_space<vmem>>, vector<16xf32>,
        %parallel_loop3A_1596 = arith.constant 1 : i32
        %parallel_loop3A_1597 = arith.addi %parallel_loop3A_1431, %parallel_loop3A_1596 : i32
        %parallel_loop3A_1598 = arith.constant 1 : i32
        %parallel_loop3A_1599 = arith.constant 0 : i32
        %parallel_loop3A_1600 = arith.constant 0 : i32
        %parallel_loop3A_1601 = arith.constant 0 : i32
        %parallel_loop3A_1602 = tpu.memref_slice %arg7[%parallel_loop3A_1211, %parallel_loop3A_1599, %parallel_loop3A_1600, %parallel_loop3A_1601] : memref<2x3x16x128xf32, #tpu.memory_space<vmem>> -> memref<1x3x16x128xf32, #tpu.memory_space<vmem>>
        %parallel_loop3A_1603 = tpu.memref_squeeze %parallel_loop3A_1602 : memref<1x3x16x128xf32, #tpu.memory_space<vmem>> -> memref<3x16x128xf32, #tpu.memory_space<vmem>>
        %parallel_loop3A_1604 = arith.index_cast %parallel_loop3A_1598 : i32 to index
        %parallel_loop3A_1605 = arith.index_cast %parallel_loop3A_1597 : i32 to index
        %parallel_loop3A_1606 = arith.index_cast %parallel_loop3A_1335 : i32 to index
        %parallel_loop3A_1607 = tpu.vector_load %parallel_loop3A_1603[%parallel_loop3A_1604, %parallel_loop3A_1605, %parallel_loop3A_1606] {strides = array<i32>} : memref<3x16x128xf32, #tpu.memory_space<vmem>>, vector<16xf32>,
        tpu.vector_store %parallel_loop3A_1603[%parallel_loop3A_1604, %parallel_loop3A_1605, %parallel_loop3A_1606], %parallel_loop3A_1582 {strides = array<i32>} : memref<3x16x128xf32, #tpu.memory_space<vmem>>, vector<16xf32>,
        %parallel_loop3A_1608 = arith.constant 1 : i32
        %parallel_loop3A_1609 = arith.addi %parallel_loop3A_1431, %parallel_loop3A_1608 : i32
        %parallel_loop3A_1610 = arith.constant 2 : i32
        %parallel_loop3A_1611 = arith.constant 0 : i32
        %parallel_loop3A_1612 = arith.constant 0 : i32
        %parallel_loop3A_1613 = arith.constant 0 : i32
        %parallel_loop3A_1614 = tpu.memref_slice %arg7[%parallel_loop3A_1211, %parallel_loop3A_1611, %parallel_loop3A_1612, %parallel_loop3A_1613] : memref<2x3x16x128xf32, #tpu.memory_space<vmem>> -> memref<1x3x16x128xf32, #tpu.memory_space<vmem>>
        %parallel_loop3A_1615 = tpu.memref_squeeze %parallel_loop3A_1614 : memref<1x3x16x128xf32, #tpu.memory_space<vmem>> -> memref<3x16x128xf32, #tpu.memory_space<vmem>>
        %parallel_loop3A_1616 = arith.index_cast %parallel_loop3A_1610 : i32 to index
        %parallel_loop3A_1617 = arith.index_cast %parallel_loop3A_1609 : i32 to index
        %parallel_loop3A_1618 = arith.index_cast %parallel_loop3A_1335 : i32 to index
        %parallel_loop3A_1619 = tpu.vector_load %parallel_loop3A_1615[%parallel_loop3A_1616, %parallel_loop3A_1617, %parallel_loop3A_1618] {strides = array<i32>} : memref<3x16x128xf32, #tpu.memory_space<vmem>>, vector<16xf32>,
        tpu.vector_store %parallel_loop3A_1615[%parallel_loop3A_1616, %parallel_loop3A_1617, %parallel_loop3A_1618], %parallel_loop3A_1583 {strides = array<i32>} : memref<3x16x128xf32, #tpu.memory_space<vmem>>, vector<16xf32>,
        %parallel_loop3A_1620 = arith.constant 2 : i32
        %parallel_loop3A_1621 = arith.addi %parallel_loop3A_1431, %parallel_loop3A_1620 : i32
        %parallel_loop3A_1622 = arith.constant 0 : i32
        %parallel_loop3A_1623 = arith.constant 0 : i32
        %parallel_loop3A_1624 = arith.constant 0 : i32
        %parallel_loop3A_1625 = arith.constant 0 : i32
        %parallel_loop3A_1626 = tpu.memref_slice %arg7[%parallel_loop3A_1211, %parallel_loop3A_1623, %parallel_loop3A_1624, %parallel_loop3A_1625] : memref<2x3x16x128xf32, #tpu.memory_space<vmem>> -> memref<1x3x16x128xf32, #tpu.memory_space<vmem>>
        %parallel_loop3A_1627 = tpu.memref_squeeze %parallel_loop3A_1626 : memref<1x3x16x128xf32, #tpu.memory_space<vmem>> -> memref<3x16x128xf32, #tpu.memory_space<vmem>>
        %parallel_loop3A_1628 = arith.index_cast %parallel_loop3A_1622 : i32 to index
        %parallel_loop3A_1629 = arith.index_cast %parallel_loop3A_1621 : i32 to index
        %parallel_loop3A_1630 = arith.index_cast %parallel_loop3A_1335 : i32 to index
        %parallel_loop3A_1631 = tpu.vector_load %parallel_loop3A_1627[%parallel_loop3A_1628, %parallel_loop3A_1629, %parallel_loop3A_1630] {strides = array<i32>} : memref<3x16x128xf32, #tpu.memory_space<vmem>>, vector<16xf32>,
        tpu.vector_store %parallel_loop3A_1627[%parallel_loop3A_1628, %parallel_loop3A_1629, %parallel_loop3A_1630], %parallel_loop3A_1578 {strides = array<i32>} : memref<3x16x128xf32, #tpu.memory_space<vmem>>, vector<16xf32>,
        %parallel_loop3A_1632 = arith.constant 2 : i32
        %parallel_loop3A_1633 = arith.addi %parallel_loop3A_1431, %parallel_loop3A_1632 : i32
        %parallel_loop3A_1634 = arith.constant 1 : i32
        %parallel_loop3A_1635 = arith.constant 0 : i32
        %parallel_loop3A_1636 = arith.constant 0 : i32
        %parallel_loop3A_1637 = arith.constant 0 : i32
        %parallel_loop3A_1638 = tpu.memref_slice %arg7[%parallel_loop3A_1211, %parallel_loop3A_1635, %parallel_loop3A_1636, %parallel_loop3A_1637] : memref<2x3x16x128xf32, #tpu.memory_space<vmem>> -> memref<1x3x16x128xf32, #tpu.memory_space<vmem>>
        %parallel_loop3A_1639 = tpu.memref_squeeze %parallel_loop3A_1638 : memref<1x3x16x128xf32, #tpu.memory_space<vmem>> -> memref<3x16x128xf32, #tpu.memory_space<vmem>>
        %parallel_loop3A_1640 = arith.index_cast %parallel_loop3A_1634 : i32 to index
        %parallel_loop3A_1641 = arith.index_cast %parallel_loop3A_1633 : i32 to index
        %parallel_loop3A_1642 = arith.index_cast %parallel_loop3A_1335 : i32 to index
        %parallel_loop3A_1643 = tpu.vector_load %parallel_loop3A_1639[%parallel_loop3A_1640, %parallel_loop3A_1641, %parallel_loop3A_1642] {strides = array<i32>} : memref<3x16x128xf32, #tpu.memory_space<vmem>>, vector<16xf32>,
        tpu.vector_store %parallel_loop3A_1639[%parallel_loop3A_1640, %parallel_loop3A_1641, %parallel_loop3A_1642], %parallel_loop3A_1579 {strides = array<i32>} : memref<3x16x128xf32, #tpu.memory_space<vmem>>, vector<16xf32>,
        %parallel_loop3A_1644 = arith.constant 2 : i32
        %parallel_loop3A_1645 = arith.addi %parallel_loop3A_1431, %parallel_loop3A_1644 : i32
        %parallel_loop3A_1646 = arith.constant 2 : i32
        %parallel_loop3A_1647 = arith.constant 0 : i32
        %parallel_loop3A_1648 = arith.constant 0 : i32
        %parallel_loop3A_1649 = arith.constant 0 : i32
        %parallel_loop3A_1650 = tpu.memref_slice %arg7[%parallel_loop3A_1211, %parallel_loop3A_1647, %parallel_loop3A_1648, %parallel_loop3A_1649] : memref<2x3x16x128xf32, #tpu.memory_space<vmem>> -> memref<1x3x16x128xf32, #tpu.memory_space<vmem>>
        %parallel_loop3A_1651 = tpu.memref_squeeze %parallel_loop3A_1650 : memref<1x3x16x128xf32, #tpu.memory_space<vmem>> -> memref<3x16x128xf32, #tpu.memory_space<vmem>>
        %parallel_loop3A_1652 = arith.index_cast %parallel_loop3A_1646 : i32 to index
        %parallel_loop3A_1653 = arith.index_cast %parallel_loop3A_1645 : i32 to index
        %parallel_loop3A_1654 = arith.index_cast %parallel_loop3A_1335 : i32 to index
        %parallel_loop3A_1655 = tpu.vector_load %parallel_loop3A_1651[%parallel_loop3A_1652, %parallel_loop3A_1653, %parallel_loop3A_1654] {strides = array<i32>} : memref<3x16x128xf32, #tpu.memory_space<vmem>>, vector<16xf32>,
        tpu.vector_store %parallel_loop3A_1651[%parallel_loop3A_1652, %parallel_loop3A_1653, %parallel_loop3A_1654], %parallel_loop3A_1580 {strides = array<i32>} : memref<3x16x128xf32, #tpu.memory_space<vmem>>, vector<16xf32>,
        %parallel_loop3A_1656 = arith.constant 3 : i32
        %parallel_loop3A_1657 = arith.addi %parallel_loop3A_1431, %parallel_loop3A_1656 : i32
        %parallel_loop3A_1658 = arith.constant 0 : i32
        %parallel_loop3A_1659 = arith.constant 0 : i32
        %parallel_loop3A_1660 = arith.constant 0 : i32
        %parallel_loop3A_1661 = arith.constant 0 : i32
        %parallel_loop3A_1662 = tpu.memref_slice %arg7[%parallel_loop3A_1211, %parallel_loop3A_1659, %parallel_loop3A_1660, %parallel_loop3A_1661] : memref<2x3x16x128xf32, #tpu.memory_space<vmem>> -> memref<1x3x16x128xf32, #tpu.memory_space<vmem>>
        %parallel_loop3A_1663 = tpu.memref_squeeze %parallel_loop3A_1662 : memref<1x3x16x128xf32, #tpu.memory_space<vmem>> -> memref<3x16x128xf32, #tpu.memory_space<vmem>>
        %parallel_loop3A_1664 = arith.index_cast %parallel_loop3A_1658 : i32 to index
        %parallel_loop3A_1665 = arith.index_cast %parallel_loop3A_1657 : i32 to index
        %parallel_loop3A_1666 = arith.index_cast %parallel_loop3A_1335 : i32 to index
        %parallel_loop3A_1667 = tpu.vector_load %parallel_loop3A_1663[%parallel_loop3A_1664, %parallel_loop3A_1665, %parallel_loop3A_1666] {strides = array<i32>} : memref<3x16x128xf32, #tpu.memory_space<vmem>>, vector<16xf32>,
        tpu.vector_store %parallel_loop3A_1663[%parallel_loop3A_1664, %parallel_loop3A_1665, %parallel_loop3A_1666], %parallel_loop3A_1575 {strides = array<i32>} : memref<3x16x128xf32, #tpu.memory_space<vmem>>, vector<16xf32>,
        %parallel_loop3A_1668 = arith.constant 3 : i32
        %parallel_loop3A_1669 = arith.addi %parallel_loop3A_1431, %parallel_loop3A_1668 : i32
        %parallel_loop3A_1670 = arith.constant 1 : i32
        %parallel_loop3A_1671 = arith.constant 0 : i32
        %parallel_loop3A_1672 = arith.constant 0 : i32
        %parallel_loop3A_1673 = arith.constant 0 : i32
        %parallel_loop3A_1674 = tpu.memref_slice %arg7[%parallel_loop3A_1211, %parallel_loop3A_1671, %parallel_loop3A_1672, %parallel_loop3A_1673] : memref<2x3x16x128xf32, #tpu.memory_space<vmem>> -> memref<1x3x16x128xf32, #tpu.memory_space<vmem>>
        %parallel_loop3A_1675 = tpu.memref_squeeze %parallel_loop3A_1674 : memref<1x3x16x128xf32, #tpu.memory_space<vmem>> -> memref<3x16x128xf32, #tpu.memory_space<vmem>>
        %parallel_loop3A_1676 = arith.index_cast %parallel_loop3A_1670 : i32 to index
        %parallel_loop3A_1677 = arith.index_cast %parallel_loop3A_1669 : i32 to index
        %parallel_loop3A_1678 = arith.index_cast %parallel_loop3A_1335 : i32 to index
        %parallel_loop3A_1679 = tpu.vector_load %parallel_loop3A_1675[%parallel_loop3A_1676, %parallel_loop3A_1677, %parallel_loop3A_1678] {strides = array<i32>} : memref<3x16x128xf32, #tpu.memory_space<vmem>>, vector<16xf32>,
        tpu.vector_store %parallel_loop3A_1675[%parallel_loop3A_1676, %parallel_loop3A_1677, %parallel_loop3A_1678], %parallel_loop3A_1576 {strides = array<i32>} : memref<3x16x128xf32, #tpu.memory_space<vmem>>, vector<16xf32>,
        %parallel_loop3A_1680 = arith.constant 3 : i32
        %parallel_loop3A_1681 = arith.addi %parallel_loop3A_1431, %parallel_loop3A_1680 : i32
        %parallel_loop3A_1682 = arith.constant 2 : i32
        %parallel_loop3A_1683 = arith.constant 0 : i32
        %parallel_loop3A_1684 = arith.constant 0 : i32
        %parallel_loop3A_1685 = arith.constant 0 : i32
        %parallel_loop3A_1686 = tpu.memref_slice %arg7[%parallel_loop3A_1211, %parallel_loop3A_1683, %parallel_loop3A_1684, %parallel_loop3A_1685] : memref<2x3x16x128xf32, #tpu.memory_space<vmem>> -> memref<1x3x16x128xf32, #tpu.memory_space<vmem>>
        %parallel_loop3A_1687 = tpu.memref_squeeze %parallel_loop3A_1686 : memref<1x3x16x128xf32, #tpu.memory_space<vmem>> -> memref<3x16x128xf32, #tpu.memory_space<vmem>>
        %parallel_loop3A_1688 = arith.index_cast %parallel_loop3A_1682 : i32 to index
        %parallel_loop3A_1689 = arith.index_cast %parallel_loop3A_1681 : i32 to index
        %parallel_loop3A_1690 = arith.index_cast %parallel_loop3A_1335 : i32 to index
        %parallel_loop3A_1691 = tpu.vector_load %parallel_loop3A_1687[%parallel_loop3A_1688, %parallel_loop3A_1689, %parallel_loop3A_1690] {strides = array<i32>} : memref<3x16x128xf32, #tpu.memory_space<vmem>>, vector<16xf32>,
        tpu.vector_store %parallel_loop3A_1687[%parallel_loop3A_1688, %parallel_loop3A_1689, %parallel_loop3A_1690], %parallel_loop3A_1577 {strides = array<i32>} : memref<3x16x128xf32, #tpu.memory_space<vmem>>, vector<16xf32>,
      } {sc.loop_unroll_factor = 4 : i64, sc.parallel_access}
      %mul3A_1212 = arith.constant 3 : i32
      %mul3A_1213 = arith.muli %select_n3A, %mul3A_1212 : i32
      %add3A_1214 = arith.constant 0 : i32
      %add3A_1215 = arith.addi %mul3A_1213, %add3A_1214 : i32
      %mul3A_1216 = arith.constant 1024 : i32
      %mul3A_1217 = arith.muli %add3A_1215, %mul3A_1216 : i32
      %mul3A_1218 = arith.constant 128 : i32
      %mul3A_1219 = arith.muli %select_n3A_30, %mul3A_1218 : i32
      %mul3A_1220 = arith.constant 4 : i32
      %mul3A_1221 = arith.muli %add3A_1179, %mul3A_1220 : i32
      %add3A_1222 = arith.addi %mul3A_1219, %mul3A_1221 : i32
      %mul3A_1223 = arith.constant 4 : i32
      %mul3A_1224 = arith.muli %add3A_1222, %mul3A_1223 : i32
      %add3A_1225 = arith.addi %mul3A_1217, %mul3A_1224 : i32
      %multiple_of3A_1226 = tpu.assume_multiple %add3A_1225, 8 : i32
      %dma_start3A_1227 = arith.constant 1 : i32
      %dma_start3A_1228 = arith.constant 0 : i32
      %dma_start3A_1229 = arith.constant 0 : i32
      %dma_start3A_1230 = arith.constant 0 : i32
      %dma_start3A_1231 = arith.constant 0 : i32
      %dma_start3A_1232 = tpu.memref_slice %arg7[%dma_start3A_1227, %dma_start3A_1229, %dma_start3A_1230, %dma_start3A_1231] : memref<2x3x16x128xf32, #tpu.memory_space<vmem>> -> memref<1x3x16x128xf32, #tpu.memory_space<vmem>>
      %dma_start3A_1233 = tpu.memref_squeeze %dma_start3A_1232 : memref<1x3x16x128xf32, #tpu.memory_space<vmem>> -> memref<3x16x128xf32, #tpu.memory_space<vmem>>
      %dma_start3A_1234 = arith.constant 0 : i32
      %dma_start3A_1235 = arith.constant 0 : i32
      %dma_start3A_1236 = tpu.memref_slice %dma_start3A_1233[%dma_start3A_1228, %dma_start3A_1234, %dma_start3A_1235] : memref<3x16x128xf32, #tpu.memory_space<vmem>> -> memref<1x16x128xf32, #tpu.memory_space<vmem>>
      %dma_start3A_1237 = tpu.memref_squeeze %dma_start3A_1236 : memref<1x16x128xf32, #tpu.memory_space<vmem>> -> memref<16x128xf32, #tpu.memory_space<vmem>>
      %dma_start3A_1238 = arith.constant 0 : i32
      %dma_start3A_1239 = tpu.memref_slice %arg4[%multiple_of3A_1226, %dma_start3A_1238] : memref<49152x128xf32, #tpu.memory_space<hbm>> -> memref<16x128xf32, #tpu.memory_space<hbm>>
      %dma_start3A_1240 = arith.constant 0 : i32
      %dma_start3A_1241 = tpu.memref_slice %arg4[%multiple_of3A_1226, %dma_start3A_1240] : memref<49152x128xf32, #tpu.memory_space<hbm>> -> memref<16x128xf32, #tpu.memory_space<hbm>>
      %dma_start3A_1242 = arith.constant 0 : i32
      %dma_start3A_1243 = arith.constant 0 : i32
      %dma_start3A_1244 = arith.constant 0 : i32
      %dma_start3A_1245 = tpu.memref_slice %arg7[%dma_start3A_1227, %dma_start3A_1242, %dma_start3A_1243, %dma_start3A_1244] : memref<2x3x16x128xf32, #tpu.memory_space<vmem>> -> memref<1x3x16x128xf32, #tpu.memory_space<vmem>>
      %dma_start3A_1246 = tpu.memref_squeeze %dma_start3A_1245 : memref<1x3x16x128xf32, #tpu.memory_space<vmem>> -> memref<3x16x128xf32, #tpu.memory_space<vmem>>
      %dma_start3A_1247 = arith.constant 0 : i32
      %dma_start3A_1248 = arith.constant 0 : i32
      %dma_start3A_1249 = tpu.memref_slice %dma_start3A_1246[%dma_start3A_1228, %dma_start3A_1247, %dma_start3A_1248] : memref<3x16x128xf32, #tpu.memory_space<vmem>> -> memref<1x16x128xf32, #tpu.memory_space<vmem>>
      %dma_start3A_1250 = tpu.memref_squeeze %dma_start3A_1249 : memref<1x16x128xf32, #tpu.memory_space<vmem>> -> memref<16x128xf32, #tpu.memory_space<vmem>>
      tpu.enqueue_dma source(%dma_start3A_1250 : memref<16x128xf32, #tpu.memory_space<vmem>>) target(%dma_start3A_1241 : memref<16x128xf32, #tpu.memory_space<hbm>>) target_semaphore(%arg12 : memref<!tpu.dma_semaphore, #tpu.memory_space<semaphore_mem>>)
      %mul3A_1251 = arith.constant 3 : i32
      %mul3A_1252 = arith.muli %select_n3A, %mul3A_1251 : i32
      %add3A_1253 = arith.constant 1 : i32
      %add3A_1254 = arith.addi %mul3A_1252, %add3A_1253 : i32
      %mul3A_1255 = arith.constant 1024 : i32
      %mul3A_1256 = arith.muli %add3A_1254, %mul3A_1255 : i32
      %mul3A_1257 = arith.constant 128 : i32
      %mul3A_1258 = arith.muli %select_n3A_30, %mul3A_1257 : i32
      %mul3A_1259 = arith.constant 4 : i32
      %mul3A_1260 = arith.muli %add3A_1179, %mul3A_1259 : i32
      %add3A_1261 = arith.addi %mul3A_1258, %mul3A_1260 : i32
      %mul3A_1262 = arith.constant 4 : i32
      %mul3A_1263 = arith.muli %add3A_1261, %mul3A_1262 : i32
      %add3A_1264 = arith.addi %mul3A_1256, %mul3A_1263 : i32
      %multiple_of3A_1265 = tpu.assume_multiple %add3A_1264, 8 : i32
      %dma_start3A_1266 = arith.constant 1 : i32
      %dma_start3A_1267 = arith.constant 1 : i32
      %dma_start3A_1268 = arith.constant 0 : i32
      %dma_start3A_1269 = arith.constant 0 : i32
      %dma_start3A_1270 = arith.constant 0 : i32
      %dma_start3A_1271 = tpu.memref_slice %arg7[%dma_start3A_1266, %dma_start3A_1268, %dma_start3A_1269, %dma_start3A_1270] : memref<2x3x16x128xf32, #tpu.memory_space<vmem>> -> memref<1x3x16x128xf32, #tpu.memory_space<vmem>>
      %dma_start3A_1272 = tpu.memref_squeeze %dma_start3A_1271 : memref<1x3x16x128xf32, #tpu.memory_space<vmem>> -> memref<3x16x128xf32, #tpu.memory_space<vmem>>
      %dma_start3A_1273 = arith.constant 0 : i32
      %dma_start3A_1274 = arith.constant 0 : i32
      %dma_start3A_1275 = tpu.memref_slice %dma_start3A_1272[%dma_start3A_1267, %dma_start3A_1273, %dma_start3A_1274] : memref<3x16x128xf32, #tpu.memory_space<vmem>> -> memref<1x16x128xf32, #tpu.memory_space<vmem>>
      %dma_start3A_1276 = tpu.memref_squeeze %dma_start3A_1275 : memref<1x16x128xf32, #tpu.memory_space<vmem>> -> memref<16x128xf32, #tpu.memory_space<vmem>>
      %dma_start3A_1277 = arith.constant 0 : i32
      %dma_start3A_1278 = tpu.memref_slice %arg4[%multiple_of3A_1265, %dma_start3A_1277] : memref<49152x128xf32, #tpu.memory_space<hbm>> -> memref<16x128xf32, #tpu.memory_space<hbm>>
      %dma_start3A_1279 = arith.constant 0 : i32
      %dma_start3A_1280 = tpu.memref_slice %arg4[%multiple_of3A_1265, %dma_start3A_1279] : memref<49152x128xf32, #tpu.memory_space<hbm>> -> memref<16x128xf32, #tpu.memory_space<hbm>>
      %dma_start3A_1281 = arith.constant 0 : i32
      %dma_start3A_1282 = arith.constant 0 : i32
      %dma_start3A_1283 = arith.constant 0 : i32
      %dma_start3A_1284 = tpu.memref_slice %arg7[%dma_start3A_1266, %dma_start3A_1281, %dma_start3A_1282, %dma_start3A_1283] : memref<2x3x16x128xf32, #tpu.memory_space<vmem>> -> memref<1x3x16x128xf32, #tpu.memory_space<vmem>>
      %dma_start3A_1285 = tpu.memref_squeeze %dma_start3A_1284 : memref<1x3x16x128xf32, #tpu.memory_space<vmem>> -> memref<3x16x128xf32, #tpu.memory_space<vmem>>
      %dma_start3A_1286 = arith.constant 0 : i32
      %dma_start3A_1287 = arith.constant 0 : i32
      %dma_start3A_1288 = tpu.memref_slice %dma_start3A_1285[%dma_start3A_1267, %dma_start3A_1286, %dma_start3A_1287] : memref<3x16x128xf32, #tpu.memory_space<vmem>> -> memref<1x16x128xf32, #tpu.memory_space<vmem>>
      %dma_start3A_1289 = tpu.memref_squeeze %dma_start3A_1288 : memref<1x16x128xf32, #tpu.memory_space<vmem>> -> memref<16x128xf32, #tpu.memory_space<vmem>>
      tpu.enqueue_dma source(%dma_start3A_1289 : memref<16x128xf32, #tpu.memory_space<vmem>>) target(%dma_start3A_1280 : memref<16x128xf32, #tpu.memory_space<hbm>>) target_semaphore(%arg12 : memref<!tpu.dma_semaphore, #tpu.memory_space<semaphore_mem>>)
      %mul3A_1290 = arith.constant 3 : i32
      %mul3A_1291 = arith.muli %select_n3A, %mul3A_1290 : i32
      %add3A_1292 = arith.constant 2 : i32
      %add3A_1293 = arith.addi %mul3A_1291, %add3A_1292 : i32
      %mul3A_1294 = arith.constant 1024 : i32
      %mul3A_1295 = arith.muli %add3A_1293, %mul3A_1294 : i32
      %mul3A_1296 = arith.constant 128 : i32
      %mul3A_1297 = arith.muli %select_n3A_30, %mul3A_1296 : i32
      %mul3A_1298 = arith.constant 4 : i32
      %mul3A_1299 = arith.muli %add3A_1179, %mul3A_1298 : i32
      %add3A_1300 = arith.addi %mul3A_1297, %mul3A_1299 : i32
      %mul3A_1301 = arith.constant 4 : i32
      %mul3A_1302 = arith.muli %add3A_1300, %mul3A_1301 : i32
      %add3A_1303 = arith.addi %mul3A_1295, %mul3A_1302 : i32
      %multiple_of3A_1304 = tpu.assume_multiple %add3A_1303, 8 : i32
      %dma_start3A_1305 = arith.constant 1 : i32
      %dma_start3A_1306 = arith.constant 2 : i32
      %dma_start3A_1307 = arith.constant 0 : i32
      %dma_start3A_1308 = arith.constant 0 : i32
      %dma_start3A_1309 = arith.constant 0 : i32
      %dma_start3A_1310 = tpu.memref_slice %arg7[%dma_start3A_1305, %dma_start3A_1307, %dma_start3A_1308, %dma_start3A_1309] : memref<2x3x16x128xf32, #tpu.memory_space<vmem>> -> memref<1x3x16x128xf32, #tpu.memory_space<vmem>>
      %dma_start3A_1311 = tpu.memref_squeeze %dma_start3A_1310 : memref<1x3x16x128xf32, #tpu.memory_space<vmem>> -> memref<3x16x128xf32, #tpu.memory_space<vmem>>
      %dma_start3A_1312 = arith.constant 0 : i32
      %dma_start3A_1313 = arith.constant 0 : i32
      %dma_start3A_1314 = tpu.memref_slice %dma_start3A_1311[%dma_start3A_1306, %dma_start3A_1312, %dma_start3A_1313] : memref<3x16x128xf32, #tpu.memory_space<vmem>> -> memref<1x16x128xf32, #tpu.memory_space<vmem>>
      %dma_start3A_1315 = tpu.memref_squeeze %dma_start3A_1314 : memref<1x16x128xf32, #tpu.memory_space<vmem>> -> memref<16x128xf32, #tpu.memory_space<vmem>>
      %dma_start3A_1316 = arith.constant 0 : i32
      %dma_start3A_1317 = tpu.memref_slice %arg4[%multiple_of3A_1304, %dma_start3A_1316] : memref<49152x128xf32, #tpu.memory_space<hbm>> -> memref<16x128xf32, #tpu.memory_space<hbm>>
      %dma_start3A_1318 = arith.constant 0 : i32
      %dma_start3A_1319 = tpu.memref_slice %arg4[%multiple_of3A_1304, %dma_start3A_1318] : memref<49152x128xf32, #tpu.memory_space<hbm>> -> memref<16x128xf32, #tpu.memory_space<hbm>>
      %dma_start3A_1320 = arith.constant 0 : i32
      %dma_start3A_1321 = arith.constant 0 : i32
      %dma_start3A_1322 = arith.constant 0 : i32
      %dma_start3A_1323 = tpu.memref_slice %arg7[%dma_start3A_1305, %dma_start3A_1320, %dma_start3A_1321, %dma_start3A_1322] : memref<2x3x16x128xf32, #tpu.memory_space<vmem>> -> memref<1x3x16x128xf32, #tpu.memory_space<vmem>>
      %dma_start3A_1324 = tpu.memref_squeeze %dma_start3A_1323 : memref<1x3x16x128xf32, #tpu.memory_space<vmem>> -> memref<3x16x128xf32, #tpu.memory_space<vmem>>
      %dma_start3A_1325 = arith.constant 0 : i32
      %dma_start3A_1326 = arith.constant 0 : i32
      %dma_start3A_1327 = tpu.memref_slice %dma_start3A_1324[%dma_start3A_1306, %dma_start3A_1325, %dma_start3A_1326] : memref<3x16x128xf32, #tpu.memory_space<vmem>> -> memref<1x16x128xf32, #tpu.memory_space<vmem>>
      %dma_start3A_1328 = tpu.memref_squeeze %dma_start3A_1327 : memref<1x16x128xf32, #tpu.memory_space<vmem>> -> memref<16x128xf32, #tpu.memory_space<vmem>>
      tpu.enqueue_dma source(%dma_start3A_1328 : memref<16x128xf32, #tpu.memory_space<vmem>>) target(%dma_start3A_1319 : memref<16x128xf32, #tpu.memory_space<hbm>>) target_semaphore(%arg12 : memref<!tpu.dma_semaphore, #tpu.memory_space<semaphore_mem>>)
    }
    %scan3A_930 = arith.constant 16 : i32
    %dma_wait3A_931 = arith.constant 0 : i32
    %dma_wait3A_932 = arith.constant 0 : i32
    %dma_wait3A_933 = arith.constant 0 : i32
    %dma_wait3A_934 = arith.constant 0 : i32
    %dma_wait3A_935 = tpu.memref_slice %arg7[%dma_wait3A_931, %dma_wait3A_932, %dma_wait3A_933, %dma_wait3A_934] : memref<2x3x16x128xf32, #tpu.memory_space<vmem>> -> memref<1x1x16x128xf32, #tpu.memory_space<vmem>>
    %dma_wait3A_936 = tpu.memref_squeeze %dma_wait3A_935 : memref<1x1x16x128xf32, #tpu.memory_space<vmem>> -> memref<16x128xf32, #tpu.memory_space<vmem>>
    %dma_wait3A_937 = arith.constant 0 : i32
    %dma_wait3A_938 = arith.constant 0 : i32
    %dma_wait3A_939 = tpu.memref_slice %arg4[%dma_wait3A_937, %dma_wait3A_938] : memref<49152x128xf32, #tpu.memory_space<hbm>> -> memref<16x128xf32, #tpu.memory_space<hbm>>
    %dma_wait3A_940 = arith.constant 0 : i32
    %dma_wait3A_941 = arith.constant 0 : i32
    %dma_wait3A_942 = tpu.memref_slice %arg4[%dma_wait3A_940, %dma_wait3A_941] : memref<49152x128xf32, #tpu.memory_space<hbm>> -> memref<16x128xf32, #tpu.memory_space<hbm>>
    %dma_wait3A_943 = arith.constant 0 : i32
    %dma_wait3A_944 = arith.constant 0 : i32
    %dma_wait3A_945 = tpu.memref_slice %arg7[%dma_wait3A_931, %dma_wait3A_932, %dma_wait3A_943, %dma_wait3A_944] : memref<2x3x16x128xf32, #tpu.memory_space<vmem>> -> memref<1x1x16x128xf32, #tpu.memory_space<vmem>>
    %dma_wait3A_946 = tpu.memref_squeeze %dma_wait3A_945 : memref<1x1x16x128xf32, #tpu.memory_space<vmem>> -> memref<16x128xf32, #tpu.memory_space<vmem>>
    tpu.wait_dma2 semaphore(%arg12 : memref<!tpu.dma_semaphore, #tpu.memory_space<semaphore_mem>>) src(%dma_wait3A_946 : memref<16x128xf32, #tpu.memory_space<vmem>>) dst(%dma_wait3A_942 : memref<16x128xf32, #tpu.memory_space<hbm>>)
    %dma_wait3A_947 = arith.constant 0 : i32
    %dma_wait3A_948 = arith.constant 1 : i32
    %dma_wait3A_949 = arith.constant 0 : i32
    %dma_wait3A_950 = arith.constant 0 : i32
    %dma_wait3A_951 = tpu.memref_slice %arg7[%dma_wait3A_947, %dma_wait3A_948, %dma_wait3A_949, %dma_wait3A_950] : memref<2x3x16x128xf32, #tpu.memory_space<vmem>> -> memref<1x1x16x128xf32, #tpu.memory_space<vmem>>
    %dma_wait3A_952 = tpu.memref_squeeze %dma_wait3A_951 : memref<1x1x16x128xf32, #tpu.memory_space<vmem>> -> memref<16x128xf32, #tpu.memory_space<vmem>>
    %dma_wait3A_953 = arith.constant 0 : i32
    %dma_wait3A_954 = arith.constant 0 : i32
    %dma_wait3A_955 = tpu.memref_slice %arg4[%dma_wait3A_953, %dma_wait3A_954] : memref<49152x128xf32, #tpu.memory_space<hbm>> -> memref<16x128xf32, #tpu.memory_space<hbm>>
    %dma_wait3A_956 = arith.constant 0 : i32
    %dma_wait3A_957 = arith.constant 0 : i32
    %dma_wait3A_958 = tpu.memref_slice %arg4[%dma_wait3A_956, %dma_wait3A_957] : memref<49152x128xf32, #tpu.memory_space<hbm>> -> memref<16x128xf32, #tpu.memory_space<hbm>>
    %dma_wait3A_959 = arith.constant 0 : i32
    %dma_wait3A_960 = arith.constant 0 : i32
    %dma_wait3A_961 = tpu.memref_slice %arg7[%dma_wait3A_947, %dma_wait3A_948, %dma_wait3A_959, %dma_wait3A_960] : memref<2x3x16x128xf32, #tpu.memory_space<vmem>> -> memref<1x1x16x128xf32, #tpu.memory_space<vmem>>
    %dma_wait3A_962 = tpu.memref_squeeze %dma_wait3A_961 : memref<1x1x16x128xf32, #tpu.memory_space<vmem>> -> memref<16x128xf32, #tpu.memory_space<vmem>>
    tpu.wait_dma2 semaphore(%arg12 : memref<!tpu.dma_semaphore, #tpu.memory_space<semaphore_mem>>) src(%dma_wait3A_962 : memref<16x128xf32, #tpu.memory_space<vmem>>) dst(%dma_wait3A_958 : memref<16x128xf32, #tpu.memory_space<hbm>>)
    %dma_wait3A_963 = arith.constant 0 : i32
    %dma_wait3A_964 = arith.constant 2 : i32
    %dma_wait3A_965 = arith.constant 0 : i32
    %dma_wait3A_966 = arith.constant 0 : i32
    %dma_wait3A_967 = tpu.memref_slice %arg7[%dma_wait3A_963, %dma_wait3A_964, %dma_wait3A_965, %dma_wait3A_966] : memref<2x3x16x128xf32, #tpu.memory_space<vmem>> -> memref<1x1x16x128xf32, #tpu.memory_space<vmem>>
    %dma_wait3A_968 = tpu.memref_squeeze %dma_wait3A_967 : memref<1x1x16x128xf32, #tpu.memory_space<vmem>> -> memref<16x128xf32, #tpu.memory_space<vmem>>
    %dma_wait3A_969 = arith.constant 0 : i32
    %dma_wait3A_970 = arith.constant 0 : i32
    %dma_wait3A_971 = tpu.memref_slice %arg4[%dma_wait3A_969, %dma_wait3A_970] : memref<49152x128xf32, #tpu.memory_space<hbm>> -> memref<16x128xf32, #tpu.memory_space<hbm>>
    %dma_wait3A_972 = arith.constant 0 : i32
    %dma_wait3A_973 = arith.constant 0 : i32
    %dma_wait3A_974 = tpu.memref_slice %arg4[%dma_wait3A_972, %dma_wait3A_973] : memref<49152x128xf32, #tpu.memory_space<hbm>> -> memref<16x128xf32, #tpu.memory_space<hbm>>
    %dma_wait3A_975 = arith.constant 0 : i32
    %dma_wait3A_976 = arith.constant 0 : i32
    %dma_wait3A_977 = tpu.memref_slice %arg7[%dma_wait3A_963, %dma_wait3A_964, %dma_wait3A_975, %dma_wait3A_976] : memref<2x3x16x128xf32, #tpu.memory_space<vmem>> -> memref<1x1x16x128xf32, #tpu.memory_space<vmem>>
    %dma_wait3A_978 = tpu.memref_squeeze %dma_wait3A_977 : memref<1x1x16x128xf32, #tpu.memory_space<vmem>> -> memref<16x128xf32, #tpu.memory_space<vmem>>
    tpu.wait_dma2 semaphore(%arg12 : memref<!tpu.dma_semaphore, #tpu.memory_space<semaphore_mem>>) src(%dma_wait3A_978 : memref<16x128xf32, #tpu.memory_space<vmem>>) dst(%dma_wait3A_974 : memref<16x128xf32, #tpu.memory_space<hbm>>)
    %dma_wait3A_979 = arith.constant 1 : i32
    %dma_wait3A_980 = arith.constant 0 : i32
    %dma_wait3A_981 = arith.constant 0 : i32
    %dma_wait3A_982 = arith.constant 0 : i32
    %dma_wait3A_983 = tpu.memref_slice %arg7[%dma_wait3A_979, %dma_wait3A_980, %dma_wait3A_981, %dma_wait3A_982] : memref<2x3x16x128xf32, #tpu.memory_space<vmem>> -> memref<1x1x16x128xf32, #tpu.memory_space<vmem>>
    %dma_wait3A_984 = tpu.memref_squeeze %dma_wait3A_983 : memref<1x1x16x128xf32, #tpu.memory_space<vmem>> -> memref<16x128xf32, #tpu.memory_space<vmem>>
    %dma_wait3A_985 = arith.constant 0 : i32
    %dma_wait3A_986 = arith.constant 0 : i32
    %dma_wait3A_987 = tpu.memref_slice %arg4[%dma_wait3A_985, %dma_wait3A_986] : memref<49152x128xf32, #tpu.memory_space<hbm>> -> memref<16x128xf32, #tpu.memory_space<hbm>>
    %dma_wait3A_988 = arith.constant 0 : i32
    %dma_wait3A_989 = arith.constant 0 : i32
    %dma_wait3A_990 = tpu.memref_slice %arg4[%dma_wait3A_988, %dma_wait3A_989] : memref<49152x128xf32, #tpu.memory_space<hbm>> -> memref<16x128xf32, #tpu.memory_space<hbm>>
    %dma_wait3A_991 = arith.constant 0 : i32
    %dma_wait3A_992 = arith.constant 0 : i32
    %dma_wait3A_993 = tpu.memref_slice %arg7[%dma_wait3A_979, %dma_wait3A_980, %dma_wait3A_991, %dma_wait3A_992] : memref<2x3x16x128xf32, #tpu.memory_space<vmem>> -> memref<1x1x16x128xf32, #tpu.memory_space<vmem>>
    %dma_wait3A_994 = tpu.memref_squeeze %dma_wait3A_993 : memref<1x1x16x128xf32, #tpu.memory_space<vmem>> -> memref<16x128xf32, #tpu.memory_space<vmem>>
    tpu.wait_dma2 semaphore(%arg12 : memref<!tpu.dma_semaphore, #tpu.memory_space<semaphore_mem>>) src(%dma_wait3A_994 : memref<16x128xf32, #tpu.memory_space<vmem>>) dst(%dma_wait3A_990 : memref<16x128xf32, #tpu.memory_space<hbm>>)
    %dma_wait3A_995 = arith.constant 1 : i32
    %dma_wait3A_996 = arith.constant 1 : i32
    %dma_wait3A_997 = arith.constant 0 : i32
    %dma_wait3A_998 = arith.constant 0 : i32
    %dma_wait3A_999 = tpu.memref_slice %arg7[%dma_wait3A_995, %dma_wait3A_996, %dma_wait3A_997, %dma_wait3A_998] : memref<2x3x16x128xf32, #tpu.memory_space<vmem>> -> memref<1x1x16x128xf32, #tpu.memory_space<vmem>>
    %dma_wait3A_1000 = tpu.memref_squeeze %dma_wait3A_999 : memref<1x1x16x128xf32, #tpu.memory_space<vmem>> -> memref<16x128xf32, #tpu.memory_space<vmem>>
    %dma_wait3A_1001 = arith.constant 0 : i32
    %dma_wait3A_1002 = arith.constant 0 : i32
    %dma_wait3A_1003 = tpu.memref_slice %arg4[%dma_wait3A_1001, %dma_wait3A_1002] : memref<49152x128xf32, #tpu.memory_space<hbm>> -> memref<16x128xf32, #tpu.memory_space<hbm>>
    %dma_wait3A_1004 = arith.constant 0 : i32
    %dma_wait3A_1005 = arith.constant 0 : i32
    %dma_wait3A_1006 = tpu.memref_slice %arg4[%dma_wait3A_1004, %dma_wait3A_1005] : memref<49152x128xf32, #tpu.memory_space<hbm>> -> memref<16x128xf32, #tpu.memory_space<hbm>>
    %dma_wait3A_1007 = arith.constant 0 : i32
    %dma_wait3A_1008 = arith.constant 0 : i32
    %dma_wait3A_1009 = tpu.memref_slice %arg7[%dma_wait3A_995, %dma_wait3A_996, %dma_wait3A_1007, %dma_wait3A_1008] : memref<2x3x16x128xf32, #tpu.memory_space<vmem>> -> memref<1x1x16x128xf32, #tpu.memory_space<vmem>>
    %dma_wait3A_1010 = tpu.memref_squeeze %dma_wait3A_1009 : memref<1x1x16x128xf32, #tpu.memory_space<vmem>> -> memref<16x128xf32, #tpu.memory_space<vmem>>
    tpu.wait_dma2 semaphore(%arg12 : memref<!tpu.dma_semaphore, #tpu.memory_space<semaphore_mem>>) src(%dma_wait3A_1010 : memref<16x128xf32, #tpu.memory_space<vmem>>) dst(%dma_wait3A_1006 : memref<16x128xf32, #tpu.memory_space<hbm>>)
    %dma_wait3A_1011 = arith.constant 1 : i32
    %dma_wait3A_1012 = arith.constant 2 : i32
    %dma_wait3A_1013 = arith.constant 0 : i32
    %dma_wait3A_1014 = arith.constant 0 : i32
    %dma_wait3A_1015 = tpu.memref_slice %arg7[%dma_wait3A_1011, %dma_wait3A_1012, %dma_wait3A_1013, %dma_wait3A_1014] : memref<2x3x16x128xf32, #tpu.memory_space<vmem>> -> memref<1x1x16x128xf32, #tpu.memory_space<vmem>>
    %dma_wait3A_1016 = tpu.memref_squeeze %dma_wait3A_1015 : memref<1x1x16x128xf32, #tpu.memory_space<vmem>> -> memref<16x128xf32, #tpu.memory_space<vmem>>
    %dma_wait3A_1017 = arith.constant 0 : i32
    %dma_wait3A_1018 = arith.constant 0 : i32
    %dma_wait3A_1019 = tpu.memref_slice %arg4[%dma_wait3A_1017, %dma_wait3A_1018] : memref<49152x128xf32, #tpu.memory_space<hbm>> -> memref<16x128xf32, #tpu.memory_space<hbm>>
    %dma_wait3A_1020 = arith.constant 0 : i32
    %dma_wait3A_1021 = arith.constant 0 : i32
    %dma_wait3A_1022 = tpu.memref_slice %arg4[%dma_wait3A_1020, %dma_wait3A_1021] : memref<49152x128xf32, #tpu.memory_space<hbm>> -> memref<16x128xf32, #tpu.memory_space<hbm>>
    %dma_wait3A_1023 = arith.constant 0 : i32
    %dma_wait3A_1024 = arith.constant 0 : i32
    %dma_wait3A_1025 = tpu.memref_slice %arg7[%dma_wait3A_1011, %dma_wait3A_1012, %dma_wait3A_1023, %dma_wait3A_1024] : memref<2x3x16x128xf32, #tpu.memory_space<vmem>> -> memref<1x1x16x128xf32, #tpu.memory_space<vmem>>
    %dma_wait3A_1026 = tpu.memref_squeeze %dma_wait3A_1025 : memref<1x1x16x128xf32, #tpu.memory_space<vmem>> -> memref<16x128xf32, #tpu.memory_space<vmem>>
    tpu.wait_dma2 semaphore(%arg12 : memref<!tpu.dma_semaphore, #tpu.memory_space<semaphore_mem>>) src(%dma_wait3A_1026 : memref<16x128xf32, #tpu.memory_space<vmem>>) dst(%dma_wait3A_1022 : memref<16x128xf32, #tpu.memory_space<hbm>>)
    return
  }
}

</mosaic_0001>

<sc_bundles>
// kernel: kernel.3.cloned.1.call-start
scs
__scs_entry_jumppad:
0x0: {  	(pc) =	sbr.rel $0x88, $3  }
0x1: {  	(tag) =	ssettag $0x0;
	lr =	simm.s32 $0x1  }
0x2: {  	[smem:$0x3F9F] =	sst lr;
	_ =	strace $0xD0000000  }
0x3: {  	_ = 	snop  }
0x4: {  	_ = 	snop  }
0x5: {  	_ = 	snop  }
0x6: {  	_ = 	snop  }
0x7: {  	_ = 	snop  }
__scs_overlays_trampoline_lowered:
0x8: {  	[smem:$0x3FAE] =	sst s0  }
0x9: {  	[smem:$0x3FAF] =	sst s1  }
0xa: {  	[smem:$0x3FB0] =	sst s2  }
0xb: {  	[smem:$0x3FB1] =	sst s3  }
0xc: {  	[smem:$0x3FB2] =	sst s4  }
0xd: {  	[smem:$0x3FB3] =	sst s5  }
0xe: {  	[smem:$0x3FB4] =	sst s6  }
0xf: {  	[smem:$0x3FB5] =	sst s7  }
0x10: {  	[smem:$0x3FB6] =	sst s8  }
0x11: {  	[smem:$0x3FB7] =	sst s9;
	s0 =	simm.s32 @!p0 $0x0  }
0x12: {  	s1 =	sld [smem:$0x3F9D];
	s0 =	simm.s32 @p0 $0x1  }
0x13: {  	[smem:$0x3FB8] =	sst s0;
	s0 =	simm.s32 @!p1 $0x0  }
0x14: {  	s2 =	sld [smem:$0x3F9C];
	s0 =	simm.s32 @p1 $0x1  }
0x15: {  	[smem:$0x3FB9] =	sst s0;
	s0 =	simm.s32 @!p2 $0x0  }
0x16: {  	s3 =	sld [smem:$0x3FDB];
	s0 =	simm.s32 @p2 $0x1  }
0x17: {  	s4 =	simm.s32 $0x1BF5;
	[smem:$0x3FBB] =	sst s0  }
0x18: {  	s0 =	sld [smem:$0x3F9E];
	_ =	swait.ge [sflag:s4], $0x0  }
0x19: {  	s7 =	sld [smem:$0x3F9F]  }
0x1a: {  	s8 =	sadd.s32 $0xFFFFE003, lr  }
0x1b: {  	s9 =	sadd.s32 $0xFFFFFEF7, lr;
	s5 =	simm.s32 $0xFFFFFFFF;
	p2 =	slt.u32 s8, $0xFFFFF086  }
0x1c: {  	p1 =	slt.u32 s9, $0xF7A;
	s5 =	simm.s32 @!p2 $0x0  }
0x1d: {  	s5 =	simm.s32 @p1 $0x1;
	p0 =	seq.s32 s7, s2  }
0x1e: {  	s7 =	smul.u32 @!p0 $0xF7A, s2;
	p2 =	seq.s32 @!p0 s5, $0x0  }
0x1f: {  	s9 =	smul.u32 $0xF7A, s1;
	s8 =	simm.s32 @!p0 $0x1BF5;
	p2 =	por !p2, p0  }
0x20: {  	[sflag:s8] =	ssyncset.s32 @!p0 $0xFFFFF086;
	s6 =	sadd.s32 @!p0 s3, s7;
	s7 =	simm.s32 @!p0 $0x108  }
0x21: {  	s3 =	sadd.s32 s3, s9;
	s6 =	sadd.s32 @!p0 $0x88, s6;
	s7 =	simm.s32 @p2 $0x1082  }
0x22: {  	[simem:s7], [sflag:s8] =	dma.local @!p0 [hbm:s6], $0xF7A  }
0x23: {  	s9 =	sor.u32 $0xD0000000, s2;
	s6 =	simm.s32 $0x108;
	_ =	swait.ge @!p0 [sflag:s8], $0x0  }
0x24: {  	s3 =	sadd.s32 $0x88, s3;
	s6 =	simm.s32 @!p1 $0x1082;
	[sflag:s4] =	ssyncset.s32 $0xFFFFF086  }
0x25: {  	[simem:s6], [sflag:s4] =	dma.local [hbm:s3], $0xF7A  }
0x26: {  	[smem:$0x3F9F] =	sst s1;
	(tag) =	ssettag s2;
	_ =	strace s9  }
0x27: {  	s1 =	sld [smem:$0x3FAF]  }
0x28: {  	s2 =	sld [smem:$0x3FB0]  }
0x29: {  	s4 =	sld [smem:$0x3FB2]  }
0x2a: {  	p0 =	seq.s32 s5, $0x0;
	s5 =	sld [smem:$0x3FB3]  }
0x2b: {  	s6 =	sld [smem:$0x3FB4]  }
0x2c: {  	s7 =	sld [smem:$0x3FB5]  }
0x2d: {  	s3 =	simm.s32 $0x108;
	s8 =	sld [smem:$0x3FB6]  }
0x2e: {  	s3 =	simm.s32 @!p0 $0x1082;
	s9 =	sld [smem:$0x3FB7]  }
0x2f: {  	lr =	sadd.s32 s0, s3;
	s0 =	sld [smem:$0x3FAE]  }
0x30: {  	s3 =	sld [smem:$0x3FB1]  }
0x31: {  	[smem:$0x3FBA] =	sst s10  }
0x32: {  	s10 =	sld [smem:$0x3FB8];
	_ =	sdelay $0x3  }
0x33: {  	p0 =	seq.s32 s10, $0x1;
	s10 =	sld [smem:$0x3FBA];
	_ =	sdelay $0x3  }
0x34: {  	[smem:$0x3FBA] =	sst s10  }
0x35: {  	s10 =	sld [smem:$0x3FB9];
	_ =	sdelay $0x3  }
0x36: {  	p1 =	seq.s32 s10, $0x1;
	s10 =	sld [smem:$0x3FBA];
	_ =	sdelay $0x3  }
0x37: {  	[smem:$0x3FBA] =	sst s10  }
0x38: {  	s10 =	sld [smem:$0x3FBB]  }
0x39: {  	_ = 	snop;
	(pc) =	sbr.ind lr, $3  }
0x3a: {  	_ = 	snop  }
0x3b: {  	_ = 	snop  }
0x3c: {  	p2 =	seq.s32 s10, $0x1;
	s10 =	sld [smem:$0x3FBA]  }
0x3d: {  	_ =	shalt  }
0x3e: {  	_ =	shalt  }
0x3f: {  	_ =	shalt  }
0x40: {  	_ =	shalt  }
0x41: {  	_ =	shalt  }
0x42: {  	_ =	shalt  }
0x43: {  	_ =	shalt  }
0x44: {  	_ =	shalt  }
0x45: {  	_ =	shalt  }
0x46: {  	_ =	shalt  }
0x47: {  	_ =	shalt  }
0x48: {  	_ =	shalt  }
0x49: {  	_ =	shalt  }
0x4a: {  	_ =	shalt  }
0x4b: {  	_ =	shalt  }
0x4c: {  	_ =	shalt  }
0x4d: {  	_ =	shalt  }
0x4e: {  	_ =	shalt  }
0x4f: {  	_ =	shalt  }
0x50: {  	_ =	shalt  }
0x51: {  	_ =	shalt  }
0x52: {  	_ =	shalt  }
0x53: {  	_ =	shalt  }
0x54: {  	_ =	shalt  }
0x55: {  	_ =	shalt  }
0x56: {  	_ =	shalt  }
0x57: {  	_ =	shalt  }
0x58: {  	_ =	shalt  }
0x59: {  	_ =	shalt  }
0x5a: {  	_ =	shalt  }
0x5b: {  	_ =	shalt  }
0x5c: {  	_ =	shalt  }
0x5d: {  	_ =	shalt  }
0x5e: {  	_ =	shalt  }
0x5f: {  	_ =	shalt  }
0x60: {  	_ =	shalt  }
0x61: {  	_ =	shalt  }
0x62: {  	_ =	shalt  }
0x63: {  	_ =	shalt  }
0x64: {  	_ =	shalt  }
0x65: {  	_ =	shalt  }
0x66: {  	_ =	shalt  }
0x67: {  	_ =	shalt  }
0x68: {  	_ =	shalt  }
0x69: {  	_ =	shalt  }
0x6a: {  	_ =	shalt  }
0x6b: {  	_ =	shalt  }
0x6c: {  	_ =	shalt  }
0x6d: {  	_ =	shalt  }
0x6e: {  	_ =	shalt  }
0x6f: {  	_ =	shalt  }
0x70: {  	_ =	shalt  }
0x71: {  	_ =	shalt  }
0x72: {  	_ =	shalt  }
0x73: {  	_ =	shalt  }
0x74: {  	_ =	shalt  }
0x75: {  	_ =	shalt  }
0x76: {  	_ =	shalt  }
0x77: {  	_ =	shalt  }
0x78: {  	_ =	shalt  }
0x79: {  	_ =	shalt  }
0x7a: {  	_ =	shalt  }
0x7b: {  	_ =	shalt  }
0x7c: {  	_ =	shalt  }
0x7d: {  	_ =	shalt  }
0x7e: {  	_ =	shalt  }
0x7f: {  	_ =	shalt  }
0x80: {  	_ =	shalt  }
0x81: {  	_ =	shalt  }
0x82: {  	_ =	shalt  }
0x83: {  	_ =	shalt  }
0x84: {  	_ =	shalt  }
0x85: {  	_ =	shalt  }
0x86: {  	_ =	shalt  }
0x87: {  	_ =	shalt  }
.Lfunc_end0:
.L_simem_size_0:
called_computation_lowered:
.L_overlay_start_0:
0x88: {  	s2 =	sld [smem:$0x3FD9]  }
0x89: {  	s3 =	sld [smem:$0x3FFE];
	_ =	sdelay $0x1  }
0x8a: {  	s1 =	srdreg.scid  }
0x8b: {  	s0 =	sand.u32 $0x1, s1  }
0x8c: {  	s18 =	sshll.u32 s0, $0xA;
	s2 =	sadd.s32 s3, s2  }
0x8d: {  	s2 =	sadd.s32 s2, s18  }
0x8e: {  	[smem:$0x3FC6] =	sst s2  }
0x8f: {  	_ = 	snop  }
0x90: {  	s2 =	sld [smem:$0x3FC9]  }
0x91: {  	s19 =	sld [smem:$0x3FC8]  }
0x92: {  	s4 =	sld [smem:$0x3FD0];
	(tm) =	ssettm $0x1  }
0x93: {  	s5 =	sld [smem:$0x3FFB];
	_ =	sdelay $0x3  }
0x94: {  	_ =	strace s5  }
0x95: {  	s5 =	sld [smem:$0x3FFC];
	_ =	sdelay $0x3  }
0x96: {  	_ =	strace s5  }
0x97: {  	s5 =	sld [smem:$0x3FFD];
	_ =	sdelay $0x3  }
0x98: {  	_ =	strace s5  }
0x99: {  	_ =	strace $0x8FFFFFFF  }
0x9a: {  	s20 =	sld [smem:$0x3FDB];
	_ =	sdelay $0x1  }
0x9b: {  	s6 =	simm.s32 $_scs_section_size  }
0x9c: {  	s7 =	simm.s32 $_size__tile_overlayer_lowered;
	s8 =	simm.s32 $_tile_overlayer_lowered  }
0x9d: {  	s23 =	simm.s32 $0x1BFF;
	s22 =	sshll.u32 s8, $0x1;
	s5 =	sadd.s32 s6, s20  }
0x9e: {  	s9 =	simm.s32 $0x0;
	s21 =	sshll.u32 s7, $0x1;
	s7 =	sadd.s32 s22, s5  }
0x9f: {  	[timem:s9], [sflag:s23] =	dma.local [hbm:s7], s21  }
0xa0: {  	_ =	swait.ge [sflag:s23], s21  }
0xa1: {  	s6 =	ssub.s32 $0x0, s21;
	[sflag:s23] =	ssyncset.done $0x0  }
0xa2: {  	[sflag:s23] =	ssyncadd.s32 s6;
	_ =	sdelay $0x1  }
0xa3: {  	s24 =	simm.s32 $0x1B8B  }
0xa4: {  	_ =	swait.ge [sflag:s24], $0x1  }
0xa5: {  	[sflag:s24] =	ssyncset.done $0x0  }
0xa6: {  	s25 =	simm.s32 $0x1B8E;
	[sflag:s24] =	ssyncadd.s32 $0xFFFFFFFF  }
0xa7: {  	s26 =	simm.s32 $execute0_lowered;
	[smem:$0x3FD2] =	sst s25  }
0xa8: {  	s6 =	sshll.u32 s26, $0x1;
	_ =	strace $0x80000046;
	[dreg:$0x1] =	wrdreg $0xFFFFFFFF  }
0xa9: {  	s28 =	simm.s32 $_size_execute0_lowered;
	s5 =	sadd.s32 s5, s6;
	[dreg:$0x0] =	wrdreg $0x0  }
0xaa: {  	s6 =	sshll.u32 s28, $0x1;
	[dreg:$0x2] =	wrdreg s5  }
0xab: {  	[dreg:$0x3] =	wrdreg s6  }
0xac: {  	[dreg:$0x4] =	wrdreg $0xC0  }
0xad: {  	_ =	task [dreg:s9], $0x5FFFF  }
0xae: {  	[dreg:$0x1] =	wrdreg $0xFFFFFFFF  }
0xaf: {  	[dreg:$0x0] =	wrdreg $0x60  }
0xb0: {  	[dreg:$0x2] =	wrdreg s2  }
0xb1: {  	[dreg:$0x3] =	wrdreg s19  }
0xb2: {  	[dreg:$0x4] =	wrdreg s4  }
0xb3: {  	[dreg:$0x5] =	wrdreg $0x9  }
0xb4: {  	_ =	task.clear_ibuf [dreg:s9], $0x6FFFF;
	_ =	strace $0x90000046  }
0xb5: {  	s29 =	simm.s32 $0x9;
	_ =	strace $0x80000048  }
0xb6: {  	_ =	swait.ge [sflag:s29], $0x1  }
0xb7: {  	[sflag:s29] =	ssyncadd.s32 $0xFFFFFFFF  }
0xb8: {  	_ =	strace $0x90000048  }
0xb9: {  	_ =	sfence  }
0xba: {  	s30 =	sld [smem:$0x0];
	_ =	sdelay $0x2  }
0xbb: {  	s31 =	sshll.u32 s1, $0xD;
	s1 =	sshrl.u32 s1, $0x2  }
0xbc: {  	s3 =	sand.u32 $0x4000, s31;
	s1 =	sadd.s32 s1, s30  }
0xbd: {  	s0 =	sor.u32 s3, s0;
	s1 =	sshll.u32 s1, $0x11  }
0xbe: {  	s0 =	sor.u32 s1, s0  }
0xbf: {  	s0 =	sadd.s32 $0x8F2B, s0  }
0xc0: {  	[sflag:s0] =	ssyncadd.remote.s32 $0x1  }
0xc1: {  	_ =	sfence.sel $0xFFFF  }
0xc2: {  	[dreg:$0x0] =	wrdreg $0xFFFFFFFF;
	(pc) =	sbr.abs _section_cstart, $3  }
0xc3: {  	[dreg:$0x1] =	wrdreg $0xFFFFFFFF  }
0xc4: {  	_ =	task.clear_ibuf [dreg:s9], $0x2FFFF;
	_ =	strace $0x9FFFFFFF  }
0xc5: {  	(tm) =	ssettm $0x7FFFFFFF  }
tec
execute0_lowered:
.L_overlay_start_1:
0x0: {  	(tag) =	ssettag $0x1  }
0x1: {  	s0 =	srdreg.scid  }
0x2: {  	s2 =	stileid.u32;
	s0 =	sand.u32 $0x1, s0  }
0x3: {  	s1 =	sor.u32 s0, s2  }
0x4: {  	p1 =	seq.s32 s0, $0x1;
	p0 =	seq.s32 s1, $0x0  }
0x5: {  	p0 =	por !p0, !p1  }
0x6: {  	s1 =	simm.s32 $0x1;
	p0 =	por !p0, !p0  }
0x7: {  	s1 =	simm.s32 @!p0 $0x0  }
0x8: {  	s1 =	ssub.s32 s2, s1  }
0x9: {  	s2 =	sand.u32 $0xE0, s1  }
0xa: {  	s2 =	sshrl.u32 s2, $0x5  }
0xb: {  	s2 =	sadd.s32 s2, s1  }
0xc: {  	s3 =	sand.u32 $0xFFFFFFF8, s2  }
0xd: {  	s3 =	ssub.s32 s1, s3  }
0xe: {  	p5 =	slt.s32 s1, $0x1;
	p6 =	sne.s32 s3, $0x0  }
0xf: {  	p0 =	por !p5, !p6  }
0x10: {  	s4 =	simm.s32 $0x1;
	p0 =	por !p0, !p0  }
0x11: {  	s2 =	sshrl.u32 s2, $0x3;
	s4 =	simm.s32 @!p0 $0x0  }
0x12: {  	v0 =	vlaneseq.u32;
	s2 =	ssub.s32 s2, s4  }
0x13: {  	v1 =	vmul.u32 $0x8, v0;
	s3 =	sand.u32 $0x7, s3;
	s2 =	sshll.u32 s2, $0xB  }
0x14: {  	s3 =	sor.u32 s3, s2  }
0x15: {  	v3 =	vor.u32 $0x100, v1;
	v2 =	vor.u32 s3, v1  }
0x16: {  	v31 =	vor.u32 $0x180, v1;
	v30 =	vor.u32 s3, v3;
	[tilespmem:$0x1FD00] =	vst v2  }
0x17: {  	v32 =	vor.u32 $0x200, v1;
	v5 =	vor.u32 s3, v31;
	[tilespmem:$0x1FD20] =	vst v30  }
0x18: {  	v6 =	vor.u32 $0x280, v1;
	v7 =	vor.u32 s3, v32;
	[tilespmem:$0x1FD30] =	vst v5  }
0x19: {  	v34 =	vor.u32 $0x300, v1;
	v33 =	vor.u32 s3, v6;
	[tilespmem:$0x1FD40] =	vst v7  }
0x1a: {  	v35 =	vor.u32 $0x380, v1;
	v8 =	vor.u32 s3, v34;
	[tilespmem:$0x1FD50] =	vst v33  }
0x1b: {  	v9 =	vor.u32 $0x400, v1;
	v10 =	vor.u32 s3, v35;
	[tilespmem:$0x1FD60] =	vst v8  }
0x1c: {  	v37 =	vor.u32 $0x480, v1;
	v36 =	vor.u32 s3, v9;
	[tilespmem:$0x1FD70] =	vst v10  }
0x1d: {  	v38 =	vor.u32 $0x500, v1;
	v11 =	vor.u32 s3, v37;
	[tilespmem:$0x1FD80] =	vst v36  }
0x1e: {  	v12 =	vor.u32 $0x580, v1;
	v13 =	vor.u32 s3, v38;
	[tilespmem:$0x1FD90] =	vst v11  }
0x1f: {  	v40 =	vor.u32 $0x600, v1;
	v39 =	vor.u32 s3, v12;
	[tilespmem:$0x1FDA0] =	vst v13  }
0x20: {  	v41 =	vor.u32 $0x680, v1;
	v14 =	vor.u32 s3, v40;
	[tilespmem:$0x1FDB0] =	vst v39  }
0x21: {  	v15 =	vor.u32 $0x700, v1;
	v16 =	vor.u32 s3, v41;
	[tilespmem:$0x1FDC0] =	vst v14  }
0x22: {  	v43 =	vor.u32 $0x780, v1;
	v42 =	vor.u32 s3, v15;
	[tilespmem:$0x1FDD0] =	vst v16  }
0x23: {  	s6 =	sadd.s32 $0x1000, s3;
	v17 =	vor.u32 s3, v43;
	[tilespmem:$0x1FDE0] =	vst v42  }
0x24: {  	[tilespmem:$0x1FDF0] =	vst v17;
	v48 =	vor.u32 s6, v1  }
0x25: {  	v50 =	vor.u32 s6, v3;
	[tilespmem:$0x1FE00] =	vst v48  }
0x26: {  	v51 =	vor.u32 s6, v31;
	[tilespmem:$0x1FE20] =	vst v50  }
0x27: {  	v52 =	vor.u32 s6, v32;
	[tilespmem:$0x1FE30] =	vst v51  }
0x28: {  	v53 =	vor.u32 s6, v6;
	[tilespmem:$0x1FE40] =	vst v52  }
0x29: {  	v54 =	vor.u32 s6, v34;
	[tilespmem:$0x1FE50] =	vst v53  }
0x2a: {  	v55 =	vor.u32 s6, v35;
	[tilespmem:$0x1FE60] =	vst v54  }
0x2b: {  	v56 =	vor.u32 s6, v9;
	[tilespmem:$0x1FE70] =	vst v55  }
0x2c: {  	v57 =	vor.u32 s6, v37;
	[tilespmem:$0x1FE80] =	vst v56  }
0x2d: {  	v58 =	vor.u32 s6, v38;
	[tilespmem:$0x1FE90] =	vst v57  }
0x2e: {  	v59 =	vor.u32 s6, v12;
	[tilespmem:$0x1FEA0] =	vst v58  }
0x2f: {  	v60 =	vor.u32 s6, v40;
	[tilespmem:$0x1FEB0] =	vst v59  }
0x30: {  	v18 =	vor.u32 s6, v41;
	[tilespmem:$0x1FEC0] =	vst v60  }
0x31: {  	v62 =	vor.u32 s6, v15;
	[tilespmem:$0x1FED0] =	vst v18  }
0x32: {  	s2 =	sadd.s32 $0x2000, s3;
	v63 =	vor.u32 s6, v43;
	[tilespmem:$0x1FEE0] =	vst v62  }
0x33: {  	v2 =	vor.u32 $0x80, v1;
	v1 =	vor.u32 s2, v1;
	[tilespmem:$0x1FEF0] =	vst v63  }
0x34: {  	v4 =	vor.u32 s3, v2;
	[tilespmem:$0x1FF00] =	vst v1  }
0x35: {  	v61 =	vimm.s32 $0x18100800;
	s5 =	simm.s32 $0x0;
	v49 =	vor.u32 s6, v2;
	[tilespmem:$0x1FD10] =	vst v4  }
0x36: {  	[smem:$0x7FF] =	sst s5;
	v17 =	vunpack.c.0.s8.s32 v61;
	v1 =	vor.u32 s2, v2;
	[tilespmem:$0x1FE10] =	vst v49  }
0x37: {  	vm0 =	vcmask $0xF00;
	s4 =	rddreg [dreg:$0x2];
	v2 =	vor.u32 s2, v3;
	_ =	strace $0x80000047;
	[tilespmem:$0x1FF10] =	vst v1  }
0x38: {  	vm5 =	vcmask $0x1310;
	v1 =	vnsel vm0, $0x3018, v17;
	[tilespmem:$0x1FF20] =	vst v2;
	v2 =	vor.u32 s2, v31  }
0x39: {  	vm6 =	vcmask $0x1714;
	v1 =	vsel vm5, $0x1000, v1;
	[tilespmem:$0x1FF30] =	vst v2;
	v2 =	vor.u32 s2, v32  }
0x3a: {  	vm7 =	vcmask $0x1B18;
	v1 =	vsel vm6, $0x1008, v1;
	[tilespmem:$0x1FF40] =	vst v2;
	v2 =	vor.u32 s2, v6  }
0x3b: {  	vm8 =	vcmask $0x1F1C;
	v1 =	vsel vm7, $0x1010, v1;
	[tilespmem:$0x1FF50] =	vst v2;
	v2 =	vor.u32 s2, v34  }
0x3c: {  	vm9 =	vcmask $0x2320;
	v1 =	vsel vm8, $0x1018, v1;
	[tilespmem:$0x1FF60] =	vst v2;
	v2 =	vor.u32 s2, v35  }
0x3d: {  	vm10 =	vcmask $0x2724;
	v1 =	vsel vm9, $0x2000, v1;
	[tilespmem:$0x1FF70] =	vst v2;
	v2 =	vor.u32 s2, v9  }
0x3e: {  	vm11 =	vcmask $0x2B28;
	v1 =	vsel vm10, $0x2008, v1;
	[tilespmem:$0x1FF80] =	vst v2;
	v2 =	vor.u32 s2, v37  }
0x3f: {  	vm12 =	vcmask $0x2F2C;
	v1 =	vsel vm11, $0x2010, v1;
	[tilespmem:$0x1FF90] =	vst v2;
	v2 =	vor.u32 s2, v38  }
0x40: {  	s19 =	simm.s32 $0x8000;
	vm13 =	vcmask $0x3330;
	s7 =	ssub.s32 $0x2, s0;
	s8 =	sshll.u32 s0, $0xA;
	v1 =	vsel vm12, $0x2018, v1;
	[tilespmem:$0x1FFA0] =	vst v2;
	v2 =	vor.u32 s2, v12  }
0x41: {  	s23 =	simm.s32 $0x10000;
	vm14 =	vcmask $0x3734;
	s26 =	sshrl.u32 s7, $0x1;
	s28 =	sor.u32 s8, s3;
	v1 =	vsel vm13, $0x3000, v1;
	[tilespmem:$0x1FFB0] =	vst v2;
	v2 =	vor.u32 s2, v40  }
0x42: {  	vm15 =	vcmask $0x3B38;
	s7 =	ssub.s32 s7, s26;
	s29 =	sor.u32 $0x40, s28;
	s6 =	smul.u32 $0xC00, s1;
	v1 =	vsel vm14, $0x3008, v1;
	[tilespmem:$0x1FFC0] =	vst v2;
	v2 =	vor.u32 s2, v41  }
0x43: {  	s30 =	simm.s32 $0x2;
	s31 =	smax.u32 s7, $0x1;
	[dreg:$0x5] =	wrdreg s29;
	[tilespmem:$0x1FFD0] =	vst v2;
	v47 =	vsel vm15, $0x3010, v1;
	v1 =	vor.u32 s2, v15  }
0x44: {  	s9 =	sshll.u32 s0, $0x9;
	s10 =	sadd.s32 $0x400, s6;
	[dreg:$0x6] =	wrdreg s31;
	[tilespmem:$0x1FFE0] =	vst v1;
	v1 =	vor.u32 s2, v43  }
0x45: {  	s11 =	sadd.s32 $0x800, s6;
	[dreg:$0x4] =	wrdreg s28;
	v50 =	vadd.s32 s28, v47;
	s2 =	simm.s32 $0x0;
	[tilespmem:$0x1FFF0] =	vst v1  }
.LBB2_1:
0x46: {  	v1 =	vld [tilespmem:$0x1FD00];
	_ =	sdelay $0x4  }
0x47: {  	[tilespmem:$0x1C000] =	vst v1;
	v1 =	vld [tilespmem:$0x1FD10];
	_ =	sdelay $0x4  }
0x48: {  	[tilespmem:$0x1C010] =	vst v1;
	v1 =	vld [tilespmem:$0x1FD20];
	_ =	sdelay $0x4  }
0x49: {  	[tilespmem:$0x1C020] =	vst v1;
	v1 =	vld [tilespmem:$0x1FD30];
	_ =	sdelay $0x4  }
0x4a: {  	[tilespmem:$0x1C030] =	vst v1;
	v1 =	vld [tilespmem:$0x1FD40];
	_ =	sdelay $0x4  }
0x4b: {  	[tilespmem:$0x1C040] =	vst v1;
	v1 =	vld [tilespmem:$0x1FD50];
	_ =	sdelay $0x4  }
0x4c: {  	[tilespmem:$0x1C050] =	vst v1;
	v1 =	vld [tilespmem:$0x1FD60];
	_ =	sdelay $0x4  }
0x4d: {  	[tilespmem:$0x1C060] =	vst v1;
	v1 =	vld [tilespmem:$0x1FD70];
	_ =	sdelay $0x4  }
0x4e: {  	[tilespmem:$0x1C070] =	vst v1;
	v1 =	vld [tilespmem:$0x1FD80];
	_ =	sdelay $0x4  }
0x4f: {  	[tilespmem:$0x1C080] =	vst v1;
	v1 =	vld [tilespmem:$0x1FD90];
	_ =	sdelay $0x4  }
0x50: {  	[tilespmem:$0x1C090] =	vst v1;
	v1 =	vld [tilespmem:$0x1FDA0];
	_ =	sdelay $0x4  }
0x51: {  	[tilespmem:$0x1C0A0] =	vst v1;
	v1 =	vld [tilespmem:$0x1FDB0];
	_ =	sdelay $0x4  }
0x52: {  	[tilespmem:$0x1C0B0] =	vst v1;
	v1 =	vld [tilespmem:$0x1FDC0];
	_ =	sdelay $0x4  }
0x53: {  	[tilespmem:$0x1C0C0] =	vst v1;
	v1 =	vld [tilespmem:$0x1FDD0];
	_ =	sdelay $0x4  }
0x54: {  	[tilespmem:$0x1C0D0] =	vst v1;
	v1 =	vld [tilespmem:$0x1FDE0];
	_ =	sdelay $0x4  }
0x55: {  	[tilespmem:$0x1C0E0] =	vst v1;
	v1 =	vld [tilespmem:$0x1FDF0];
	_ =	sdelay $0x4  }
0x56: {  	[tilespmem:$0x1C0F0] =	vst v1;
	v1 =	vld [tilespmem:$0x1FE00];
	_ =	sdelay $0x4  }
0x57: {  	[tilespmem:$0x1C100] =	vst v1;
	v1 =	vld [tilespmem:$0x1FE10];
	_ =	sdelay $0x4  }
0x58: {  	[tilespmem:$0x1C110] =	vst v1;
	v1 =	vld [tilespmem:$0x1FE20];
	_ =	sdelay $0x4  }
0x59: {  	[tilespmem:$0x1C120] =	vst v1;
	v1 =	vld [tilespmem:$0x1FE30];
	_ =	sdelay $0x4  }
0x5a: {  	[tilespmem:$0x1C130] =	vst v1;
	v1 =	vld [tilespmem:$0x1FE40];
	_ =	sdelay $0x4  }
0x5b: {  	[tilespmem:$0x1C140] =	vst v1;
	v1 =	vld [tilespmem:$0x1FE50];
	_ =	sdelay $0x4  }
0x5c: {  	[tilespmem:$0x1C150] =	vst v1;
	v1 =	vld [tilespmem:$0x1FE60];
	_ =	sdelay $0x4  }
0x5d: {  	[tilespmem:$0x1C160] =	vst v1;
	v1 =	vld [tilespmem:$0x1FE70];
	_ =	sdelay $0x4  }
0x5e: {  	[tilespmem:$0x1C170] =	vst v1;
	v1 =	vld [tilespmem:$0x1FE80];
	_ =	sdelay $0x4  }
0x5f: {  	[tilespmem:$0x1C180] =	vst v1;
	v1 =	vld [tilespmem:$0x1FE90];
	_ =	sdelay $0x4  }
0x60: {  	[tilespmem:$0x1C190] =	vst v1;
	v1 =	vld [tilespmem:$0x1FEA0];
	_ =	sdelay $0x4  }
0x61: {  	[tilespmem:$0x1C1A0] =	vst v1;
	v1 =	vld [tilespmem:$0x1FEB0];
	_ =	sdelay $0x4  }
0x62: {  	[tilespmem:$0x1C1B0] =	vst v1;
	v1 =	vld [tilespmem:$0x1FEC0];
	_ =	sdelay $0x4  }
0x63: {  	[tilespmem:$0x1C1C0] =	vst v1;
	v1 =	vld [tilespmem:$0x1FED0];
	_ =	sdelay $0x4  }
0x64: {  	[tilespmem:$0x1C1D0] =	vst v1;
	v1 =	vld [tilespmem:$0x1FEE0];
	_ =	sdelay $0x4  }
0x65: {  	[tilespmem:$0x1C1E0] =	vst v1;
	v1 =	vld [tilespmem:$0x1FEF0];
	_ =	sdelay $0x4  }
0x66: {  	[tilespmem:$0x1C1F0] =	vst v1;
	v1 =	vld [tilespmem:$0x1FF00];
	_ =	sdelay $0x4  }
0x67: {  	[tilespmem:$0x1C200] =	vst v1;
	v1 =	vld [tilespmem:$0x1FF10];
	_ =	sdelay $0x4  }
0x68: {  	[tilespmem:$0x1C210] =	vst v1;
	v1 =	vld [tilespmem:$0x1FF20];
	_ =	sdelay $0x4  }
0x69: {  	[tilespmem:$0x1C220] =	vst v1;
	v1 =	vld [tilespmem:$0x1FF30];
	_ =	sdelay $0x4  }
0x6a: {  	[tilespmem:$0x1C230] =	vst v1;
	v1 =	vld [tilespmem:$0x1FF40];
	_ =	sdelay $0x4  }
0x6b: {  	[tilespmem:$0x1C240] =	vst v1;
	v1 =	vld [tilespmem:$0x1FF50];
	_ =	sdelay $0x4  }
0x6c: {  	[tilespmem:$0x1C250] =	vst v1;
	v1 =	vld [tilespmem:$0x1FF60];
	_ =	sdelay $0x4  }
0x6d: {  	[tilespmem:$0x1C260] =	vst v1;
	v1 =	vld [tilespmem:$0x1FF70];
	_ =	sdelay $0x4  }
0x6e: {  	[tilespmem:$0x1C270] =	vst v1;
	v1 =	vld [tilespmem:$0x1FF80];
	_ =	sdelay $0x4  }
0x6f: {  	[tilespmem:$0x1C280] =	vst v1;
	v1 =	vld [tilespmem:$0x1FF90];
	_ =	sdelay $0x4  }
0x70: {  	[tilespmem:$0x1C290] =	vst v1;
	v1 =	vld [tilespmem:$0x1FFA0];
	_ =	sdelay $0x4  }
0x71: {  	[tilespmem:$0x1C2A0] =	vst v1;
	v1 =	vld [tilespmem:$0x1FFB0];
	_ =	sdelay $0x4  }
0x72: {  	[tilespmem:$0x1C2B0] =	vst v1;
	v1 =	vld [tilespmem:$0x1FFC0];
	_ =	sdelay $0x4  }
0x73: {  	[tilespmem:$0x1C2C0] =	vst v1;
	v1 =	vld [tilespmem:$0x1FFD0];
	_ =	sdelay $0x4  }
0x74: {  	[tilespmem:$0x1C2D0] =	vst v1;
	v1 =	vld [tilespmem:$0x1FFE0];
	_ =	sdelay $0x4  }
0x75: {  	[tilespmem:$0x1C2E0] =	vst v1;
	v1 =	vld [tilespmem:$0x1FFF0];
	_ =	sdelay $0x4  }
0x76: {  	s0 =	rddreg [dreg:$0x0];
	s1 =	simm.s32 $0x80;
	s15 =	simm.s32 $0x1C000;
	[tilespmem:$0x1C2F0] =	vst v1  }
0x77: {  	[tilespmem:s5], [sflag:$0x1] =	stream.indirect.gather [hbm4b:s0+s1], $0x80, s15, s1, $0xb8;
	[tilespmem:$0x1C500] =	vst v63  }
0x78: {  	s16 =	simm.s32 $0x1C080;
	s3 =	simm.s32 $0x4000  }
0x79: {  	[tilespmem:s3], [sflag:$0x1] =	stream.indirect.gather [hbm4b:s0+s1], $0x80, s16, s1, $0xb8;
	[tilespmem:$0x1C500] =	vst v63  }
0x7a: {  	s17 =	simm.s32 $0x1C100  }
0x7b: {  	[tilespmem:s19], [sflag:$0x1] =	stream.indirect.gather [hbm4b:s0+s1], $0x80, s17, s1, $0xb8;
	[tilespmem:$0x1C500] =	vst v63  }
0x7c: {  	s18 =	simm.s32 $0x1C180;
	s20 =	simm.s32 $0xC000  }
0x7d: {  	[tilespmem:s20], [sflag:$0x1] =	stream.indirect.gather [hbm4b:s0+s1], $0x80, s18, s1, $0xb8;
	[tilespmem:$0x1C500] =	vst v63  }
0x7e: {  	[dreg:$0x7] =	wrdreg s2;
	s21 =	simm.s32 $0x1C200;
	s22 =	simm.s32 $0x1C280  }
0x7f: {  	[tilespmem:s23], [sflag:$0x1] =	stream.indirect.gather [hbm4b:s0+s1], $0x80, s21, s1, $0xb8;
	[tilespmem:$0x1C500] =	vst v63  }
0x80: {  	s24 =	simm.s32 $0x14000;
	s25 =	simm.s32 $0x1C400;
	s26 =	rddreg [dreg:$0x1]  }
0x81: {  	[tilespmem:s24], [sflag:$0x1] =	stream.indirect.gather [hbm4b:s0+s1], $0x80, s22, s1, $0xb8;
	[tilespmem:$0x1C500] =	vst v63  }
0x82: {  	s28 =	simm.s32 $0xC;
	s29 =	simm.s32 $0x18000;
	s31 =	simm.s32 $0x1;
	[tilespmem:v0+s25+$0x0] =	vst.idx.msk $0xfff, v50  }
0x83: {  	[tilespmem:s29], [sflag:$0x2] =	stream.indirect.gather [hbm4b:s26+s28], $0x80, s25, s28, $0xb8;
	[tilespmem:$0x1C500] =	vst v63  }
0x84: {  	_ =	swait.ge [sflag:s31], $0x4000  }
0x85: {  	[sflag:s31] =	ssyncset.done $0x0  }
0x86: {  	[sflag:s31] =	ssyncadd.s32 $0xFFFFC000  }
0x87: {  	_ =	swait.ge [sflag:s31], $0x4000  }
0x88: {  	[sflag:s31] =	ssyncset.done $0x0  }
0x89: {  	[sflag:s31] =	ssyncadd.s32 $0xFFFFC000  }
0x8a: {  	_ =	swait.ge [sflag:s31], $0x4000  }
0x8b: {  	[sflag:s31] =	ssyncset.done $0x0  }
0x8c: {  	[sflag:s31] =	ssyncadd.s32 $0xFFFFC000  }
0x8d: {  	_ =	swait.ge [sflag:s31], $0x4000  }
0x8e: {  	[sflag:s31] =	ssyncset.done $0x0  }
0x8f: {  	[sflag:s31] =	ssyncadd.s32 $0xFFFFC000  }
0x90: {  	_ =	swait.ge [sflag:s31], $0x4000  }
0x91: {  	[sflag:s31] =	ssyncset.done $0x0  }
0x92: {  	[sflag:s31] =	ssyncadd.s32 $0xFFFFC000  }
0x93: {  	_ =	swait.ge [sflag:s31], $0x4000  }
0x94: {  	[sflag:s31] =	ssyncset.done $0x0  }
0x95: {  	s24 =	simm.s32 $0x0;
	[sflag:s31] =	ssyncadd.s32 $0xFFFFC000  }
.LBB2_2:
0x96: {  	p0 =	seq.s32 s24, $0x0  }
0x97: {  	s0 =	simm.s32 @!p0 $0x3  }
0x98: {  	_ =	swait.ge @!p0 [sflag:s0], $0x800  }
0x99: {  	[sflag:s0] =	ssyncset.done @!p0 $0x0  }
0x9a: {  	[sflag:s0] =	ssyncadd.s32 @!p0 $0xFFFFF800  }
0x9b: {  	_ =	swait.ge @!p0 [sflag:s0], $0x800  }
0x9c: {  	[sflag:s0] =	ssyncset.done @!p0 $0x0  }
0x9d: {  	[sflag:s0] =	ssyncadd.s32 @!p0 $0xFFFFF800  }
0x9e: {  	_ =	swait.ge @!p0 [sflag:s0], $0x800  }
0x9f: {  	[sflag:s0] =	ssyncset.done @!p0 $0x0  }
0xa0: {  	s1 =	sshll.u32 s24, $0x1;
	v1 =	vor.u32 $0x80, v0;
	[sflag:s0] =	ssyncadd.s32 @!p0 $0xFFFFF800  }
0xa1: {  	s26 =	simm.s32 $0x1C400;
	s25 =	sor.u32 $0x1, s1;
	_ =	swait.ge [sflag:s30], $0x600  }
0xa2: {  	s31 =	simm.s32 $0xC;
	s21 =	sshll.u32 s25, $0x5;
	s22 =	rddreg [dreg:$0x4]  }
0xa3: {  	s2 =	simm.s32 $0x1C480;
	[sflag:s30] =	ssyncset.done $0x0;
	s0 =	sadd.s32 s22, s21  }
0xa4: {  	s3 =	simm.s32 $0x18800;
	s29 =	simm.s32 $0xFFFFFFFC;
	[sflag:s30] =	ssyncadd.s32 $0xFFFFFA00;
	v2 =	vadd.s32 s0, v47  }
0xa5: {  	s13 =	simm.s32 $0x0;
	s1 =	simm.s32 $0x0;
	s28 =	rddreg [dreg:$0x1];
	[tilespmem:v1+s26+$0x0] =	vst.idx.msk $0xfff, v2  }
0xa6: {  	[tilespmem:s3], [sflag:$0x2] =	stream.indirect.gather [hbm4b:s28+s31], $0x80, s2, s31, $0xb8;
	[tilespmem:$0x1C500] =	vst v63  }
.LBB2_3:
0xa7: {  	s21 =	sand.u32 $0x600, s13  }
0xa8: {  	s2 =	sshrl.u32 s21, $0x2  }
0xa9: {  	s7 =	sand.u32 $0x40, s1;
	s15 =	sor.u32 $0x18000, s2  }
0xaa: {  	s0 =	sor.u32 s7, s15  }
0xab: {  	v1 =	vld [tilespmem:s0+$0x0]  }
0xac: {  	s18 =	sor.u32 $0x18200, s2  }
0xad: {  	s3 =	sor.u32 s7, s18  }
0xae: {  	v2 =	vld [tilespmem:s3+$0x0];
	_ =	sdelay $0x4  }
0xaf: {  	v5 =	vld.idx.msk [tilespmem:v1+s5+$0x0], $0xffff  }
0xb0: {  	v3 =	vld.idx.msk [tilespmem:v1+s19+$0x0], $0xffff  }
0xb1: {  	v1 =	vld.idx.msk [tilespmem:v1+s23+$0x0], $0xffff  }
0xb2: {  	v4 =	vld.idx.msk [tilespmem:v2+s5+$0x0], $0xffff  }
0xb3: {  	v6 =	vld.idx.msk [tilespmem:v2+s19+$0x0], $0xffff  }
0xb4: {  	v2 =	vld.idx.msk [tilespmem:v2+s23+$0x0], $0xffff;
	_ =	sdelay $0x3  }
0xb5: {  	v56 =	vsub.f32 v4, v5  }
0xb6: {  	v51 =	vsub.f32 v6, v3;
	v2 =	vsub.f32 v2, v1;
	_ =	sdelay $0x1  }
0xb7: {  	s20 =	sor.u32 $0x18400, s2;
	v52 =	vadd.f32 $9.999999970e-07, v2;
	v2 =	vmul.f32 v56, v56;
	v27 =	vmul.f32 v51, v51  }
0xb8: {  	s2 =	sor.u32 s7, s20  }
0xb9: {  	v28 =	vld [tilespmem:s2+$0x0];
	v2 =	vadd.f32 v27, v2;
	v29 =	vmul.f32 v52, v52;
	_ =	sdelay $0x1  }
0xba: {  	v2 =	vadd.f32 v29, v2;
	_ =	sdelay $0x1  }
0xbb: {  	v4 =	vshra.s32 v2, $0x1;
	v7 =	vmul.f32 $5.000000000e-01, v2  }
0xbc: {  	s14 =	sor.u32 $0x10, s7;
	v4 =	vsub.s32 $0x5F3759DF, v4  }
0xbd: {  	s22 =	sor.u32 s14, s15;
	v7 =	vmul.f32 v4, v7  }
0xbe: {  	v10 =	vld [tilespmem:s22+$0x0]  }
0xbf: {  	v9 =	vld.idx.msk [tilespmem:v28+s23+$0x0], $0xffff;
	v7 =	vmul.f32 v4, v7  }
0xc0: {  	v8 =	vld.idx.msk [tilespmem:v28+s5+$0x0], $0xffff  }
0xc1: {  	v7 =	vsub.f32 $1.500000000e+00, v7  }
0xc2: {  	s26 =	sor.u32 s14, s18;
	v6 =	vld.idx.msk [tilespmem:v28+s19+$0x0], $0xffff  }
0xc3: {  	v30 =	vld [tilespmem:s26+$0x0];
	v4 =	vmul.f32 v4, v7  }
0xc4: {  	v9 =	vsub.f32 v9, v1  }
0xc5: {  	v8 =	vsub.f32 v8, v5;
	v2 =	vmul.f32 v4, v2  }
0xc6: {  	v32 =	vmul.f32 v9, v56  }
0xc7: {  	v31 =	vsub.f32 v6, v3;
	v22 =	vadd.f32 $9.999999970e-07, v2;
	v2 =	vmul.f32 v8, v52  }
0xc8: {  	v59 =	vld.idx.msk [tilespmem:v10+s5+$0x0], $0xffff;
	v9 =	vmul.f32 v9, v51  }
0xc9: {  	v58 =	vld.idx.msk [tilespmem:v10+s19+$0x0], $0xffff;
	v11 =	vmul.f32 v31, v52;
	v14 =	vmul.f32 $9.999999970e-07, v22;
	v2 =	vsub.f32 v2, v32  }
0xca: {  	v57 =	vld.idx.msk [tilespmem:v10+s23+$0x0], $0xffff;
	v33 =	vmul.f32 v8, v51  }
0xcb: {  	v34 =	vld.idx.msk [tilespmem:v30+s5+$0x0], $0xffff;
	v17 =	vsub.f32 v9, v11;
	v13 =	vadd.f32 v14, v2;
	v2 =	vmul.f32 v31, v56  }
0xcc: {  	v35 =	vld.idx.msk [tilespmem:v30+s19+$0x0], $0xffff  }
0xcd: {  	v7 =	vld.idx.msk [tilespmem:v30+s23+$0x0], $0xffff;
	v12 =	vsub.f32 v2, v33;
	v2 =	vmul.f32 v17, v17;
	v36 =	vmul.f32 v13, v13;
	_ =	sdelay $0x1  }
0xce: {  	v2 =	vadd.f32 v36, v2;
	v37 =	vmul.f32 v12, v12;
	_ =	sdelay $0x1  }
0xcf: {  	v55 =	vsub.f32 v34, v59;
	v2 =	vadd.f32 v2, v37  }
0xd0: {  	v53 =	vsub.f32 v35, v58;
	v38 =	vsub.f32 v7, v57  }
0xd1: {  	v41 =	vmul.f32 v55, v55;
	v39 =	vshra.s32 v2, $0x1;
	v40 =	vmul.f32 $5.000000000e-01, v2  }
0xd2: {  	v8 =	vmul.f32 v53, v53;
	v54 =	vadd.f32 $9.999999970e-07, v38;
	v6 =	vsub.s32 $0x5F3759DF, v39  }
0xd3: {  	s28 =	sor.u32 s14, s20;
	v7 =	vmul.f32 v6, v40  }
0xd4: {  	v42 =	vld [tilespmem:s28+$0x0];
	v4 =	vadd.f32 v8, v41;
	v43 =	vmul.f32 v54, v54  }
0xd5: {  	v7 =	vmul.f32 v6, v7  }
0xd6: {  	v4 =	vadd.f32 v43, v4  }
0xd7: {  	s22 =	sor.u32 $0x20, s7;
	v7 =	vsub.f32 $1.500000000e+00, v7  }
0xd8: {  	s31 =	sor.u32 s22, s15;
	v8 =	vshra.s32 v4, $0x1;
	v44 =	vmul.f32 $5.000000000e-01, v4  }
0xd9: {  	s8 =	sor.u32 s22, s18;
	v46 =	vld [tilespmem:s31+$0x0];
	v8 =	vsub.s32 $0x5F3759DF, v8;
	v6 =	vmul.f32 v6, v7  }
0xda: {  	v49 =	vld [tilespmem:s8+$0x0];
	v45 =	vmul.f32 v8, v44  }
0xdb: {  	v2 =	vmul.f32 v6, v2  }
0xdc: {  	v48 =	vld.idx.msk [tilespmem:v42+s5+$0x0], $0xffff;
	v7 =	vmul.f32 v8, v45  }
0xdd: {  	v30 =	vadd.f32 v2, v14;
	v2 =	vld.idx.msk [tilespmem:v42+s23+$0x0], $0xffff  }
0xde: {  	v9 =	vld.idx.msk [tilespmem:v42+s19+$0x0], $0xffff;
	v7 =	vsub.f32 $1.500000000e+00, v7;
	_ =	sdelay $0x1  }
0xdf: {  	v7 =	vmul.f32 v8, v7  }
0xe0: {  	v60 =	vld.idx.msk [tilespmem:v46+s5+$0x0], $0xffff  }
0xe1: {  	v18 =	vld.idx.msk [tilespmem:v49+s5+$0x0], $0xffff;
	v6 =	vsub.f32 v48, v59;
	v4 =	vmul.f32 v7, v4;
	v2 =	vsub.f32 v2, v57  }
0xe2: {  	v61 =	vld.idx.msk [tilespmem:v46+s23+$0x0], $0xffff;
	v35 =	vsub.f32 v9, v58;
	v38 =	vmul.f32 v17, v52  }
0xe3: {  	v39 =	vld.idx.msk [tilespmem:v49+s23+$0x0], $0xffff;
	v36 =	vmul.f32 v6, v54;
	v26 =	vadd.f32 $9.999999970e-07, v4;
	v37 =	vmul.f32 v2, v55  }
0xe4: {  	v15 =	vmul.f32 v35, v54;
	v32 =	vmul.f32 v13, v52  }
0xe5: {  	v62 =	vld.idx.msk [tilespmem:v46+s19+$0x0], $0xffff;
	v19 =	vmul.f32 $9.999999970e-07, v26;
	v2 =	vmul.f32 v2, v53;
	v9 =	vsub.f32 v36, v37  }
0xe6: {  	s31 =	sor.u32 $0x30, s7;
	v20 =	vld.idx.msk [tilespmem:v49+s19+$0x0], $0xffff;
	v63 =	vsub.f32 v18, v60;
	v6 =	vmul.f32 v6, v53;
	v14 =	vmul.f32 $9.999999970e-07, v30  }
0xe7: {  	s16 =	sor.u32 s31, s15;
	v4 =	vmul.f32 v35, v55;
	v16 =	vsub.f32 v2, v15;
	v15 =	vadd.f32 v19, v9  }
0xe8: {  	s0 =	sor.u32 s31, s18;
	v46 =	vld [tilespmem:s16+$0x0];
	v34 =	vmul.f32 v12, v56;
	v43 =	vsub.f32 v39, v61;
	v31 =	vmul.f32 v14, v22  }
0xe9: {  	v39 =	vld [tilespmem:s0+$0x0];
	v14 =	vsub.f32 v4, v6;
	v40 =	vmul.f32 v16, v16;
	v41 =	vmul.f32 v15, v15  }
0xea: {  	s12 =	sor.u32 s22, s20;
	v33 =	vmul.f32 v12, v51;
	v29 =	vsub.f32 v34, v38;
	v44 =	vmul.f32 v13, v56  }
0xeb: {  	v45 =	vmul.f32 v14, v14;
	v2 =	vsub.f32 v20, v62;
	v9 =	vld [tilespmem:s12+$0x0];
	v6 =	vadd.f32 v41, v40  }
0xec: {  	v42 =	vmul.f32 v17, v51;
	v7 =	vsub.f32 v32, v33;
	v4 =	vadd.f32 $9.999999970e-07, v43  }
0xed: {  	v48 =	vmul.f32 v63, v63;
	v20 =	vmul.f32 v2, v2;
	v49 =	vadd.f32 v6, v45  }
0xee: {  	v32 =	vsub.f32 v42, v44;
	v27 =	vadd.f32 v31, v7;
	v38 =	vmul.f32 v4, v4  }
0xef: {  	v37 =	vadd.f32 v20, v48;
	v21 =	vshra.s32 v49, $0x1;
	v23 =	vmul.f32 $5.000000000e-01, v49  }
0xf0: {  	v7 =	vld.idx.msk [tilespmem:v46+s5+$0x0], $0xffff;
	v36 =	vmul.f32 v27, v27;
	v40 =	vmul.f32 v29, v29;
	v21 =	vsub.s32 $0x5F3759DF, v21  }
0xf1: {  	v24 =	vadd.f32 v38, v37;
	v37 =	vld.idx.msk [tilespmem:v39+s23+$0x0], $0xffff;
	v42 =	vmul.f32 v21, v23  }
0xf2: {  	v41 =	vmul.f32 v32, v32;
	v6 =	vadd.f32 v36, v40;
	v45 =	vld.idx.msk [tilespmem:v39+s5+$0x0], $0xffff  }
0xf3: {  	v43 =	vld.idx.msk [tilespmem:v9+s5+$0x0], $0xffff;
	v8 =	vmul.f32 v21, v42  }
0xf4: {  	v44 =	vshra.s32 v24, $0x1;
	v25 =	vmul.f32 $5.000000000e-01, v24;
	v28 =	vadd.f32 v6, v41;
	v6 =	vld.idx.msk [tilespmem:v46+s19+$0x0], $0xffff  }
0xf5: {  	v23 =	vsub.s32 $0x5F3759DF, v44;
	v35 =	vsub.f32 $1.500000000e+00, v8;
	v8 =	vld.idx.msk [tilespmem:v46+s23+$0x0], $0xffff  }
0xf6: {  	v33 =	vshra.s32 v28, $0x1;
	v34 =	vmul.f32 $5.000000000e-01, v28;
	v25 =	vmul.f32 v23, v25;
	v46 =	vld.idx.msk [tilespmem:v39+s19+$0x0], $0xffff  }
0xf7: {  	v18 =	vsub.s32 $0x5F3759DF, v33;
	v21 =	vmul.f32 v21, v35  }
0xf8: {  	v34 =	vmul.f32 v18, v34;
	v25 =	vmul.f32 v23, v25  }
0xf9: {  	v11 =	vsub.f32 v45, v7;
	v10 =	vmul.f32 v21, v49;
	v49 =	vld.idx.msk [tilespmem:v9+s23+$0x0], $0xffff  }
0xfa: {  	v40 =	vld.idx.msk [tilespmem:v9+s19+$0x0], $0xffff;
	v20 =	vsub.f32 v43, v60;
	v48 =	vmul.f32 v18, v34;
	v25 =	vsub.f32 $1.500000000e+00, v25  }
0xfb: {  	v43 =	vmul.f32 v11, v11;
	v9 =	vsub.f32 v46, v6;
	v42 =	vsub.f32 v37, v8  }
0xfc: {  	v45 =	vmul.f32 v20, v4;
	v34 =	vsub.f32 $1.500000000e+00, v48;
	v23 =	vmul.f32 v23, v25  }
0xfd: {  	s17 =	sor.u32 s31, s20;
	v36 =	vadd.f32 v10, v19;
	v10 =	vadd.f32 $9.999999970e-07, v42;
	v44 =	vmul.f32 v9, v9  }
0xfe: {  	v38 =	vld [tilespmem:s17+$0x0];
	v41 =	vmul.f32 v23, v24;
	v24 =	vmul.f32 v18, v34;
	v21 =	vsub.f32 v49, v61  }
0xff: {  	v19 =	vsub.f32 v40, v62;
	v23 =	vadd.f32 v44, v43;
	v48 =	vmul.f32 v10, v10  }
0x100: {  	v40 =	vmul.f32 v20, v2;
	v25 =	vadd.f32 $9.999999970e-07, v41;
	v46 =	vmul.f32 v21, v63  }
0x101: {  	v41 =	vmul.f32 v14, v53;
	v39 =	vmul.f32 v19, v4;
	v23 =	vadd.f32 v48, v23  }
0x102: {  	v37 =	vmul.f32 $9.999999970e-07, v25;
	v21 =	vmul.f32 v21, v2;
	v33 =	vsub.f32 v45, v46  }
0x103: {  	v49 =	vmul.f32 v19, v63;
	v42 =	vshra.s32 v23, $0x1;
	v43 =	vmul.f32 $5.000000000e-01, v23  }
0x104: {  	v20 =	vsub.f32 v21, v39;
	v21 =	vsub.s32 $0x5F3759DF, v42;
	v19 =	vadd.f32 v37, v33  }
0x105: {  	v18 =	vsub.f32 v49, v40;
	v49 =	vmul.f32 v15, v54;
	v33 =	vmul.f32 v21, v43  }
0x106: {  	v42 =	vld.idx.msk [tilespmem:v38+s5+$0x0], $0xffff;
	v44 =	vmul.f32 v20, v20;
	v45 =	vmul.f32 v19, v19  }
0x107: {  	v46 =	vmul.f32 $9.999999970e-07, v36;
	v33 =	vmul.f32 v21, v33  }
0x108: {  	v48 =	vmul.f32 v18, v18;
	v43 =	vmul.f32 v24, v28;
	v24 =	vld.idx.msk [tilespmem:v38+s23+$0x0], $0xffff;
	v34 =	vadd.f32 v45, v44  }
0x109: {  	v35 =	vld.idx.msk [tilespmem:v38+s19+$0x0], $0xffff;
	v39 =	vmul.f32 v46, v26;
	v28 =	vsub.f32 v49, v41;
	v38 =	vsub.f32 $1.500000000e+00, v33  }
0x10a: {  	v49 =	vmul.f32 v16, v54;
	v44 =	vadd.f32 v34, v48  }
0x10b: {  	v33 =	vadd.f32 v39, v28;
	v40 =	vsub.f32 v42, v7;
	v21 =	vmul.f32 v21, v38  }
0x10c: {  	v34 =	vmul.f32 v14, v55;
	v48 =	vshra.s32 v44, $0x1;
	v45 =	vmul.f32 $5.000000000e-01, v44  }
0x10d: {  	v24 =	vsub.f32 v24, v8;
	v21 =	vmul.f32 v21, v23;
	v41 =	vsub.s32 $0x5F3759DF, v48  }
0x10e: {  	v34 =	vsub.f32 v34, v49;
	v49 =	vmul.f32 v16, v53;
	v46 =	vmul.f32 v41, v45  }
0x10f: {  	v48 =	vmul.f32 v15, v55;
	v28 =	vadd.f32 $9.999999970e-07, v21;
	v21 =	vmul.f32 v40, v10  }
0x110: {  	v45 =	vsub.f32 v35, v6;
	v42 =	vmul.f32 v41, v46;
	v46 =	vmul.f32 v24, v11  }
0x111: {  	v38 =	vmul.f32 v33, v33;
	v23 =	vmul.f32 v24, v9;
	v35 =	vsub.f32 v49, v48  }
0x112: {  	v24 =	vmul.f32 v45, v10;
	v48 =	vmul.f32 $9.999999970e-07, v28;
	v21 =	vsub.f32 v21, v46  }
0x113: {  	v40 =	vmul.f32 v40, v9;
	v49 =	vmul.f32 v45, v11;
	v42 =	vsub.f32 $1.500000000e+00, v42  }
0x114: {  	v46 =	vmul.f32 v34, v34;
	v23 =	vsub.f32 v23, v24;
	v21 =	vadd.f32 v48, v21  }
0x115: {  	v45 =	vmul.f32 v35, v35;
	v24 =	vsub.f32 v49, v40;
	v41 =	vmul.f32 v41, v42  }
0x116: {  	v38 =	vadd.f32 v38, v46;
	v46 =	vmul.f32 v23, v23;
	v49 =	vmul.f32 v21, v21  }
0x117: {  	(erf) = vrcp.f32 v22;
	v44 =	vmul.f32 v41, v44  }
0x118: {  	v38 =	vadd.f32 v38, v45;
	v45 =	vmul.f32 v24, v24;
	v40 =	vadd.f32 v49, v46  }
0x119: {  	(erf) = vrcp.f32 v30;
	v31 =	vadd.f32 v43, v31;
	v43 =	vmul.f32 v18, v2  }
0x11a: {  	v37 =	vadd.f32 v44, v37;
	v46 =	vshra.s32 v38, $0x1;
	v40 =	vadd.f32 v40, v45  }
0x11b: {  	v42 =	vmul.f32 v19, v4;
	v30 =	vmul.f32 $5.000000000e-01, v38;
	v41 =	vsub.s32 $0x5F3759DF, v46  }
0x11c: {  	v22 =	vmul.f32 $9.999999970e-07, v37;
	v44 =	vshra.s32 v40, $0x1;
	v49 =	vmul.f32 $5.000000000e-01, v40  }
0x11d: {  	(erf) = vrcp.f32 v31;
	v30 =	vmul.f32 v41, v30;
	v44 =	vsub.s32 $0x5F3759DF, v44  }
0x11e: {  	v46 =	vmul.f32 v22, v25;
	v22 =	vsub.f32 v42, v43;
	v31 =	vmul.f32 v44, v49  }
0x11f: {  	v42 =	vmul.f32 v18, v63;
	v43 =	vmul.f32 v20, v4  }
0x120: {  	v49 =	vmul.f32 v41, v30;
	v30 =	vadd.f32 v46, v22;
	v31 =	vmul.f32 v44, v31  }
0x121: {  	v22 =	vsub.f32 v42, v43;
	v42 =	vmul.f32 v20, v2;
	v43 =	vmul.f32 v19, v63  }
0x122: {  	v45 =	vsub.f32 $1.500000000e+00, v49;
	v49 =	vsub.f32 $1.500000000e+00, v31  }
0x123: {  	v31 =	vsub.f32 v42, v43;
	v42 =	vmul.f32 v30, v30;
	v43 =	vmul.f32 v22, v22  }
0x124: {  	v41 =	vmul.f32 v41, v45;
	v44 =	vmul.f32 v44, v49  }
0x125: {  	v42 =	vadd.f32 v42, v43;
	v49 =	vmul.f32 v31, v31  }
0x126: {  	v38 =	vmul.f32 v41, v38;
	v40 =	vmul.f32 v44, v40  }
0x127: {  	v45 =	vpop (erf);
	(erf) = vrcp.f32 v26;
	v43 =	vmul.f32 v21, v11;
	v41 =	vadd.f32 v42, v49  }
0x128: {  	v42 =	vmul.f32 v23, v9;
	v44 =	vpop (erf);
	v26 =	vadd.f32 v40, v48;
	(erf) = vrcp.f32 v36  }
0x129: {  	s3 =	sor.u32 $0x19000, s21;
	v36 =	vadd.f32 v38, v39;
	v38 =	vmul.f32 $5.000000000e-01, v41;
	v48 =	vmul.f32 v21, v10;
	v49 =	vpop (erf)  }
0x12a: {  	s18 =	sor.u32 s7, s3;
	s0 =	sor.u32 $0x19800, s21;
	v27 =	vmul.f32 v49, v27;
	v29 =	vmul.f32 v49, v29  }
0x12b: {  	s15 =	sor.u32 $0x1A000, s21;
	[tilespmem:s18+$0x0] =	vst v5;
	s20 =	sor.u32 s7, s0;
	v5 =	vshra.s32 v41, $0x1;
	v32 =	vmul.f32 v49, v32;
	v39 =	vmul.f32 $9.999999970e-07, v26  }
0x12c: {  	s26 =	sor.u32 s7, s15;
	s16 =	sor.u32 $0x19080, s21;
	[tilespmem:s20+$0x0] =	vst v3;
	v5 =	vsub.s32 $0x5F3759DF, v5;
	v49 =	vmul.f32 v24, v9;
	(erf) = vrcp.f32 v36  }
0x12d: {  	s28 =	sor.u32 s7, s16;
	[tilespmem:s26+$0x0] =	vst v1;
	s17 =	sor.u32 $0x19880, s21;
	v1 =	vmul.f32 v5, v38;
	v36 =	vmul.f32 v39, v28  }
0x12e: {  	s18 =	sor.u32 $0x1A080, s21;
	s8 =	sor.u32 s7, s17;
	v3 =	vsub.f32 v48, v49;
	[tilespmem:s28+$0x0] =	vst v27;
	v48 =	vmul.f32 v24, v11;
	v49 =	vmul.f32 v23, v10  }
0x12f: {  	s20 =	sor.u32 $0x19100, s21;
	s12 =	sor.u32 s7, s18;
	v17 =	vmul.f32 v44, v17;
	v40 =	vmul.f32 v5, v1;
	[tilespmem:s8+$0x0] =	vst v29  }
0x130: {  	s26 =	sor.u32 s7, s20;
	v13 =	vmul.f32 v44, v13;
	s28 =	sor.u32 $0x19900, s21;
	v1 =	vadd.f32 v36, v3;
	[tilespmem:s12+$0x0] =	vst v32;
	v3 =	vsub.f32 v48, v49  }
0x131: {  	v12 =	vmul.f32 v44, v12;
	v44 =	vmul.f32 v45, v56;
	s8 =	sor.u32 s7, s28;
	v29 =	vsub.f32 $1.500000000e+00, v40;
	[tilespmem:s26+$0x0] =	vst v17;
	s26 =	sor.u32 $0x1A100, s21  }
0x132: {  	s2 =	sor.u32 $0x19180, s21;
	[tilespmem:s8+$0x0] =	vst v13;
	s8 =	sor.u32 s7, s26;
	v13 =	vsub.f32 v42, v43;
	v48 =	vmul.f32 v1, v1;
	v49 =	vmul.f32 v3, v3  }
0x133: {  	v56 =	vmul.f32 v45, v51;
	s12 =	sor.u32 s7, s2;
	v5 =	vmul.f32 v5, v29;
	[tilespmem:s8+$0x0] =	vst v12;
	s8 =	sor.u32 $0x19980, s21  }
0x134: {  	v38 =	vmul.f32 v45, v52;
	s21 =	sor.u32 $0x1A180, s21;
	[tilespmem:s12+$0x0] =	vst v44;
	s12 =	sor.u32 s7, s8;
	v27 =	vadd.f32 v48, v49;
	v40 =	vmul.f32 v13, v13  }
0x135: {  	v39 =	vpop (erf);
	s7 =	sor.u32 s7, s21;
	v5 =	vmul.f32 v5, v41;
	[tilespmem:s12+$0x0] =	vst v56  }
0x136: {  	v42 =	vpop (erf);
	s12 =	sor.u32 s14, s3;
	[tilespmem:s7+$0x0] =	vst v38;
	v27 =	vadd.f32 v27, v40  }
0x137: {  	(erf) = vrcp.f32 v25;
	v43 =	vpop (erf);
	[tilespmem:s12+$0x0] =	vst v59;
	v5 =	vadd.f32 v5, v46;
	s12 =	sor.u32 s14, s0  }
0x138: {  	v44 =	vmul.f32 v43, v33;
	[tilespmem:s12+$0x0] =	vst v58;
	s12 =	sor.u32 s14, s15;
	v46 =	vshra.s32 v27, $0x1;
	v48 =	vmul.f32 $5.000000000e-01, v27  }
0x139: {  	(erf) = vrcp.f32 v37;
	v45 =	vmul.f32 v43, v34;
	[tilespmem:s12+$0x0] =	vst v57;
	s12 =	sor.u32 s14, s16;
	v25 =	vsub.s32 $0x5F3759DF, v46  }
0x13a: {  	v29 =	vmul.f32 v43, v35;
	[tilespmem:s12+$0x0] =	vst v44;
	s12 =	sor.u32 s14, s17;
	v49 =	vmul.f32 v25, v48  }
0x13b: {  	v16 =	vmul.f32 v42, v16;
	(erf) = vrcp.f32 v5;
	[tilespmem:s12+$0x0] =	vst v45;
	s12 =	sor.u32 s14, s18  }
0x13c: {  	v15 =	vmul.f32 v42, v15;
	[tilespmem:s12+$0x0] =	vst v29;
	s12 =	sor.u32 s14, s20;
	v5 =	vmul.f32 v25, v49  }
0x13d: {  	v12 =	vmul.f32 v42, v14;
	[tilespmem:s12+$0x0] =	vst v16;
	s12 =	sor.u32 s14, s28  }
0x13e: {  	v51 =	vmul.f32 v39, v55;
	[tilespmem:s12+$0x0] =	vst v15;
	s12 =	sor.u32 s14, s26;
	v5 =	vsub.f32 $1.500000000e+00, v5  }
0x13f: {  	v52 =	vmul.f32 v39, v53;
	[tilespmem:s12+$0x0] =	vst v12;
	s12 =	sor.u32 s14, s2  }
0x140: {  	v53 =	vmul.f32 v39, v54;
	[tilespmem:s12+$0x0] =	vst v51;
	s12 =	sor.u32 s14, s8;
	v5 =	vmul.f32 v25, v5  }
0x141: {  	[tilespmem:s12+$0x0] =	vst v52;
	s12 =	sor.u32 s14, s21  }
0x142: {  	v54 =	vpop (erf);
	s14 =	sor.u32 s22, s3;
	[tilespmem:s12+$0x0] =	vst v53;
	v5 =	vmul.f32 v5, v27  }
0x143: {  	v55 =	vpop (erf);
	s3 =	sor.u32 s31, s3;
	[tilespmem:s14+$0x0] =	vst v60  }
0x144: {  	(erf) = vrcp.f32 v28;
	s12 =	sor.u32 s22, s0;
	v56 =	vpop (erf);
	[tilespmem:s3+$0x0] =	vst v7;
	v5 =	vadd.f32 v5, v36  }
0x145: {  	(erf) = vrcp.f32 v26;
	s14 =	sor.u32 s22, s15;
	[tilespmem:s12+$0x0] =	vst v62;
	v57 =	vmul.f32 v56, v30  }
0x146: {  	v58 =	vmul.f32 v56, v22;
	s12 =	sor.u32 s22, s16;
	[tilespmem:s14+$0x0] =	vst v61;
	(erf) = vrcp.f32 v5  }
0x147: {  	v15 =	vmul.f32 v56, v31;
	s14 =	sor.u32 s22, s17;
	[tilespmem:s12+$0x0] =	vst v57  }
0x148: {  	v59 =	vmul.f32 v55, v20;
	s12 =	sor.u32 s22, s18;
	[tilespmem:s14+$0x0] =	vst v58  }
0x149: {  	v60 =	vmul.f32 v55, v19;
	s14 =	sor.u32 s22, s20;
	[tilespmem:s12+$0x0] =	vst v15  }
0x14a: {  	v2 =	vmul.f32 v54, v2;
	v14 =	vmul.f32 v55, v18;
	s12 =	sor.u32 s22, s28;
	[tilespmem:s14+$0x0] =	vst v59  }
0x14b: {  	v61 =	vmul.f32 v54, v63;
	s14 =	sor.u32 s22, s26;
	[tilespmem:s12+$0x0] =	vst v60  }
0x14c: {  	s12 =	sor.u32 s22, s2;
	[tilespmem:s14+$0x0] =	vst v14  }
0x14d: {  	v62 =	vpop (erf);
	s14 =	sor.u32 s22, s8;
	[tilespmem:s12+$0x0] =	vst v61  }
0x14e: {  	v4 =	vmul.f32 v54, v4;
	s0 =	sor.u32 s31, s0;
	[tilespmem:s14+$0x0] =	vst v2;
	v2 =	vpop (erf)  }
0x14f: {  	[tilespmem:s0+$0x0] =	vst v6;
	s12 =	sor.u32 s22, s21;
	v63 =	vpop (erf)  }
0x150: {  	s14 =	sor.u32 s31, s15;
	[tilespmem:s12+$0x0] =	vst v4;
	v1 =	vmul.f32 v63, v1  }
0x151: {  	s15 =	sor.u32 s31, s16;
	[tilespmem:s14+$0x0] =	vst v8;
	v3 =	vmul.f32 v63, v3  }
0x152: {  	s16 =	sor.u32 s31, s17;
	v4 =	vmul.f32 v63, v13;
	[tilespmem:s15+$0x0] =	vst v1  }
0x153: {  	s17 =	sor.u32 s31, s18;
	v1 =	vmul.f32 v2, v23;
	[tilespmem:s16+$0x0] =	vst v3  }
0x154: {  	s29 =	sadd.s32 $0x4, s29;
	s18 =	sor.u32 s31, s20;
	v3 =	vmul.f32 v2, v21;
	[tilespmem:s17+$0x0] =	vst v4  }
0x155: {  	p1 =	slt.u32 s29, $0x1C;
	s20 =	sor.u32 s31, s28;
	v2 =	vmul.f32 v2, v24;
	[tilespmem:s18+$0x0] =	vst v1  }
.Ltmp0:
0x156: {  	s22 =	sor.u32 s31, s26;
	v1 =	vmul.f32 v62, v11;
	[tilespmem:s20+$0x0] =	vst v3;
	(pc) =	sbr.rel @p1 .LBB2_3-.Ltmp0, $4  }
0x157: {  	s26 =	sor.u32 s31, s2;
	v3 =	vmul.f32 v62, v9;
	[tilespmem:s22+$0x0] =	vst v2  }
0x158: {  	s28 =	sor.u32 s31, s8;
	v2 =	vmul.f32 v62, v10;
	[tilespmem:s26+$0x0] =	vst v1  }
0x159: {  	s31 =	sor.u32 s31, s21;
	[tilespmem:s28+$0x0] =	vst v3  }
0x15a: {  	s1 =	sadd.s32 $0x40, s1;
	s13 =	sadd.s32 $0x100, s13;
	[tilespmem:s31+$0x0] =	vst v2  }
0x15b: {  	s0 =	sshll.u32 s24, $0x5  }
0x15c: {  	s0 =	sadd.s32 s9, s0  }
0x15d: {  	s1 =	sadd.s32 s6, s0  }
0x15e: {  	s1 =	sshll.u32 s1, $0x4  }
0x15f: {  	s2 =	simm.s32 $0x19000;
	s26 =	sadd.s32 s10, s0;
	s1 =	sadd.s32 s4, s1  }
0x160: {  	[hbm4b:s1+s5] =	stream.linear.scatter [tilespmem:s2], [sflag:$0x3], $0x800, $0x38;
	[tilespmem:$0x1C500] =	vst v63  }
0x161: {  	s28 =	simm.s32 $0x19800;
	s0 =	sadd.s32 s11, s0;
	s1 =	sshll.u32 s26, $0x4  }
0x162: {  	p1 =	seq.s32 s24, $0xF;
	s0 =	sshll.u32 s0, $0x4;
	s1 =	sadd.s32 s4, s1  }
0x163: {  	[hbm4b:s1+s5] =	stream.linear.scatter [tilespmem:s28], [sflag:$0x3], $0x800, $0x38;
	[tilespmem:$0x1C500] =	vst v63  }
0x164: {  	s31 =	simm.s32 $0x1A000;
	v1 =	vimm.s32 @!p1 $0x18100800;
	s0 =	sadd.s32 s4, s0  }
0x165: {  	v1 =	vunpack.c.0.s8.s32 @!p1 v1;
	[hbm4b:s0+s5] =	stream.linear.scatter [tilespmem:s31], [sflag:$0x3], $0x800, $0x38;
	[tilespmem:$0x1C500] =	vst v63  }
0x166: {  	vm0 =	vcmask @!p1 $0xF00;
	s0 =	simm.s32 @!p0 $0x3  }
0x167: {  	v1 =	vnsel @!p1 vm0, $0x3018, v1;
	vm0 =	vcmask @!p1 $0x1310;
	_ =	swait.ge @!p0 [sflag:s0], $0x800  }
0x168: {  	v1 =	vsel @!p1 vm0, $0x1000, v1;
	vm0 =	vcmask @!p1 $0x1714;
	[sflag:s0] =	ssyncset.done @!p0 $0x0  }
0x169: {  	v1 =	vsel @!p1 vm0, $0x1008, v1;
	vm0 =	vcmask @!p1 $0x1B18;
	[sflag:s0] =	ssyncadd.s32 @!p0 $0xFFFFF800  }
0x16a: {  	v1 =	vsel @!p1 vm0, $0x1010, v1;
	vm0 =	vcmask @!p1 $0x1F1C;
	_ =	swait.ge @!p0 [sflag:s0], $0x800  }
0x16b: {  	v1 =	vsel @!p1 vm0, $0x1018, v1;
	vm0 =	vcmask @!p1 $0x2320;
	[sflag:s0] =	ssyncset.done @!p0 $0x0  }
0x16c: {  	v1 =	vsel @!p1 vm0, $0x2000, v1;
	vm0 =	vcmask @!p1 $0x2724;
	[sflag:s0] =	ssyncadd.s32 @!p0 $0xFFFFF800  }
0x16d: {  	v1 =	vsel @!p1 vm0, $0x2008, v1;
	vm0 =	vcmask @!p1 $0x2B28;
	_ =	swait.ge @!p0 [sflag:s0], $0x800  }
0x16e: {  	v1 =	vsel @!p1 vm0, $0x2010, v1;
	vm0 =	vcmask @!p1 $0x2F2C;
	[sflag:s0] =	ssyncset.done @!p0 $0x0  }
0x16f: {  	v2 =	vlaneseq.u32 @!p1;
	v1 =	vsel @!p1 vm0, $0x2018, v1;
	vm0 =	vcmask @!p1 $0x3330;
	[sflag:s0] =	ssyncadd.s32 @!p0 $0xFFFFF800  }
0x170: {  	v1 =	vsel @!p1 vm0, $0x3000, v1;
	vm0 =	vcmask @!p1 $0x3734;
	_ =	swait.ge [sflag:s30], $0x600  }
0x171: {  	v1 =	vsel @!p1 vm0, $0x3008, v1;
	vm0 =	vcmask @!p1 $0x3B38;
	s0 =	sshll.u32 @!p1 s24, $0x6;
	s1 =	rddreg [dreg:$0x5]  }
0x172: {  	v1 =	vsel @!p1 vm0, $0x3010, v1;
	[sflag:s30] =	ssyncset.done $0x0;
	s0 =	sadd.s32 @!p1 s0, s1  }
0x173: {  	[sflag:s30] =	ssyncadd.s32 $0xFFFFFA00;
	v1 =	vadd.s32 @!p1 s0, v1;
	s0 =	simm.s32 @!p1 $0x1C400  }
0x174: {  	s2 =	simm.s32 @!p1 $0x18000;
	s1 =	simm.s32 @!p1 $0xC;
	s3 =	rddreg [dreg:$0x1];
	[tilespmem:v2+s0+$0x0] =	vst.idx.msk @!p1 $0xfff, v1  }
0x175: {  	[tilespmem:s2], [sflag:$0x2] =	stream.indirect.gather @!p1 [hbm4b:s3+s1], $0x80, s0, s1, $0xb8;
	[tilespmem:$0x1C500] =	vst v63  }
0x176: {  	s29 =	simm.s32 $0xFFFFFFFC;
	s13 =	simm.s32 $0x0;
	s1 =	simm.s32 $0x0  }
.LBB2_5:
0x177: {  	s21 =	sand.u32 $0x600, s13  }
0x178: {  	s2 =	sshrl.u32 s21, $0x2  }
0x179: {  	s7 =	sand.u32 $0x40, s1;
	s15 =	sor.u32 $0x18800, s2  }
0x17a: {  	s0 =	sor.u32 s7, s15  }
0x17b: {  	v1 =	vld [tilespmem:s0+$0x0]  }
0x17c: {  	s18 =	sor.u32 $0x18A00, s2  }
0x17d: {  	s3 =	sor.u32 s7, s18  }
0x17e: {  	v2 =	vld [tilespmem:s3+$0x0];
	_ =	sdelay $0x4  }
0x17f: {  	v5 =	vld.idx.msk [tilespmem:v1+s5+$0x0], $0xffff  }
0x180: {  	v3 =	vld.idx.msk [tilespmem:v1+s19+$0x0], $0xffff  }
0x181: {  	v1 =	vld.idx.msk [tilespmem:v1+s23+$0x0], $0xffff  }
0x182: {  	v4 =	vld.idx.msk [tilespmem:v2+s5+$0x0], $0xffff  }
0x183: {  	v6 =	vld.idx.msk [tilespmem:v2+s19+$0x0], $0xffff  }
0x184: {  	v2 =	vld.idx.msk [tilespmem:v2+s23+$0x0], $0xffff;
	_ =	sdelay $0x3  }
0x185: {  	v56 =	vsub.f32 v4, v5  }
0x186: {  	v51 =	vsub.f32 v6, v3;
	v2 =	vsub.f32 v2, v1;
	_ =	sdelay $0x1  }
0x187: {  	s20 =	sor.u32 $0x18C00, s2;
	v52 =	vadd.f32 $9.999999970e-07, v2;
	v2 =	vmul.f32 v56, v56;
	v27 =	vmul.f32 v51, v51  }
0x188: {  	s2 =	sor.u32 s7, s20  }
0x189: {  	v28 =	vld [tilespmem:s2+$0x0];
	v2 =	vadd.f32 v27, v2;
	v29 =	vmul.f32 v52, v52;
	_ =	sdelay $0x1  }
0x18a: {  	v2 =	vadd.f32 v29, v2;
	_ =	sdelay $0x1  }
0x18b: {  	v4 =	vshra.s32 v2, $0x1;
	v7 =	vmul.f32 $5.000000000e-01, v2  }
0x18c: {  	s14 =	sor.u32 $0x10, s7;
	v4 =	vsub.s32 $0x5F3759DF, v4  }
0x18d: {  	s22 =	sor.u32 s14, s15;
	v7 =	vmul.f32 v4, v7  }
0x18e: {  	v10 =	vld [tilespmem:s22+$0x0]  }
0x18f: {  	v9 =	vld.idx.msk [tilespmem:v28+s23+$0x0], $0xffff;
	v7 =	vmul.f32 v4, v7  }
0x190: {  	v8 =	vld.idx.msk [tilespmem:v28+s5+$0x0], $0xffff  }
0x191: {  	v7 =	vsub.f32 $1.500000000e+00, v7  }
0x192: {  	s26 =	sor.u32 s14, s18;
	v6 =	vld.idx.msk [tilespmem:v28+s19+$0x0], $0xffff  }
0x193: {  	v30 =	vld [tilespmem:s26+$0x0];
	v4 =	vmul.f32 v4, v7  }
0x194: {  	v9 =	vsub.f32 v9, v1  }
0x195: {  	v8 =	vsub.f32 v8, v5;
	v2 =	vmul.f32 v4, v2  }
0x196: {  	v32 =	vmul.f32 v9, v56  }
0x197: {  	v31 =	vsub.f32 v6, v3;
	v22 =	vadd.f32 $9.999999970e-07, v2;
	v2 =	vmul.f32 v8, v52  }
0x198: {  	v59 =	vld.idx.msk [tilespmem:v10+s5+$0x0], $0xffff;
	v9 =	vmul.f32 v9, v51  }
0x199: {  	v58 =	vld.idx.msk [tilespmem:v10+s19+$0x0], $0xffff;
	v11 =	vmul.f32 v31, v52;
	v14 =	vmul.f32 $9.999999970e-07, v22;
	v2 =	vsub.f32 v2, v32  }
0x19a: {  	v57 =	vld.idx.msk [tilespmem:v10+s23+$0x0], $0xffff;
	v33 =	vmul.f32 v8, v51  }
0x19b: {  	v34 =	vld.idx.msk [tilespmem:v30+s5+$0x0], $0xffff;
	v17 =	vsub.f32 v9, v11;
	v13 =	vadd.f32 v14, v2;
	v2 =	vmul.f32 v31, v56  }
0x19c: {  	v35 =	vld.idx.msk [tilespmem:v30+s19+$0x0], $0xffff  }
0x19d: {  	v7 =	vld.idx.msk [tilespmem:v30+s23+$0x0], $0xffff;
	v12 =	vsub.f32 v2, v33;
	v2 =	vmul.f32 v17, v17;
	v36 =	vmul.f32 v13, v13;
	_ =	sdelay $0x1  }
0x19e: {  	v2 =	vadd.f32 v36, v2;
	v37 =	vmul.f32 v12, v12;
	_ =	sdelay $0x1  }
0x19f: {  	v55 =	vsub.f32 v34, v59;
	v2 =	vadd.f32 v2, v37  }
0x1a0: {  	v53 =	vsub.f32 v35, v58;
	v38 =	vsub.f32 v7, v57  }
0x1a1: {  	v41 =	vmul.f32 v55, v55;
	v39 =	vshra.s32 v2, $0x1;
	v40 =	vmul.f32 $5.000000000e-01, v2  }
0x1a2: {  	v8 =	vmul.f32 v53, v53;
	v54 =	vadd.f32 $9.999999970e-07, v38;
	v6 =	vsub.s32 $0x5F3759DF, v39  }
0x1a3: {  	s28 =	sor.u32 s14, s20;
	v7 =	vmul.f32 v6, v40  }
0x1a4: {  	v42 =	vld [tilespmem:s28+$0x0];
	v4 =	vadd.f32 v8, v41;
	v43 =	vmul.f32 v54, v54  }
0x1a5: {  	v7 =	vmul.f32 v6, v7  }
0x1a6: {  	v4 =	vadd.f32 v43, v4  }
0x1a7: {  	s22 =	sor.u32 $0x20, s7;
	v7 =	vsub.f32 $1.500000000e+00, v7  }
0x1a8: {  	s31 =	sor.u32 s22, s15;
	v8 =	vshra.s32 v4, $0x1;
	v44 =	vmul.f32 $5.000000000e-01, v4  }
0x1a9: {  	s8 =	sor.u32 s22, s18;
	v46 =	vld [tilespmem:s31+$0x0];
	v8 =	vsub.s32 $0x5F3759DF, v8;
	v6 =	vmul.f32 v6, v7  }
0x1aa: {  	v49 =	vld [tilespmem:s8+$0x0];
	v45 =	vmul.f32 v8, v44  }
0x1ab: {  	v2 =	vmul.f32 v6, v2  }
0x1ac: {  	v48 =	vld.idx.msk [tilespmem:v42+s5+$0x0], $0xffff;
	v7 =	vmul.f32 v8, v45  }
0x1ad: {  	v30 =	vadd.f32 v2, v14;
	v2 =	vld.idx.msk [tilespmem:v42+s23+$0x0], $0xffff  }
0x1ae: {  	v9 =	vld.idx.msk [tilespmem:v42+s19+$0x0], $0xffff;
	v7 =	vsub.f32 $1.500000000e+00, v7;
	_ =	sdelay $0x1  }
0x1af: {  	v7 =	vmul.f32 v8, v7  }
0x1b0: {  	v60 =	vld.idx.msk [tilespmem:v46+s5+$0x0], $0xffff  }
0x1b1: {  	v18 =	vld.idx.msk [tilespmem:v49+s5+$0x0], $0xffff;
	v6 =	vsub.f32 v48, v59;
	v4 =	vmul.f32 v7, v4;
	v2 =	vsub.f32 v2, v57  }
0x1b2: {  	v61 =	vld.idx.msk [tilespmem:v46+s23+$0x0], $0xffff;
	v35 =	vsub.f32 v9, v58;
	v38 =	vmul.f32 v17, v52  }
0x1b3: {  	v39 =	vld.idx.msk [tilespmem:v49+s23+$0x0], $0xffff;
	v36 =	vmul.f32 v6, v54;
	v26 =	vadd.f32 $9.999999970e-07, v4;
	v37 =	vmul.f32 v2, v55  }
0x1b4: {  	v15 =	vmul.f32 v35, v54;
	v32 =	vmul.f32 v13, v52  }
0x1b5: {  	v62 =	vld.idx.msk [tilespmem:v46+s19+$0x0], $0xffff;
	v19 =	vmul.f32 $9.999999970e-07, v26;
	v2 =	vmul.f32 v2, v53;
	v9 =	vsub.f32 v36, v37  }
0x1b6: {  	s31 =	sor.u32 $0x30, s7;
	v20 =	vld.idx.msk [tilespmem:v49+s19+$0x0], $0xffff;
	v63 =	vsub.f32 v18, v60;
	v6 =	vmul.f32 v6, v53;
	v14 =	vmul.f32 $9.999999970e-07, v30  }
0x1b7: {  	s16 =	sor.u32 s31, s15;
	v4 =	vmul.f32 v35, v55;
	v16 =	vsub.f32 v2, v15;
	v15 =	vadd.f32 v19, v9  }
0x1b8: {  	s0 =	sor.u32 s31, s18;
	v46 =	vld [tilespmem:s16+$0x0];
	v34 =	vmul.f32 v12, v56;
	v43 =	vsub.f32 v39, v61;
	v31 =	vmul.f32 v14, v22  }
0x1b9: {  	v39 =	vld [tilespmem:s0+$0x0];
	v14 =	vsub.f32 v4, v6;
	v40 =	vmul.f32 v16, v16;
	v41 =	vmul.f32 v15, v15  }
0x1ba: {  	s12 =	sor.u32 s22, s20;
	v33 =	vmul.f32 v12, v51;
	v29 =	vsub.f32 v34, v38;
	v44 =	vmul.f32 v13, v56  }
0x1bb: {  	v45 =	vmul.f32 v14, v14;
	v2 =	vsub.f32 v20, v62;
	v9 =	vld [tilespmem:s12+$0x0];
	v6 =	vadd.f32 v41, v40  }
0x1bc: {  	v42 =	vmul.f32 v17, v51;
	v7 =	vsub.f32 v32, v33;
	v4 =	vadd.f32 $9.999999970e-07, v43  }
0x1bd: {  	v48 =	vmul.f32 v63, v63;
	v20 =	vmul.f32 v2, v2;
	v49 =	vadd.f32 v6, v45  }
0x1be: {  	v32 =	vsub.f32 v42, v44;
	v27 =	vadd.f32 v31, v7;
	v38 =	vmul.f32 v4, v4  }
0x1bf: {  	v37 =	vadd.f32 v20, v48;
	v21 =	vshra.s32 v49, $0x1;
	v23 =	vmul.f32 $5.000000000e-01, v49  }
0x1c0: {  	v7 =	vld.idx.msk [tilespmem:v46+s5+$0x0], $0xffff;
	v36 =	vmul.f32 v27, v27;
	v40 =	vmul.f32 v29, v29;
	v21 =	vsub.s32 $0x5F3759DF, v21  }
0x1c1: {  	v24 =	vadd.f32 v38, v37;
	v37 =	vld.idx.msk [tilespmem:v39+s23+$0x0], $0xffff;
	v42 =	vmul.f32 v21, v23  }
0x1c2: {  	v41 =	vmul.f32 v32, v32;
	v6 =	vadd.f32 v36, v40;
	v45 =	vld.idx.msk [tilespmem:v39+s5+$0x0], $0xffff  }
0x1c3: {  	v43 =	vld.idx.msk [tilespmem:v9+s5+$0x0], $0xffff;
	v8 =	vmul.f32 v21, v42  }
0x1c4: {  	v44 =	vshra.s32 v24, $0x1;
	v25 =	vmul.f32 $5.000000000e-01, v24;
	v28 =	vadd.f32 v6, v41;
	v6 =	vld.idx.msk [tilespmem:v46+s19+$0x0], $0xffff  }
0x1c5: {  	v23 =	vsub.s32 $0x5F3759DF, v44;
	v35 =	vsub.f32 $1.500000000e+00, v8;
	v8 =	vld.idx.msk [tilespmem:v46+s23+$0x0], $0xffff  }
0x1c6: {  	v33 =	vshra.s32 v28, $0x1;
	v34 =	vmul.f32 $5.000000000e-01, v28;
	v25 =	vmul.f32 v23, v25;
	v46 =	vld.idx.msk [tilespmem:v39+s19+$0x0], $0xffff  }
0x1c7: {  	v18 =	vsub.s32 $0x5F3759DF, v33;
	v21 =	vmul.f32 v21, v35  }
0x1c8: {  	v34 =	vmul.f32 v18, v34;
	v25 =	vmul.f32 v23, v25  }
0x1c9: {  	v11 =	vsub.f32 v45, v7;
	v10 =	vmul.f32 v21, v49;
	v49 =	vld.idx.msk [tilespmem:v9+s23+$0x0], $0xffff  }
0x1ca: {  	v40 =	vld.idx.msk [tilespmem:v9+s19+$0x0], $0xffff;
	v20 =	vsub.f32 v43, v60;
	v48 =	vmul.f32 v18, v34;
	v25 =	vsub.f32 $1.500000000e+00, v25  }
0x1cb: {  	v43 =	vmul.f32 v11, v11;
	v9 =	vsub.f32 v46, v6;
	v42 =	vsub.f32 v37, v8  }
0x1cc: {  	v45 =	vmul.f32 v20, v4;
	v34 =	vsub.f32 $1.500000000e+00, v48;
	v23 =	vmul.f32 v23, v25  }
0x1cd: {  	s17 =	sor.u32 s31, s20;
	v36 =	vadd.f32 v10, v19;
	v10 =	vadd.f32 $9.999999970e-07, v42;
	v44 =	vmul.f32 v9, v9  }
0x1ce: {  	v38 =	vld [tilespmem:s17+$0x0];
	v41 =	vmul.f32 v23, v24;
	v24 =	vmul.f32 v18, v34;
	v21 =	vsub.f32 v49, v61  }
0x1cf: {  	v19 =	vsub.f32 v40, v62;
	v23 =	vadd.f32 v44, v43;
	v48 =	vmul.f32 v10, v10  }
0x1d0: {  	v40 =	vmul.f32 v20, v2;
	v25 =	vadd.f32 $9.999999970e-07, v41;
	v46 =	vmul.f32 v21, v63  }
0x1d1: {  	v41 =	vmul.f32 v14, v53;
	v39 =	vmul.f32 v19, v4;
	v23 =	vadd.f32 v48, v23  }
0x1d2: {  	v37 =	vmul.f32 $9.999999970e-07, v25;
	v21 =	vmul.f32 v21, v2;
	v33 =	vsub.f32 v45, v46  }
0x1d3: {  	v49 =	vmul.f32 v19, v63;
	v42 =	vshra.s32 v23, $0x1;
	v43 =	vmul.f32 $5.000000000e-01, v23  }
0x1d4: {  	v20 =	vsub.f32 v21, v39;
	v21 =	vsub.s32 $0x5F3759DF, v42;
	v19 =	vadd.f32 v37, v33  }
0x1d5: {  	v18 =	vsub.f32 v49, v40;
	v49 =	vmul.f32 v15, v54;
	v33 =	vmul.f32 v21, v43  }
0x1d6: {  	v42 =	vld.idx.msk [tilespmem:v38+s5+$0x0], $0xffff;
	v44 =	vmul.f32 v20, v20;
	v45 =	vmul.f32 v19, v19  }
0x1d7: {  	v46 =	vmul.f32 $9.999999970e-07, v36;
	v33 =	vmul.f32 v21, v33  }
0x1d8: {  	v48 =	vmul.f32 v18, v18;
	v43 =	vmul.f32 v24, v28;
	v24 =	vld.idx.msk [tilespmem:v38+s23+$0x0], $0xffff;
	v34 =	vadd.f32 v45, v44  }
0x1d9: {  	v35 =	vld.idx.msk [tilespmem:v38+s19+$0x0], $0xffff;
	v39 =	vmul.f32 v46, v26;
	v28 =	vsub.f32 v49, v41;
	v38 =	vsub.f32 $1.500000000e+00, v33  }
0x1da: {  	v49 =	vmul.f32 v16, v54;
	v44 =	vadd.f32 v34, v48  }
0x1db: {  	v33 =	vadd.f32 v39, v28;
	v40 =	vsub.f32 v42, v7;
	v21 =	vmul.f32 v21, v38  }
0x1dc: {  	v34 =	vmul.f32 v14, v55;
	v48 =	vshra.s32 v44, $0x1;
	v45 =	vmul.f32 $5.000000000e-01, v44  }
0x1dd: {  	v24 =	vsub.f32 v24, v8;
	v21 =	vmul.f32 v21, v23;
	v41 =	vsub.s32 $0x5F3759DF, v48  }
0x1de: {  	v34 =	vsub.f32 v34, v49;
	v49 =	vmul.f32 v16, v53;
	v46 =	vmul.f32 v41, v45  }
0x1df: {  	v48 =	vmul.f32 v15, v55;
	v28 =	vadd.f32 $9.999999970e-07, v21;
	v21 =	vmul.f32 v40, v10  }
0x1e0: {  	v45 =	vsub.f32 v35, v6;
	v42 =	vmul.f32 v41, v46;
	v46 =	vmul.f32 v24, v11  }
0x1e1: {  	v38 =	vmul.f32 v33, v33;
	v23 =	vmul.f32 v24, v9;
	v35 =	vsub.f32 v49, v48  }
0x1e2: {  	v24 =	vmul.f32 v45, v10;
	v48 =	vmul.f32 $9.999999970e-07, v28;
	v21 =	vsub.f32 v21, v46  }
0x1e3: {  	v40 =	vmul.f32 v40, v9;
	v49 =	vmul.f32 v45, v11;
	v42 =	vsub.f32 $1.500000000e+00, v42  }
0x1e4: {  	v46 =	vmul.f32 v34, v34;
	v23 =	vsub.f32 v23, v24;
	v21 =	vadd.f32 v48, v21  }
0x1e5: {  	v45 =	vmul.f32 v35, v35;
	v24 =	vsub.f32 v49, v40;
	v41 =	vmul.f32 v41, v42  }
0x1e6: {  	v38 =	vadd.f32 v38, v46;
	v46 =	vmul.f32 v23, v23;
	v49 =	vmul.f32 v21, v21  }
0x1e7: {  	(erf) = vrcp.f32 v22;
	v44 =	vmul.f32 v41, v44  }
0x1e8: {  	v38 =	vadd.f32 v38, v45;
	v45 =	vmul.f32 v24, v24;
	v40 =	vadd.f32 v49, v46  }
0x1e9: {  	(erf) = vrcp.f32 v30;
	v31 =	vadd.f32 v43, v31;
	v43 =	vmul.f32 v18, v2  }
0x1ea: {  	v37 =	vadd.f32 v44, v37;
	v46 =	vshra.s32 v38, $0x1;
	v40 =	vadd.f32 v40, v45  }
0x1eb: {  	v42 =	vmul.f32 v19, v4;
	v30 =	vmul.f32 $5.000000000e-01, v38;
	v41 =	vsub.s32 $0x5F3759DF, v46  }
0x1ec: {  	v22 =	vmul.f32 $9.999999970e-07, v37;
	v44 =	vshra.s32 v40, $0x1;
	v49 =	vmul.f32 $5.000000000e-01, v40  }
0x1ed: {  	(erf) = vrcp.f32 v31;
	v30 =	vmul.f32 v41, v30;
	v44 =	vsub.s32 $0x5F3759DF, v44  }
0x1ee: {  	v46 =	vmul.f32 v22, v25;
	v22 =	vsub.f32 v42, v43;
	v31 =	vmul.f32 v44, v49  }
0x1ef: {  	v42 =	vmul.f32 v18, v63;
	v43 =	vmul.f32 v20, v4  }
0x1f0: {  	v49 =	vmul.f32 v41, v30;
	v30 =	vadd.f32 v46, v22;
	v31 =	vmul.f32 v44, v31  }
0x1f1: {  	v22 =	vsub.f32 v42, v43;
	v42 =	vmul.f32 v20, v2;
	v43 =	vmul.f32 v19, v63  }
0x1f2: {  	v45 =	vsub.f32 $1.500000000e+00, v49;
	v49 =	vsub.f32 $1.500000000e+00, v31  }
0x1f3: {  	v31 =	vsub.f32 v42, v43;
	v42 =	vmul.f32 v30, v30;
	v43 =	vmul.f32 v22, v22  }
0x1f4: {  	v41 =	vmul.f32 v41, v45;
	v44 =	vmul.f32 v44, v49  }
0x1f5: {  	v42 =	vadd.f32 v42, v43;
	v49 =	vmul.f32 v31, v31  }
0x1f6: {  	v38 =	vmul.f32 v41, v38;
	v40 =	vmul.f32 v44, v40  }
0x1f7: {  	v45 =	vpop (erf);
	(erf) = vrcp.f32 v26;
	v43 =	vmul.f32 v21, v11;
	v41 =	vadd.f32 v42, v49  }
0x1f8: {  	v42 =	vmul.f32 v23, v9;
	v44 =	vpop (erf);
	v26 =	vadd.f32 v40, v48;
	(erf) = vrcp.f32 v36  }
0x1f9: {  	s3 =	sor.u32 $0x1A800, s21;
	v36 =	vadd.f32 v38, v39;
	v38 =	vmul.f32 $5.000000000e-01, v41;
	v48 =	vmul.f32 v21, v10;
	v49 =	vpop (erf)  }
0x1fa: {  	s18 =	sor.u32 s7, s3;
	s0 =	sor.u32 $0x1B000, s21;
	v27 =	vmul.f32 v49, v27;
	v29 =	vmul.f32 v49, v29  }
0x1fb: {  	s15 =	sor.u32 $0x1B800, s21;
	[tilespmem:s18+$0x0] =	vst v5;
	s20 =	sor.u32 s7, s0;
	v5 =	vshra.s32 v41, $0x1;
	v32 =	vmul.f32 v49, v32;
	v39 =	vmul.f32 $9.999999970e-07, v26  }
0x1fc: {  	s26 =	sor.u32 s7, s15;
	s16 =	sor.u32 $0x1A880, s21;
	[tilespmem:s20+$0x0] =	vst v3;
	v5 =	vsub.s32 $0x5F3759DF, v5;
	v49 =	vmul.f32 v24, v9;
	(erf) = vrcp.f32 v36  }
0x1fd: {  	s28 =	sor.u32 s7, s16;
	[tilespmem:s26+$0x0] =	vst v1;
	s17 =	sor.u32 $0x1B080, s21;
	v1 =	vmul.f32 v5, v38;
	v36 =	vmul.f32 v39, v28  }
0x1fe: {  	s18 =	sor.u32 $0x1B880, s21;
	s8 =	sor.u32 s7, s17;
	v3 =	vsub.f32 v48, v49;
	[tilespmem:s28+$0x0] =	vst v27;
	v48 =	vmul.f32 v24, v11;
	v49 =	vmul.f32 v23, v10  }
0x1ff: {  	s20 =	sor.u32 $0x1A900, s21;
	s12 =	sor.u32 s7, s18;
	v17 =	vmul.f32 v44, v17;
	v40 =	vmul.f32 v5, v1;
	[tilespmem:s8+$0x0] =	vst v29  }
0x200: {  	s26 =	sor.u32 s7, s20;
	v13 =	vmul.f32 v44, v13;
	s28 =	sor.u32 $0x1B100, s21;
	v1 =	vadd.f32 v36, v3;
	[tilespmem:s12+$0x0] =	vst v32;
	v3 =	vsub.f32 v48, v49  }
0x201: {  	v12 =	vmul.f32 v44, v12;
	v44 =	vmul.f32 v45, v56;
	s8 =	sor.u32 s7, s28;
	v29 =	vsub.f32 $1.500000000e+00, v40;
	[tilespmem:s26+$0x0] =	vst v17;
	s26 =	sor.u32 $0x1B900, s21  }
0x202: {  	s2 =	sor.u32 $0x1A980, s21;
	[tilespmem:s8+$0x0] =	vst v13;
	s8 =	sor.u32 s7, s26;
	v13 =	vsub.f32 v42, v43;
	v48 =	vmul.f32 v1, v1;
	v49 =	vmul.f32 v3, v3  }
0x203: {  	v56 =	vmul.f32 v45, v51;
	s12 =	sor.u32 s7, s2;
	v5 =	vmul.f32 v5, v29;
	[tilespmem:s8+$0x0] =	vst v12;
	s8 =	sor.u32 $0x1B180, s21  }
0x204: {  	v38 =	vmul.f32 v45, v52;
	s21 =	sor.u32 $0x1B980, s21;
	[tilespmem:s12+$0x0] =	vst v44;
	s12 =	sor.u32 s7, s8;
	v27 =	vadd.f32 v48, v49;
	v40 =	vmul.f32 v13, v13  }
0x205: {  	v39 =	vpop (erf);
	s7 =	sor.u32 s7, s21;
	v5 =	vmul.f32 v5, v41;
	[tilespmem:s12+$0x0] =	vst v56  }
0x206: {  	v42 =	vpop (erf);
	s12 =	sor.u32 s14, s3;
	[tilespmem:s7+$0x0] =	vst v38;
	v27 =	vadd.f32 v27, v40  }
0x207: {  	(erf) = vrcp.f32 v25;
	v43 =	vpop (erf);
	[tilespmem:s12+$0x0] =	vst v59;
	v5 =	vadd.f32 v5, v46;
	s12 =	sor.u32 s14, s0  }
0x208: {  	v44 =	vmul.f32 v43, v33;
	[tilespmem:s12+$0x0] =	vst v58;
	s12 =	sor.u32 s14, s15;
	v46 =	vshra.s32 v27, $0x1;
	v48 =	vmul.f32 $5.000000000e-01, v27  }
0x209: {  	(erf) = vrcp.f32 v37;
	v45 =	vmul.f32 v43, v34;
	[tilespmem:s12+$0x0] =	vst v57;
	s12 =	sor.u32 s14, s16;
	v25 =	vsub.s32 $0x5F3759DF, v46  }
0x20a: {  	v29 =	vmul.f32 v43, v35;
	[tilespmem:s12+$0x0] =	vst v44;
	s12 =	sor.u32 s14, s17;
	v49 =	vmul.f32 v25, v48  }
0x20b: {  	v16 =	vmul.f32 v42, v16;
	(erf) = vrcp.f32 v5;
	[tilespmem:s12+$0x0] =	vst v45;
	s12 =	sor.u32 s14, s18  }
0x20c: {  	v15 =	vmul.f32 v42, v15;
	[tilespmem:s12+$0x0] =	vst v29;
	s12 =	sor.u32 s14, s20;
	v5 =	vmul.f32 v25, v49  }
0x20d: {  	v12 =	vmul.f32 v42, v14;
	[tilespmem:s12+$0x0] =	vst v16;
	s12 =	sor.u32 s14, s28  }
0x20e: {  	v51 =	vmul.f32 v39, v55;
	[tilespmem:s12+$0x0] =	vst v15;
	s12 =	sor.u32 s14, s26;
	v5 =	vsub.f32 $1.500000000e+00, v5  }
0x20f: {  	v52 =	vmul.f32 v39, v53;
	[tilespmem:s12+$0x0] =	vst v12;
	s12 =	sor.u32 s14, s2  }
0x210: {  	v53 =	vmul.f32 v39, v54;
	[tilespmem:s12+$0x0] =	vst v51;
	s12 =	sor.u32 s14, s8;
	v5 =	vmul.f32 v25, v5  }
0x211: {  	[tilespmem:s12+$0x0] =	vst v52;
	s12 =	sor.u32 s14, s21  }
0x212: {  	v54 =	vpop (erf);
	s14 =	sor.u32 s22, s3;
	[tilespmem:s12+$0x0] =	vst v53;
	v5 =	vmul.f32 v5, v27  }
0x213: {  	v55 =	vpop (erf);
	s3 =	sor.u32 s31, s3;
	[tilespmem:s14+$0x0] =	vst v60  }
0x214: {  	(erf) = vrcp.f32 v28;
	s12 =	sor.u32 s22, s0;
	v56 =	vpop (erf);
	[tilespmem:s3+$0x0] =	vst v7;
	v5 =	vadd.f32 v5, v36  }
0x215: {  	(erf) = vrcp.f32 v26;
	s14 =	sor.u32 s22, s15;
	[tilespmem:s12+$0x0] =	vst v62;
	v57 =	vmul.f32 v56, v30  }
0x216: {  	v58 =	vmul.f32 v56, v22;
	s12 =	sor.u32 s22, s16;
	[tilespmem:s14+$0x0] =	vst v61;
	(erf) = vrcp.f32 v5  }
0x217: {  	v15 =	vmul.f32 v56, v31;
	s14 =	sor.u32 s22, s17;
	[tilespmem:s12+$0x0] =	vst v57  }
0x218: {  	v59 =	vmul.f32 v55, v20;
	s12 =	sor.u32 s22, s18;
	[tilespmem:s14+$0x0] =	vst v58  }
0x219: {  	v60 =	vmul.f32 v55, v19;
	s14 =	sor.u32 s22, s20;
	[tilespmem:s12+$0x0] =	vst v15  }
0x21a: {  	v2 =	vmul.f32 v54, v2;
	v14 =	vmul.f32 v55, v18;
	s12 =	sor.u32 s22, s28;
	[tilespmem:s14+$0x0] =	vst v59  }
0x21b: {  	v61 =	vmul.f32 v54, v63;
	s14 =	sor.u32 s22, s26;
	[tilespmem:s12+$0x0] =	vst v60  }
0x21c: {  	s12 =	sor.u32 s22, s2;
	[tilespmem:s14+$0x0] =	vst v14  }
0x21d: {  	v62 =	vpop (erf);
	s14 =	sor.u32 s22, s8;
	[tilespmem:s12+$0x0] =	vst v61  }
0x21e: {  	v4 =	vmul.f32 v54, v4;
	s0 =	sor.u32 s31, s0;
	[tilespmem:s14+$0x0] =	vst v2;
	v2 =	vpop (erf)  }
0x21f: {  	[tilespmem:s0+$0x0] =	vst v6;
	s12 =	sor.u32 s22, s21;
	v63 =	vpop (erf)  }
0x220: {  	s14 =	sor.u32 s31, s15;
	[tilespmem:s12+$0x0] =	vst v4;
	v1 =	vmul.f32 v63, v1  }
0x221: {  	s15 =	sor.u32 s31, s16;
	[tilespmem:s14+$0x0] =	vst v8;
	v3 =	vmul.f32 v63, v3  }
0x222: {  	s16 =	sor.u32 s31, s17;
	v4 =	vmul.f32 v63, v13;
	[tilespmem:s15+$0x0] =	vst v1  }
0x223: {  	s17 =	sor.u32 s31, s18;
	v1 =	vmul.f32 v2, v23;
	[tilespmem:s16+$0x0] =	vst v3  }
0x224: {  	s29 =	sadd.s32 $0x4, s29;
	s18 =	sor.u32 s31, s20;
	v3 =	vmul.f32 v2, v21;
	[tilespmem:s17+$0x0] =	vst v4  }
0x225: {  	p0 =	slt.u32 s29, $0x1C;
	s20 =	sor.u32 s31, s28;
	v2 =	vmul.f32 v2, v24;
	[tilespmem:s18+$0x0] =	vst v1  }
.Ltmp1:
0x226: {  	s22 =	sor.u32 s31, s26;
	v1 =	vmul.f32 v62, v11;
	[tilespmem:s20+$0x0] =	vst v3;
	(pc) =	sbr.rel @p0 .LBB2_5-.Ltmp1, $4  }
0x227: {  	s26 =	sor.u32 s31, s2;
	v3 =	vmul.f32 v62, v9;
	[tilespmem:s22+$0x0] =	vst v2  }
0x228: {  	s28 =	sor.u32 s31, s8;
	v2 =	vmul.f32 v62, v10;
	[tilespmem:s26+$0x0] =	vst v1  }
0x229: {  	s31 =	sor.u32 s31, s21;
	[tilespmem:s28+$0x0] =	vst v3  }
0x22a: {  	s1 =	sadd.s32 $0x40, s1;
	s13 =	sadd.s32 $0x100, s13;
	[tilespmem:s31+$0x0] =	vst v2  }
0x22b: {  	s0 =	sshll.u32 s25, $0x4  }
0x22c: {  	s0 =	sadd.s32 s9, s0  }
0x22d: {  	s1 =	sadd.s32 s6, s0  }
0x22e: {  	s2 =	simm.s32 $0x1A800;
	s24 =	sadd.s32 $0x1, s24;
	s1 =	sshll.u32 s1, $0x4  }
0x22f: {  	p0 =	sne.s32 s24, $0x10;
	s28 =	sadd.s32 s10, s0;
	s1 =	sadd.s32 s4, s1  }
0x230: {  	[hbm4b:s1+s5] =	stream.linear.scatter [tilespmem:s2], [sflag:$0x3], $0x800, $0x38;
	[tilespmem:$0x1C500] =	vst v63  }
.Ltmp2:
0x231: {  	s0 =	sadd.s32 s11, s0;
	s1 =	sshll.u32 s28, $0x4;
	(pc) =	sbr.rel @p0 .LBB2_2-.Ltmp2, $4  }
0x232: {  	s29 =	simm.s32 $0x1B000;
	s0 =	sshll.u32 s0, $0x4;
	s1 =	sadd.s32 s4, s1  }
0x233: {  	[hbm4b:s1+s5] =	stream.linear.scatter [tilespmem:s29], [sflag:$0x3], $0x800, $0x38;
	[tilespmem:$0x1C500] =	vst v63  }
0x234: {  	s31 =	simm.s32 $0x1B800;
	s0 =	sadd.s32 s4, s0  }
0x235: {  	[hbm4b:s0+s5] =	stream.linear.scatter [tilespmem:s31], [sflag:$0x3], $0x800, $0x38;
	[tilespmem:$0x1C500] =	vst v63  }
0x236: {  	s1 =	simm.s32 $0x3  }
0x237: {  	_ =	swait.ge [sflag:s1], $0x800  }
0x238: {  	[sflag:s1] =	ssyncset.done $0x0  }
0x239: {  	[sflag:s1] =	ssyncadd.s32 $0xFFFFF800  }
0x23a: {  	_ =	swait.ge [sflag:s1], $0x800  }
0x23b: {  	[sflag:s1] =	ssyncset.done $0x0  }
0x23c: {  	[sflag:s1] =	ssyncadd.s32 $0xFFFFF800  }
0x23d: {  	_ =	swait.ge [sflag:s1], $0x800  }
0x23e: {  	[sflag:s1] =	ssyncset.done $0x0  }
0x23f: {  	[sflag:s1] =	ssyncadd.s32 $0xFFFFF800  }
0x240: {  	_ =	swait.ge [sflag:s1], $0x800  }
0x241: {  	[sflag:s1] =	ssyncset.done $0x0  }
0x242: {  	[sflag:s1] =	ssyncadd.s32 $0xFFFFF800  }
0x243: {  	_ =	swait.ge [sflag:s1], $0x800  }
0x244: {  	[sflag:s1] =	ssyncset.done $0x0  }
0x245: {  	[sflag:s1] =	ssyncadd.s32 $0xFFFFF800  }
0x246: {  	_ =	swait.ge [sflag:s1], $0x800  }
0x247: {  	s2 =	rddreg [dreg:$0x7]  }
0x248: {  	s0 =	rddreg [dreg:$0x6];
	s2 =	sadd.s32 $0x1, s2  }
0x249: {  	p0 =	sne.s32 s2, s0  }
.Ltmp3:
0x24a: {  	_ = 	snop;
	(pc) =	sbr.rel @p0 .LBB2_1-.Ltmp3, $3  }
0x24b: {  	_ =	sdelay $0x1  }
0x24c: {  	[sflag:s1] =	ssyncset.done $0x0  }
0x24d: {  	[sflag:s1] =	ssyncadd.s32 $0xFFFFF800  }
0x24e: {  	_ =	sfence.sel $0x180000  }
0x24f: {  	[bflag:$0x0] =	sbarrier.arrive $0xFFFF  }
0x250: {  	_ =	strace $0x90000047  }
0x251: {  	s0 =	stileid.u32;
	[bflag:$0x2] =	sbarrier.arrive $0xFFFF  }
0x252: {  	p0 =	sne.s32 s0, $0x0;
	s0 =	rddreg [dreg:$0x3]  }
0x253: {  	s0 =	sadd.s32 @!p0 $0x100000, s0  }
0x254: {  	[sflag:s0] =	ssyncadd.tile.s32 @!p0 $0x1;
	_ =	shalt  }
.Lfunc_end2:
_tile_overlayer_lowered:
.L_overlay_start_2:
0x255: {  	(tag) =	ssettag $0x2  }
0x256: {  	s0 =	rddreg [dreg:$0x0];
	s2 =	stileid.u32  }
0x257: {  	s1 =	rddreg [dreg:$0x1];
	p0 =	sne.s32 s2, $0x0  }
0x258: {  	s3 =	rddreg [dreg:$0x2];
	[bflag:$0x3] =	sbarrier.arrive $0xFFFF;
	s2 =	simm.s32 @!p0 $0x1C04  }
0x259: {  	[timem:s3], [sflag:s2] =	dma.local @!p0 [hbm:s0], s1  }
0x25a: {  	s0 =	simm.s32 @!p0 $0x4  }
0x25b: {  	_ =	swait.ge @!p0 [sflag:s0], s1  }
0x25c: {  	s1 =	ssub.s32 @!p0 $0x0, s1;
	[sflag:s0] =	ssyncset.done @!p0 $0x0  }
0x25d: {  	[sflag:s0] =	ssyncadd.s32 @!p0 s1  }
0x25e: {  	[bflag:$0x3] =	sbarrier.arrive $0xFFFF  }
0x25f: {  	_ =	shalt  }

</sc_bundles>
